<compile_context>
chip_gen: v7x
topology: tpu7x:2x2x1
jax: 0.10.2.dev20260603
libtpu: 0.0.44.dev20260713+nightly
codegen_flags: <defaults>
</compile_context>

<pallas_src>
import functools

import jax
import jax.numpy as jnp
from jax import lax
from jax.experimental import pallas as pl
from jax.experimental.pallas import tpu as pltpu
from jax.experimental.pallas import tpu_sc as plsc

N = 10000
E = 320000
D = 128

B = 128
NC = 2
NS = 16
NW = NC * NS
NB = 2560
PB = NB // NW
NPAD = 10240
RPT = NPAD // NS
ZB = RPT // 8

KD = 16
KS = 2
PBH = PB // 2

BLK = 400

_sc_mesh = plsc.VectorSubcoreMesh(core_axis_name="c", subcore_axis_name="s")


@functools.partial(
    pl.kernel,
    out_type=jax.ShapeDtypeStruct((NC, NPAD, D), jnp.float32),
    mesh=_sc_mesh,
    scratch_types=[
        pltpu.VMEM((PB, B), jnp.int32),
        pltpu.VMEM((B, D), jnp.float32),
        pltpu.VMEM((ZB, D), jnp.float32),
        pltpu.VMEM_SHARED((NPAD, D), jnp.float32),
        pltpu.SemaphoreType.DMA,
    ],
)
def _deg_kernel(dst_hbm, out_hbm, idx_v, ones_v, z_v, hist, dsem):
    c = lax.axis_index("c")
    s = lax.axis_index("s")
    w = c * NS + s
    onerow = jnp.ones((16,), jnp.float32)
    zrow = jnp.zeros((16,), jnp.float32)

    ld = pltpu.async_copy(dst_hbm.at[pl.ds(w * PB, PB)], idx_v, dsem)

    def initb(t, _):
        ones_v[t // 8, pl.ds(16 * (t % 8), 16)] = onerow
        return 0
    lax.fori_loop(0, B * 8, initb, 0)

    def initz(t, _):
        z_v[t // 8, pl.ds(16 * (t % 8), 16)] = zrow
        return 0
    lax.fori_loop(0, ZB * 8, initz, 0)

    def zcopy(k, _):
        pltpu.sync_copy(z_v, hist.at[pl.ds(s * RPT + k * ZB, ZB)])
        return 0
    lax.fori_loop(0, 8, zcopy, 0)
    ld.wait()
    plsc.subcore_barrier()

    def body(m, _):
        descs = [pltpu.async_copy(ones_v, hist.at[idx_v.at[m * KD + t]],
                                  dsem, add=True)
                 for t in range(KD)]
        for dsc in descs:
            dsc.wait()
        return 0
    lax.fori_loop(0, PB // KD, body, 0)
    plsc.subcore_barrier()

    pltpu.sync_copy(hist.at[pl.ds(s * RPT, RPT)],
                    out_hbm.at[c, pl.ds(s * RPT, RPT)])


@functools.partial(
    pl.kernel,
    out_type=jax.ShapeDtypeStruct((NC, NPAD, D), jnp.float32),
    mesh=_sc_mesh,
    scratch_types=[
        pltpu.VMEM((PBH, B), jnp.int32),
        pltpu.VMEM((PBH, B), jnp.int32),
        pltpu.VMEM((KS, B, D), jnp.float32),
        pltpu.VMEM_SHARED((NPAD, D), jnp.float32),
        pltpu.SemaphoreType.DMA,
        pltpu.SemaphoreType.DMA,
    ],
)
def _scatter_kernel(hp_hbm, src_hbm, dst_hbm, out_hbm,
                    src_v, dst_v, rows, acc, gsem, ssem):
    c = lax.axis_index("c")
    s = lax.axis_index("s")
    w = c * NS + s
    zrow = jnp.zeros((16,), jnp.float32)

    def initz(t, _):
        rows[0, t // 8, pl.ds(16 * (t % 8), 16)] = zrow
        return 0
    lax.fori_loop(0, B * 8, initz, 0)

    def zcopy(k, _):
        pltpu.sync_copy(rows.at[0], acc.at[pl.ds(s * RPT + k * B, B)])
        return 0
    lax.fori_loop(0, RPT // B, zcopy, 0)

    for h in range(2):
        pltpu.sync_copy(src_hbm.at[pl.ds(w * PB + h * PBH, PBH)], src_v)
        pltpu.sync_copy(dst_hbm.at[pl.ds(w * PB + h * PBH, PBH)], dst_v)

        pltpu.async_copy(hp_hbm.at[src_v.at[0]], rows.at[0], gsem)
        pltpu.async_copy(hp_hbm.at[src_v.at[1]], rows.at[1], gsem)

        if h == 0:
            plsc.subcore_barrier()

        def body(m, _):
            p = m % 2
            pltpu.make_async_copy(hp_hbm.at[src_v.at[m]], rows.at[p],
                                  gsem).wait()
            pltpu.async_copy(rows.at[p], acc.at[dst_v.at[m]], ssem, add=True)
            pltpu.make_async_copy(rows.at[p], acc.at[dst_v.at[m]],
                                  ssem).wait()
            pltpu.async_copy(hp_hbm.at[src_v.at[m + 2]], rows.at[p], gsem)
            return 0
        lax.fori_loop(0, PBH - 2, body, 0)

        def tail(m, _):
            p = m % 2
            pltpu.make_async_copy(hp_hbm.at[src_v.at[m]], rows.at[p],
                                  gsem).wait()
            pltpu.sync_copy(rows.at[p], acc.at[dst_v.at[m]], add=True)
            return 0
        lax.fori_loop(PBH - 2, PBH, tail, 0)
    plsc.subcore_barrier()

    pltpu.sync_copy(acc.at[pl.ds(s * RPT, RPT)],
                    out_hbm.at[c, pl.ds(s * RPT, RPT)])


def _row_spec(last):
    return pl.BlockSpec((BLK, last), lambda i: (i, 0))


def _full_spec(rows, cols):
    return pl.BlockSpec((rows, cols), lambda i: (0, 0))


def _tc0_body(x_ref, w1_ref, b1_ref, wc1_ref, g_ref):
    h0 = jnp.dot(x_ref[...], w1_ref[...], preferred_element_type=jnp.float32)
    h0 = jnp.maximum(h0 + b1_ref[...], 0.0)
    g_ref[...] = jnp.dot(h0, wc1_ref[...], preferred_element_type=jnp.float32)


_tc0 = pl.pallas_call(
    _tc0_body,
    grid=(N // BLK,),
    in_specs=[_row_spec(D), _full_spec(D, D), _full_spec(1, D),
              _full_spec(D, D)],
    out_specs=[_row_spec(D)],
    out_shape=[jax.ShapeDtypeStruct((N, D), jnp.float32)],
)


def _tc1_body(g_ref, dga_ref, dgb_ref, hp_ref, dis_ref):
    deg = dga_ref[...][:, :1] + dgb_ref[...][:, :1] + 1.0
    dis = lax.rsqrt(deg)
    hp_ref[...] = g_ref[...] * dis
    dis_ref[...] = jnp.broadcast_to(dis, (BLK, 16))


_tc1 = pl.pallas_call(
    _tc1_body,
    grid=(N // BLK,),
    in_specs=[_row_spec(D), _row_spec(D), _row_spec(D)],
    out_specs=[_row_spec(D), _row_spec(16)],
    out_shape=[jax.ShapeDtypeStruct((N, D), jnp.float32),
               jax.ShapeDtypeStruct((N, 16), jnp.float32)],
)


def _tc2_body(aa_ref, ab_ref, hp_ref, dis_ref, bc_ref, wc_ref, out_ref):
    dis = dis_ref[...][:, :1]
    h = dis * (aa_ref[...] + ab_ref[...] + hp_ref[...]) + bc_ref[...]
    out_ref[...] = jnp.dot(h, wc_ref[...],
                           preferred_element_type=jnp.float32) * dis


_tc2 = pl.pallas_call(
    _tc2_body,
    grid=(N // BLK,),
    in_specs=[_row_spec(D), _row_spec(D), _row_spec(D), _row_spec(16),
              _full_spec(1, D), _full_spec(D, D)],
    out_specs=[_row_spec(D)],
    out_shape=[jax.ShapeDtypeStruct((N, D), jnp.float32)],
)


def _tc3_body(aa_ref, ab_ref, hp_ref, dis_ref, bc_ref, w2_ref, b2_ref,
              out_ref):
    dis = dis_ref[...][:, :1]
    h = dis * (aa_ref[...] + ab_ref[...] + hp_ref[...]) + bc_ref[...]
    out_ref[...] = jnp.dot(h, w2_ref[...],
                           preferred_element_type=jnp.float32) + b2_ref[...]


_tc3 = pl.pallas_call(
    _tc3_body,
    grid=(N // BLK,),
    in_specs=[_row_spec(D), _row_spec(D), _row_spec(D), _row_spec(16),
              _full_spec(1, D), _full_spec(D, D), _full_spec(1, D)],
    out_specs=[_row_spec(D)],
    out_shape=[jax.ShapeDtypeStruct((N, D), jnp.float32)],
)


def kernel(x, edge_index, W1, b1, Wc1, bc1, Wc2, bc2, W2, b2):
    pad = NB * B - E
    filler = jnp.arange(pad, dtype=jnp.int32)
    src_flat = jnp.concatenate(
        [edge_index[0].astype(jnp.int32), filler % N])
    dst_flat = jnp.concatenate(
        [edge_index[1].astype(jnp.int32), N + filler % (NPAD - N)])
    src2d = src_flat.reshape(NB, B)
    dst2d = dst_flat.reshape(NB, B)

    deg2 = _deg_kernel(dst2d)
    (g1,) = _tc0(x, W1, b1.reshape(1, D), Wc1)
    hp1, dis = _tc1(g1, deg2[0], deg2[1])
    acc1 = _scatter_kernel(hp1, src2d, dst2d)
    (hp2,) = _tc2(acc1[0], acc1[1], hp1, dis, bc1.reshape(1, D), Wc2)
    acc2 = _scatter_kernel(hp2, src2d, dst2d)
    (out,) = _tc3(acc2[0], acc2[1], hp2, dis, bc2.reshape(1, D), W2,
                  b2.reshape(1, D))
    return out

# --- scband reference (transcript-rebuilt; emitter-appended) ---
"""Pipeline reference for scband-gnn-57286273794622 (READ-ONLY COPY).

The authoritative reference and input builder live on the scoring server;
editing this copy changes nothing except your own understanding.
"""

import jax, jax.numpy as jnp
import numpy as np

N = 10000
E = 320000
D_IN = 128
D_H = 128
D_OUT = 128


def setup_inputs(seed: int = 0) -> dict:
    key = jax.random.key(seed)
    ks = jax.random.split(key, 12)
    x = jax.random.normal(ks[0], (N, D_IN), dtype=jnp.float32)
    edge_index = jax.random.randint(ks[1], (2, E), 0, N)
    W1 = jax.random.normal(ks[2], (D_IN, D_H), dtype=jnp.float32) * 0.05
    b1 = jnp.zeros((D_H,), dtype=jnp.float32)
    Wc1 = jax.random.normal(ks[3], (D_H, D_H), dtype=jnp.float32) * 0.05
    bc1 = jnp.zeros((D_H,), dtype=jnp.float32)
    Wc2 = jax.random.normal(ks[4], (D_H, D_H), dtype=jnp.float32) * 0.05
    bc2 = jnp.zeros((D_H,), dtype=jnp.float32)
    W2 = jax.random.normal(ks[5], (D_H, D_OUT), dtype=jnp.float32) * 0.05
    b2 = jnp.zeros((D_OUT,), dtype=jnp.float32)
    return {"x": x, "edge_index": edge_index, "W1": W1, "b1": b1,
            "Wc1": Wc1, "bc1": bc1, "Wc2": Wc2, "bc2": bc2,
            "W2": W2, "b2": b2}


def gcn_conv(h, edge_index, W, b):
    # PyG GCNConv: h' = D^{-1/2} (A + I) D^{-1/2} (h W) + b
    h = h @ W
    src = edge_index[0]
    dst = edge_index[1]
    loop = jnp.arange(N, dtype=src.dtype)
    src = jnp.concatenate([src, loop])
    dst = jnp.concatenate([dst, loop])
    deg = jnp.zeros((N,), dtype=h.dtype).at[dst].add(1.0)
    dis = jnp.where(deg > 0, jax.lax.rsqrt(jnp.maximum(deg, 1e-12)), 0.0)
    norm = dis[src] * dis[dst]
    msg = h[src] * norm[:, None]
    out = jnp.zeros_like(h).at[dst].add(msg)
    return out + b


def reference(x, edge_index, W1, b1, Wc1, bc1, Wc2, bc2, W2, b2):
    h = jax.nn.relu(x @ W1 + b1)
    h = gcn_conv(h, edge_index, Wc1, bc1)
    h = gcn_conv(h, edge_index, Wc2, bc2)
    out = h @ W2 + b2
    return out

if __name__ == "__main__":
    import jax
    _d = setup_inputs()
    print(jax.jit(kernel)(*tuple(_d.values())))

</pallas_src>

<mosaic_0001>
#map = affine_map<(d0, d1) -> (0, 0)>
#map1 = affine_map<(d0, d1) -> (0, 0, 0)>
module attributes {stable_mosaic.version = 14 : i64} {
  func.func @_scatter_kernel(%arg0: i32, %arg1: i32, %arg2: memref<10000x128xf32, #tpu.memory_space<hbm>>, %arg3: memref<2560x128xi32, #tpu.memory_space<hbm>>, %arg4: memref<2560x128xi32, #tpu.memory_space<hbm>>, %arg5: memref<2x10240x128xf32, #tpu.memory_space<hbm>>, %arg6: memref<40x128xi32, #tpu.memory_space<vmem>>, %arg7: memref<40x128xi32, #tpu.memory_space<vmem>>, %arg8: memref<2x128x128xf32, #tpu.memory_space<vmem>>, %arg9: memref<10240x128xf32, #tpu.memory_space<vmem_shared>>, %arg10: memref<!tpu.dma_semaphore, #tpu.memory_space<semaphore_mem>>, %arg11: memref<!tpu.dma_semaphore, #tpu.memory_space<semaphore_mem>>) attributes {dimension_semantics = [#tpu.dimension_semantics<core_parallel>, #tpu.dimension_semantics<subcore_parallel>], iteration_bounds = array<i64: 2, 16>, scalar_prefetch = 0 : i64, scratch_operands = 6 : i64, tpu.core_type = #tpu.core_type<sc_vector_subcore>, window_params = [{transform_indices = #map}, {transform_indices = #map}, {transform_indices = #map}, {transform_indices = #map1}]} {
    %mul3A = arith.constant 16 : i32
    %mul3A_0 = arith.muli %arg0, %mul3A : i32
    %add3A = arith.addi %mul3A_0, %arg1 : i32
    %broadcast_in_dim3A = arith.constant 0.000000e+00 : f32
    %broadcast_in_dim3A_1 = vector.broadcast %broadcast_in_dim3A : f32 to vector<16xf32>
    %scan3A = arith.constant 0 : i32
    %scan3A_2 = arith.constant 0 : i32
    %scan3A_3 = arith.constant 1024 : i32
    %scan3A_4 = arith.addi %scan3A_2, %scan3A_3 : i32
    %scan3A_5 = arith.constant 1 : i32
    %scan3A_6 = scf.for %scan3A_111 = %scan3A_2 to %scan3A_4 step %scan3A_5 iter_args(%scan3A_112 = %scan3A) -> (i32)  : i32 {
      %jit3A = arith.constant 8 : i32
      %div3A = arith.divsi %scan3A_111, %jit3A : i32
      %sign3A = arith.constant 0 : i32
      %sign3A_113 = arith.cmpi sgt, %scan3A_111, %sign3A : i32
      %sign3A_114 = arith.extui %sign3A_113 : i1 to i32
      %sign3A_115 = arith.constant 0 : i32
      %sign3A_116 = arith.cmpi slt, %scan3A_111, %sign3A_115 : i32
      %sign3A_117 = arith.extui %sign3A_116 : i1 to i32
      %sign3A_118 = arith.subi %sign3A_114, %sign3A_117 : i32
      %sign3A_119 = arith.constant 0 : i32
      %sign3A_120 = arith.cmpi sgt, %jit3A, %sign3A_119 : i32
      %sign3A_121 = arith.extui %sign3A_120 : i1 to i32
      %sign3A_122 = arith.constant 0 : i32
      %sign3A_123 = arith.cmpi slt, %jit3A, %sign3A_122 : i32
      %sign3A_124 = arith.extui %sign3A_123 : i1 to i32
      %sign3A_125 = arith.subi %sign3A_121, %sign3A_124 : i32
      %ne3A = arith.cmpi ne, %sign3A_118, %sign3A_125 : i32
      %rem3A = arith.remsi %scan3A_111, %jit3A : i32
      %ne3A_126 = arith.constant 0 : i32
      %ne3A_127 = arith.cmpi ne, %rem3A, %ne3A_126 : i32
      %and3A = arith.andi %ne3A, %ne3A_127 : i1
      %sub3A = arith.constant 1 : i32
      %sub3A_128 = arith.subi %div3A, %sub3A : i32
      %select_n3A = arith.select %and3A, %sub3A_128, %div3A : i32
      %jit3A_129 = arith.constant 8 : i32
      %eq3A = arith.constant 0 : i32
      %eq3A_130 = arith.cmpi eq, %jit3A_129, %eq3A : i32
      %jit3A_131 = arith.constant 1 : i32
      %select_n3A_132 = arith.select %eq3A_130, %jit3A_131, %jit3A_129 : i32
      %rem3A_133 = arith.remsi %scan3A_111, %select_n3A_132 : i32
      %ne3A_134 = arith.constant 0 : i32
      %ne3A_135 = arith.cmpi ne, %rem3A_133, %ne3A_134 : i32
      %lt3A = arith.constant 0 : i32
      %lt3A_136 = arith.cmpi slt, %rem3A_133, %lt3A : i32
      %lt3A_137 = arith.constant 0 : i32
      %lt3A_138 = arith.cmpi slt, %select_n3A_132, %lt3A_137 : i32
      %ne3A_139 = arith.xori %lt3A_136, %lt3A_138 : i1
      %and3A_140 = arith.andi %ne3A_139, %ne3A_135 : i1
      %add3A_141 = arith.addi %rem3A_133, %select_n3A_132 : i32
      %select_n3A_142 = arith.select %and3A_140, %add3A_141, %rem3A_133 : i32
      %mul3A_143 = arith.constant 16 : i32
      %mul3A_144 = arith.muli %mul3A_143, %select_n3A_142 : i32
      %swap3A = arith.constant 0 : i32
      %swap3A_145 = arith.index_cast %swap3A : i32 to index
      %swap3A_146 = arith.index_cast %select_n3A : i32 to index
      %swap3A_147 = arith.index_cast %mul3A_144 : i32 to index
      %swap3A_148 = tpu.vector_load %arg8[%swap3A_145, %swap3A_146, %swap3A_147] {strides = array<i32>} : memref<2x128x128xf32, #tpu.memory_space<vmem>>, vector<1x1x16xf32>,
      %swap3A_149 = vector.shape_cast %swap3A_148 : vector<1x1x16xf32> to vector<16xf32>
      %swap3A_150 = vector.shape_cast %broadcast_in_dim3A_1 : vector<16xf32> to vector<1x1x16xf32>
      tpu.vector_store %arg8[%swap3A_145, %swap3A_146, %swap3A_147], %swap3A_150 {strides = array<i32>} : memref<2x128x128xf32, #tpu.memory_space<vmem>>, vector<1x1x16xf32>,
      %scan3A_151 = arith.constant 0 : i32
      scf.yield %scan3A_151 : i32
    }
    %scan3A_7 = arith.constant 1024 : i32
    %scan3A_8 = arith.constant 0 : i32
    %scan3A_9 = arith.constant 0 : i32
    %scan3A_10 = arith.constant 5 : i32
    %scan3A_11 = arith.addi %scan3A_9, %scan3A_10 : i32
    %scan3A_12 = arith.constant 1 : i32
    %scan3A_13 = scf.for %scan3A_111 = %scan3A_9 to %scan3A_11 step %scan3A_12 iter_args(%scan3A_112 = %scan3A_8) -> (i32)  : i32 {
      %mul3A_113 = arith.constant 640 : i32
      %mul3A_114 = arith.muli %arg1, %mul3A_113 : i32
      %mul3A_115 = arith.constant 128 : i32
      %mul3A_116 = arith.muli %scan3A_111, %mul3A_115 : i32
      %add3A_117 = arith.addi %mul3A_114, %mul3A_116 : i32
      %run_scoped3A = arith.constant 0 : i32
      "tpu.region"() ({
        %run_scoped3A_119 = tpu.sem_alloc : memref<!tpu.dma_semaphore, #tpu.memory_space<semaphore_mem>>
        %dma_start3A_120 = arith.constant 0 : i32
        %dma_start3A_121 = arith.constant 0 : i32
        %dma_start3A_122 = tpu.memref_slice %arg8[%run_scoped3A, %dma_start3A_120, %dma_start3A_121] : memref<2x128x128xf32, #tpu.memory_space<vmem>> -> memref<1x128x128xf32, #tpu.memory_space<vmem>>
        %dma_start3A_123 = tpu.memref_squeeze %dma_start3A_122 : memref<1x128x128xf32, #tpu.memory_space<vmem>> -> memref<128x128xf32, #tpu.memory_space<vmem>>
        %dma_start3A_124 = arith.constant 0 : i32
        %dma_start3A_125 = tpu.memref_slice %arg9[%add3A_117, %dma_start3A_124] : memref<10240x128xf32, #tpu.memory_space<vmem_shared>> -> memref<128x128xf32, #tpu.memory_space<vmem_shared>>
        %dma_start3A_126 = arith.constant 0 : i32
        %dma_start3A_127 = tpu.memref_slice %arg9[%add3A_117, %dma_start3A_126] : memref<10240x128xf32, #tpu.memory_space<vmem_shared>> -> memref<128x128xf32, #tpu.memory_space<vmem_shared>>
        %dma_start3A_128 = arith.constant 0 : i32
        %dma_start3A_129 = arith.constant 0 : i32
        %dma_start3A_130 = tpu.memref_slice %arg8[%run_scoped3A, %dma_start3A_128, %dma_start3A_129] : memref<2x128x128xf32, #tpu.memory_space<vmem>> -> memref<1x128x128xf32, #tpu.memory_space<vmem>>
        %dma_start3A_131 = tpu.memref_squeeze %dma_start3A_130 : memref<1x128x128xf32, #tpu.memory_space<vmem>> -> memref<128x128xf32, #tpu.memory_space<vmem>>
        tpu.enqueue_dma source(%dma_start3A_131 : memref<128x128xf32, #tpu.memory_space<vmem>>) target(%dma_start3A_127 : memref<128x128xf32, #tpu.memory_space<vmem_shared>>) target_semaphore(%run_scoped3A_119 : memref<!tpu.dma_semaphore, #tpu.memory_space<semaphore_mem>>)
        %dma_wait3A = arith.constant 0 : i32
        %dma_wait3A_132 = arith.constant 0 : i32
        %dma_wait3A_133 = tpu.memref_slice %arg8[%run_scoped3A, %dma_wait3A, %dma_wait3A_132] : memref<2x128x128xf32, #tpu.memory_space<vmem>> -> memref<1x128x128xf32, #tpu.memory_space<vmem>>
        %dma_wait3A_134 = tpu.memref_squeeze %dma_wait3A_133 : memref<1x128x128xf32, #tpu.memory_space<vmem>> -> memref<128x128xf32, #tpu.memory_space<vmem>>
        %dma_wait3A_135 = arith.constant 0 : i32
        %dma_wait3A_136 = tpu.memref_slice %arg9[%add3A_117, %dma_wait3A_135] : memref<10240x128xf32, #tpu.memory_space<vmem_shared>> -> memref<128x128xf32, #tpu.memory_space<vmem_shared>>
        %dma_wait3A_137 = arith.constant 0 : i32
        %dma_wait3A_138 = tpu.memref_slice %arg9[%add3A_117, %dma_wait3A_137] : memref<10240x128xf32, #tpu.memory_space<vmem_shared>> -> memref<128x128xf32, #tpu.memory_space<vmem_shared>>
        %dma_wait3A_139 = arith.constant 0 : i32
        %dma_wait3A_140 = arith.constant 0 : i32
        %dma_wait3A_141 = tpu.memref_slice %arg8[%run_scoped3A, %dma_wait3A_139, %dma_wait3A_140] : memref<2x128x128xf32, #tpu.memory_space<vmem>> -> memref<1x128x128xf32, #tpu.memory_space<vmem>>
        %dma_wait3A_142 = tpu.memref_squeeze %dma_wait3A_141 : memref<1x128x128xf32, #tpu.memory_space<vmem>> -> memref<128x128xf32, #tpu.memory_space<vmem>>
        tpu.wait_dma2 semaphore(%run_scoped3A_119 : memref<!tpu.dma_semaphore, #tpu.memory_space<semaphore_mem>>) src(%dma_wait3A_142 : memref<128x128xf32, #tpu.memory_space<vmem>>) dst(%dma_wait3A_138 : memref<128x128xf32, #tpu.memory_space<vmem_shared>>)
        tpu.yield
      }) : () -> ()
      %scan3A_118 = arith.constant 0 : i32
      scf.yield %scan3A_118 : i32
    }
    %scan3A_14 = arith.constant 5 : i32
    %mul3A_15 = arith.constant 80 : i32
    %mul3A_16 = arith.muli %add3A, %mul3A_15 : i32
    %add3A_17 = arith.constant 0 : i32
    %add3A_18 = arith.addi %mul3A_16, %add3A_17 : i32
    "tpu.region"() ({
      %run_scoped3A = tpu.sem_alloc : memref<!tpu.dma_semaphore, #tpu.memory_space<semaphore_mem>>
      %dma_start3A_111 = arith.constant 0 : i32
      %dma_start3A_112 = tpu.memref_slice %arg3[%add3A_18, %dma_start3A_111] : memref<2560x128xi32, #tpu.memory_space<hbm>> -> memref<40x128xi32, #tpu.memory_space<hbm>>
      %dma_start3A_113 = arith.constant 0 : i32
      %dma_start3A_114 = tpu.memref_slice %arg3[%add3A_18, %dma_start3A_113] : memref<2560x128xi32, #tpu.memory_space<hbm>> -> memref<40x128xi32, #tpu.memory_space<hbm>>
      tpu.enqueue_dma source(%dma_start3A_114 : memref<40x128xi32, #tpu.memory_space<hbm>>) target(%arg6 : memref<40x128xi32, #tpu.memory_space<vmem>>) target_semaphore(%run_scoped3A : memref<!tpu.dma_semaphore, #tpu.memory_space<semaphore_mem>>)
      %dma_wait3A = arith.constant 0 : i32
      %dma_wait3A_115 = tpu.memref_slice %arg3[%add3A_18, %dma_wait3A] : memref<2560x128xi32, #tpu.memory_space<hbm>> -> memref<40x128xi32, #tpu.memory_space<hbm>>
      %dma_wait3A_116 = arith.constant 0 : i32
      %dma_wait3A_117 = tpu.memref_slice %arg3[%add3A_18, %dma_wait3A_116] : memref<2560x128xi32, #tpu.memory_space<hbm>> -> memref<40x128xi32, #tpu.memory_space<hbm>>
      tpu.wait_dma2 semaphore(%run_scoped3A : memref<!tpu.dma_semaphore, #tpu.memory_space<semaphore_mem>>) src(%dma_wait3A_117 : memref<40x128xi32, #tpu.memory_space<hbm>>) dst(%arg6 : memref<40x128xi32, #tpu.memory_space<vmem>>)
      tpu.yield
    }) : () -> ()
    %mul3A_19 = arith.constant 80 : i32
    %mul3A_20 = arith.muli %add3A, %mul3A_19 : i32
    %add3A_21 = arith.constant 0 : i32
    %add3A_22 = arith.addi %mul3A_20, %add3A_21 : i32
    "tpu.region"() ({
      %run_scoped3A = tpu.sem_alloc : memref<!tpu.dma_semaphore, #tpu.memory_space<semaphore_mem>>
      %dma_start3A_111 = arith.constant 0 : i32
      %dma_start3A_112 = tpu.memref_slice %arg4[%add3A_22, %dma_start3A_111] : memref<2560x128xi32, #tpu.memory_space<hbm>> -> memref<40x128xi32, #tpu.memory_space<hbm>>
      %dma_start3A_113 = arith.constant 0 : i32
      %dma_start3A_114 = tpu.memref_slice %arg4[%add3A_22, %dma_start3A_113] : memref<2560x128xi32, #tpu.memory_space<hbm>> -> memref<40x128xi32, #tpu.memory_space<hbm>>
      tpu.enqueue_dma source(%dma_start3A_114 : memref<40x128xi32, #tpu.memory_space<hbm>>) target(%arg7 : memref<40x128xi32, #tpu.memory_space<vmem>>) target_semaphore(%run_scoped3A : memref<!tpu.dma_semaphore, #tpu.memory_space<semaphore_mem>>)
      %dma_wait3A = arith.constant 0 : i32
      %dma_wait3A_115 = tpu.memref_slice %arg4[%add3A_22, %dma_wait3A] : memref<2560x128xi32, #tpu.memory_space<hbm>> -> memref<40x128xi32, #tpu.memory_space<hbm>>
      %dma_wait3A_116 = arith.constant 0 : i32
      %dma_wait3A_117 = tpu.memref_slice %arg4[%add3A_22, %dma_wait3A_116] : memref<2560x128xi32, #tpu.memory_space<hbm>> -> memref<40x128xi32, #tpu.memory_space<hbm>>
      tpu.wait_dma2 semaphore(%run_scoped3A : memref<!tpu.dma_semaphore, #tpu.memory_space<semaphore_mem>>) src(%dma_wait3A_117 : memref<40x128xi32, #tpu.memory_space<hbm>>) dst(%arg7 : memref<40x128xi32, #tpu.memory_space<vmem>>)
      tpu.yield
    }) : () -> ()
    %dma_start3A = arith.constant 0 : i32
    %dma_start3A_23 = arith.constant 0 : i32
    %dma_start3A_24 = arith.constant 0 : i32
    %dma_start3A_25 = arith.constant 0 : i32
    %dma_start3A_26 = tpu.memref_slice %arg8[%dma_start3A_23, %dma_start3A_24, %dma_start3A_25] : memref<2x128x128xf32, #tpu.memory_space<vmem>> -> memref<1x128x128xf32, #tpu.memory_space<vmem>>
    %dma_start3A_27 = tpu.memref_squeeze %dma_start3A_26 : memref<1x128x128xf32, #tpu.memory_space<vmem>> -> memref<128x128xf32, #tpu.memory_space<vmem>>
    %dma_start3A_28 = arith.constant 0 : i32
    %dma_start3A_29 = tpu.memref_slice %arg6[%dma_start3A, %dma_start3A_28] : memref<40x128xi32, #tpu.memory_space<vmem>> -> memref<1x128xi32, #tpu.memory_space<vmem>>
    %dma_start3A_30 = tpu.memref_squeeze %dma_start3A_29 : memref<1x128xi32, #tpu.memory_space<vmem>> -> memref<128xi32, #tpu.memory_space<vmem>>
    %dma_start3A_31 = arith.constant 0 : i32
    %dma_start3A_32 = arith.constant 0 : i32
    %dma_start3A_33 = tpu.memref_slice %arg2[%dma_start3A_31, %dma_start3A_32] : memref<10000x128xf32, #tpu.memory_space<hbm>> -> memref<10000x128xf32, #tpu.memory_space<hbm>>
    tpu.enqueue_indirect_dma source(%dma_start3A_33 : memref<10000x128xf32, #tpu.memory_space<hbm>>) target(%dma_start3A_27 : memref<128x128xf32, #tpu.memory_space<vmem>>) offsets(%dma_start3A_30 : memref<128xi32, #tpu.memory_space<vmem>>) semaphore(%arg10 : memref<!tpu.dma_semaphore, #tpu.memory_space<semaphore_mem>>)
    %dma_start3A_34 = arith.constant 1 : i32
    %dma_start3A_35 = arith.constant 1 : i32
    %dma_start3A_36 = arith.constant 0 : i32
    %dma_start3A_37 = arith.constant 0 : i32
    %dma_start3A_38 = tpu.memref_slice %arg8[%dma_start3A_35, %dma_start3A_36, %dma_start3A_37] : memref<2x128x128xf32, #tpu.memory_space<vmem>> -> memref<1x128x128xf32, #tpu.memory_space<vmem>>
    %dma_start3A_39 = tpu.memref_squeeze %dma_start3A_38 : memref<1x128x128xf32, #tpu.memory_space<vmem>> -> memref<128x128xf32, #tpu.memory_space<vmem>>
    %dma_start3A_40 = arith.constant 0 : i32
    %dma_start3A_41 = tpu.memref_slice %arg6[%dma_start3A_34, %dma_start3A_40] : memref<40x128xi32, #tpu.memory_space<vmem>> -> memref<1x128xi32, #tpu.memory_space<vmem>>
    %dma_start3A_42 = tpu.memref_squeeze %dma_start3A_41 : memref<1x128xi32, #tpu.memory_space<vmem>> -> memref<128xi32, #tpu.memory_space<vmem>>
    %dma_start3A_43 = arith.constant 0 : i32
    %dma_start3A_44 = arith.constant 0 : i32
    %dma_start3A_45 = tpu.memref_slice %arg2[%dma_start3A_43, %dma_start3A_44] : memref<10000x128xf32, #tpu.memory_space<hbm>> -> memref<10000x128xf32, #tpu.memory_space<hbm>>
    tpu.enqueue_indirect_dma source(%dma_start3A_45 : memref<10000x128xf32, #tpu.memory_space<hbm>>) target(%dma_start3A_39 : memref<128x128xf32, #tpu.memory_space<vmem>>) offsets(%dma_start3A_42 : memref<128xi32, #tpu.memory_space<vmem>>) semaphore(%arg10 : memref<!tpu.dma_semaphore, #tpu.memory_space<semaphore_mem>>)
    %barrier3A = arith.constant 0 : index
    tpu.barrier barrier_id(%barrier3A)
    %scan3A_46 = arith.constant 0 : i32
    %scan3A_47 = arith.constant 0 : i32
    %scan3A_48 = arith.constant 38 : i32
    %scan3A_49 = arith.addi %scan3A_47, %scan3A_48 : i32
    %scan3A_50 = arith.constant 1 : i32
    %scan3A_51 = scf.for %scan3A_111 = %scan3A_47 to %scan3A_49 step %scan3A_50 iter_args(%scan3A_112 = %scan3A_46) -> (i32)  : i32 {
      %jit3A = arith.constant 2 : i32
      %eq3A = arith.constant 0 : i32
      %eq3A_113 = arith.cmpi eq, %jit3A, %eq3A : i32
      %jit3A_114 = arith.constant 1 : i32
      %select_n3A = arith.select %eq3A_113, %jit3A_114, %jit3A : i32
      %rem3A = arith.remsi %scan3A_111, %select_n3A : i32
      %ne3A = arith.constant 0 : i32
      %ne3A_115 = arith.cmpi ne, %rem3A, %ne3A : i32
      %lt3A = arith.constant 0 : i32
      %lt3A_116 = arith.cmpi slt, %rem3A, %lt3A : i32
      %lt3A_117 = arith.constant 0 : i32
      %lt3A_118 = arith.cmpi slt, %select_n3A, %lt3A_117 : i32
      %ne3A_119 = arith.xori %lt3A_116, %lt3A_118 : i1
      %and3A = arith.andi %ne3A_119, %ne3A_115 : i1
      %add3A_120 = arith.addi %rem3A, %select_n3A : i32
      %select_n3A_121 = arith.select %and3A, %add3A_120, %rem3A : i32
      %dma_wait3A = arith.constant 0 : i32
      %dma_wait3A_122 = arith.constant 0 : i32
      %dma_wait3A_123 = tpu.memref_slice %arg8[%select_n3A_121, %dma_wait3A, %dma_wait3A_122] : memref<2x128x128xf32, #tpu.memory_space<vmem>> -> memref<1x128x128xf32, #tpu.memory_space<vmem>>
      %dma_wait3A_124 = tpu.memref_squeeze %dma_wait3A_123 : memref<1x128x128xf32, #tpu.memory_space<vmem>> -> memref<128x128xf32, #tpu.memory_space<vmem>>
      %dma_wait3A_125 = arith.constant 0 : i32
      %dma_wait3A_126 = tpu.memref_slice %arg6[%scan3A_111, %dma_wait3A_125] : memref<40x128xi32, #tpu.memory_space<vmem>> -> memref<1x128xi32, #tpu.memory_space<vmem>>
      %dma_wait3A_127 = tpu.memref_squeeze %dma_wait3A_126 : memref<1x128xi32, #tpu.memory_space<vmem>> -> memref<128xi32, #tpu.memory_space<vmem>>
      %dma_wait3A_128 = arith.constant 0 : i32
      %dma_wait3A_129 = arith.constant 0 : i32
      %dma_wait3A_130 = tpu.memref_slice %arg2[%dma_wait3A_128, %dma_wait3A_129] : memref<10000x128xf32, #tpu.memory_space<hbm>> -> memref<10000x128xf32, #tpu.memory_space<hbm>>
      tpu.wait_indirect_dma semaphore(%arg10 : memref<!tpu.dma_semaphore, #tpu.memory_space<semaphore_mem>>) src(%dma_wait3A_130 : memref<10000x128xf32, #tpu.memory_space<hbm>>) dst(%dma_wait3A_124 : memref<128x128xf32, #tpu.memory_space<vmem>>)
      %dma_start3A_131 = arith.constant 0 : i32
      %dma_start3A_132 = arith.constant 0 : i32
      %dma_start3A_133 = tpu.memref_slice %arg8[%select_n3A_121, %dma_start3A_131, %dma_start3A_132] : memref<2x128x128xf32, #tpu.memory_space<vmem>> -> memref<1x128x128xf32, #tpu.memory_space<vmem>>
      %dma_start3A_134 = tpu.memref_squeeze %dma_start3A_133 : memref<1x128x128xf32, #tpu.memory_space<vmem>> -> memref<128x128xf32, #tpu.memory_space<vmem>>
      %dma_start3A_135 = arith.constant 0 : i32
      %dma_start3A_136 = tpu.memref_slice %arg7[%scan3A_111, %dma_start3A_135] : memref<40x128xi32, #tpu.memory_space<vmem>> -> memref<1x128xi32, #tpu.memory_space<vmem>>
      %dma_start3A_137 = tpu.memref_squeeze %dma_start3A_136 : memref<1x128xi32, #tpu.memory_space<vmem>> -> memref<128xi32, #tpu.memory_space<vmem>>
      %dma_start3A_138 = arith.constant 0 : i32
      %dma_start3A_139 = arith.constant 0 : i32
      %dma_start3A_140 = tpu.memref_slice %arg9[%dma_start3A_138, %dma_start3A_139] : memref<10240x128xf32, #tpu.memory_space<vmem_shared>> -> memref<10240x128xf32, #tpu.memory_space<vmem_shared>>
      tpu.enqueue_indirect_dma source(%dma_start3A_134 : memref<128x128xf32, #tpu.memory_space<vmem>>) target(%dma_start3A_140 : memref<10240x128xf32, #tpu.memory_space<vmem_shared>>) offsets(%dma_start3A_137 : memref<128xi32, #tpu.memory_space<vmem>>) semaphore(%arg11 : memref<!tpu.dma_semaphore, #tpu.memory_space<semaphore_mem>>) {add = true}
      %dma_wait3A_141 = arith.constant 0 : i32
      %dma_wait3A_142 = arith.constant 0 : i32
      %dma_wait3A_143 = tpu.memref_slice %arg8[%select_n3A_121, %dma_wait3A_141, %dma_wait3A_142] : memref<2x128x128xf32, #tpu.memory_space<vmem>> -> memref<1x128x128xf32, #tpu.memory_space<vmem>>
      %dma_wait3A_144 = tpu.memref_squeeze %dma_wait3A_143 : memref<1x128x128xf32, #tpu.memory_space<vmem>> -> memref<128x128xf32, #tpu.memory_space<vmem>>
      %dma_wait3A_145 = arith.constant 0 : i32
      %dma_wait3A_146 = tpu.memref_slice %arg7[%scan3A_111, %dma_wait3A_145] : memref<40x128xi32, #tpu.memory_space<vmem>> -> memref<1x128xi32, #tpu.memory_space<vmem>>
      %dma_wait3A_147 = tpu.memref_squeeze %dma_wait3A_146 : memref<1x128xi32, #tpu.memory_space<vmem>> -> memref<128xi32, #tpu.memory_space<vmem>>
      %dma_wait3A_148 = arith.constant 0 : i32
      %dma_wait3A_149 = arith.constant 0 : i32
      %dma_wait3A_150 = tpu.memref_slice %arg9[%dma_wait3A_148, %dma_wait3A_149] : memref<10240x128xf32, #tpu.memory_space<vmem_shared>> -> memref<10240x128xf32, #tpu.memory_space<vmem_shared>>
      tpu.wait_indirect_dma semaphore(%arg11 : memref<!tpu.dma_semaphore, #tpu.memory_space<semaphore_mem>>) src(%dma_wait3A_144 : memref<128x128xf32, #tpu.memory_space<vmem>>) dst(%dma_wait3A_150 : memref<10240x128xf32, #tpu.memory_space<vmem_shared>>)
      %add3A_151 = arith.constant 2 : i32
      %add3A_152 = arith.addi %scan3A_111, %add3A_151 : i32
      %dma_start3A_153 = arith.constant 0 : i32
      %dma_start3A_154 = arith.constant 0 : i32
      %dma_start3A_155 = tpu.memref_slice %arg8[%select_n3A_121, %dma_start3A_153, %dma_start3A_154] : memref<2x128x128xf32, #tpu.memory_space<vmem>> -> memref<1x128x128xf32, #tpu.memory_space<vmem>>
      %dma_start3A_156 = tpu.memref_squeeze %dma_start3A_155 : memref<1x128x128xf32, #tpu.memory_space<vmem>> -> memref<128x128xf32, #tpu.memory_space<vmem>>
      %dma_start3A_157 = arith.constant 0 : i32
      %dma_start3A_158 = tpu.memref_slice %arg6[%add3A_152, %dma_start3A_157] : memref<40x128xi32, #tpu.memory_space<vmem>> -> memref<1x128xi32, #tpu.memory_space<vmem>>
      %dma_start3A_159 = tpu.memref_squeeze %dma_start3A_158 : memref<1x128xi32, #tpu.memory_space<vmem>> -> memref<128xi32, #tpu.memory_space<vmem>>
      %dma_start3A_160 = arith.constant 0 : i32
      %dma_start3A_161 = arith.constant 0 : i32
      %dma_start3A_162 = tpu.memref_slice %arg2[%dma_start3A_160, %dma_start3A_161] : memref<10000x128xf32, #tpu.memory_space<hbm>> -> memref<10000x128xf32, #tpu.memory_space<hbm>>
      tpu.enqueue_indirect_dma source(%dma_start3A_162 : memref<10000x128xf32, #tpu.memory_space<hbm>>) target(%dma_start3A_156 : memref<128x128xf32, #tpu.memory_space<vmem>>) offsets(%dma_start3A_159 : memref<128xi32, #tpu.memory_space<vmem>>) semaphore(%arg10 : memref<!tpu.dma_semaphore, #tpu.memory_space<semaphore_mem>>)
      %scan3A_163 = arith.constant 0 : i32
      scf.yield %scan3A_163 : i32
    }
    %scan3A_52 = arith.constant 38 : i32
    %scan3A_53 = arith.constant 0 : i32
    %scan3A_54 = arith.constant 38 : i32
    %scan3A_55 = arith.constant 2 : i32
    %scan3A_56 = arith.addi %scan3A_54, %scan3A_55 : i32
    %scan3A_57 = arith.constant 1 : i32
    %scan3A_58 = scf.for %scan3A_111 = %scan3A_54 to %scan3A_56 step %scan3A_57 iter_args(%scan3A_112 = %scan3A_53) -> (i32)  : i32 {
      %jit3A = arith.constant 2 : i32
      %eq3A = arith.constant 0 : i32
      %eq3A_113 = arith.cmpi eq, %jit3A, %eq3A : i32
      %jit3A_114 = arith.constant 1 : i32
      %select_n3A = arith.select %eq3A_113, %jit3A_114, %jit3A : i32
      %rem3A = arith.remsi %scan3A_111, %select_n3A : i32
      %ne3A = arith.constant 0 : i32
      %ne3A_115 = arith.cmpi ne, %rem3A, %ne3A : i32
      %lt3A = arith.constant 0 : i32
      %lt3A_116 = arith.cmpi slt, %rem3A, %lt3A : i32
      %lt3A_117 = arith.constant 0 : i32
      %lt3A_118 = arith.cmpi slt, %select_n3A, %lt3A_117 : i32
      %ne3A_119 = arith.xori %lt3A_116, %lt3A_118 : i1
      %and3A = arith.andi %ne3A_119, %ne3A_115 : i1
      %add3A_120 = arith.addi %rem3A, %select_n3A : i32
      %select_n3A_121 = arith.select %and3A, %add3A_120, %rem3A : i32
      %dma_wait3A = arith.constant 0 : i32
      %dma_wait3A_122 = arith.constant 0 : i32
      %dma_wait3A_123 = tpu.memref_slice %arg8[%select_n3A_121, %dma_wait3A, %dma_wait3A_122] : memref<2x128x128xf32, #tpu.memory_space<vmem>> -> memref<1x128x128xf32, #tpu.memory_space<vmem>>
      %dma_wait3A_124 = tpu.memref_squeeze %dma_wait3A_123 : memref<1x128x128xf32, #tpu.memory_space<vmem>> -> memref<128x128xf32, #tpu.memory_space<vmem>>
      %dma_wait3A_125 = arith.constant 0 : i32
      %dma_wait3A_126 = tpu.memref_slice %arg6[%scan3A_111, %dma_wait3A_125] : memref<40x128xi32, #tpu.memory_space<vmem>> -> memref<1x128xi32, #tpu.memory_space<vmem>>
      %dma_wait3A_127 = tpu.memref_squeeze %dma_wait3A_126 : memref<1x128xi32, #tpu.memory_space<vmem>> -> memref<128xi32, #tpu.memory_space<vmem>>
      %dma_wait3A_128 = arith.constant 0 : i32
      %dma_wait3A_129 = arith.constant 0 : i32
      %dma_wait3A_130 = tpu.memref_slice %arg2[%dma_wait3A_128, %dma_wait3A_129] : memref<10000x128xf32, #tpu.memory_space<hbm>> -> memref<10000x128xf32, #tpu.memory_space<hbm>>
      tpu.wait_indirect_dma semaphore(%arg10 : memref<!tpu.dma_semaphore, #tpu.memory_space<semaphore_mem>>) src(%dma_wait3A_130 : memref<10000x128xf32, #tpu.memory_space<hbm>>) dst(%dma_wait3A_124 : memref<128x128xf32, #tpu.memory_space<vmem>>)
      "tpu.region"() ({
        %run_scoped3A = tpu.sem_alloc : memref<!tpu.dma_semaphore, #tpu.memory_space<semaphore_mem>>
        %dma_start3A_132 = arith.constant 0 : i32
        %dma_start3A_133 = arith.constant 0 : i32
        %dma_start3A_134 = tpu.memref_slice %arg8[%select_n3A_121, %dma_start3A_132, %dma_start3A_133] : memref<2x128x128xf32, #tpu.memory_space<vmem>> -> memref<1x128x128xf32, #tpu.memory_space<vmem>>
        %dma_start3A_135 = tpu.memref_squeeze %dma_start3A_134 : memref<1x128x128xf32, #tpu.memory_space<vmem>> -> memref<128x128xf32, #tpu.memory_space<vmem>>
        %dma_start3A_136 = arith.constant 0 : i32
        %dma_start3A_137 = tpu.memref_slice %arg7[%scan3A_111, %dma_start3A_136] : memref<40x128xi32, #tpu.memory_space<vmem>> -> memref<1x128xi32, #tpu.memory_space<vmem>>
        %dma_start3A_138 = tpu.memref_squeeze %dma_start3A_137 : memref<1x128xi32, #tpu.memory_space<vmem>> -> memref<128xi32, #tpu.memory_space<vmem>>
        %dma_start3A_139 = arith.constant 0 : i32
        %dma_start3A_140 = arith.constant 0 : i32
        %dma_start3A_141 = tpu.memref_slice %arg9[%dma_start3A_139, %dma_start3A_140] : memref<10240x128xf32, #tpu.memory_space<vmem_shared>> -> memref<10240x128xf32, #tpu.memory_space<vmem_shared>>
        tpu.enqueue_indirect_dma source(%dma_start3A_135 : memref<128x128xf32, #tpu.memory_space<vmem>>) target(%dma_start3A_141 : memref<10240x128xf32, #tpu.memory_space<vmem_shared>>) offsets(%dma_start3A_138 : memref<128xi32, #tpu.memory_space<vmem>>) semaphore(%run_scoped3A : memref<!tpu.dma_semaphore, #tpu.memory_space<semaphore_mem>>) {add = true}
        %dma_wait3A_142 = arith.constant 0 : i32
        %dma_wait3A_143 = arith.constant 0 : i32
        %dma_wait3A_144 = tpu.memref_slice %arg8[%select_n3A_121, %dma_wait3A_142, %dma_wait3A_143] : memref<2x128x128xf32, #tpu.memory_space<vmem>> -> memref<1x128x128xf32, #tpu.memory_space<vmem>>
        %dma_wait3A_145 = tpu.memref_squeeze %dma_wait3A_144 : memref<1x128x128xf32, #tpu.memory_space<vmem>> -> memref<128x128xf32, #tpu.memory_space<vmem>>
        %dma_wait3A_146 = arith.constant 0 : i32
        %dma_wait3A_147 = tpu.memref_slice %arg7[%scan3A_111, %dma_wait3A_146] : memref<40x128xi32, #tpu.memory_space<vmem>> -> memref<1x128xi32, #tpu.memory_space<vmem>>
        %dma_wait3A_148 = tpu.memref_squeeze %dma_wait3A_147 : memref<1x128xi32, #tpu.memory_space<vmem>> -> memref<128xi32, #tpu.memory_space<vmem>>
        %dma_wait3A_149 = arith.constant 0 : i32
        %dma_wait3A_150 = arith.constant 0 : i32
        %dma_wait3A_151 = tpu.memref_slice %arg9[%dma_wait3A_149, %dma_wait3A_150] : memref<10240x128xf32, #tpu.memory_space<vmem_shared>> -> memref<10240x128xf32, #tpu.memory_space<vmem_shared>>
        tpu.wait_indirect_dma semaphore(%run_scoped3A : memref<!tpu.dma_semaphore, #tpu.memory_space<semaphore_mem>>) src(%dma_wait3A_145 : memref<128x128xf32, #tpu.memory_space<vmem>>) dst(%dma_wait3A_151 : memref<10240x128xf32, #tpu.memory_space<vmem_shared>>)
        tpu.yield
      }) : () -> ()
      %scan3A_131 = arith.constant 0 : i32
      scf.yield %scan3A_131 : i32
    }
    %scan3A_59 = arith.constant 2 : i32
    %mul3A_60 = arith.constant 80 : i32
    %mul3A_61 = arith.muli %add3A, %mul3A_60 : i32
    %add3A_62 = arith.constant 40 : i32
    %add3A_63 = arith.addi %mul3A_61, %add3A_62 : i32
    "tpu.region"() ({
      %run_scoped3A = tpu.sem_alloc : memref<!tpu.dma_semaphore, #tpu.memory_space<semaphore_mem>>
      %dma_start3A_111 = arith.constant 0 : i32
      %dma_start3A_112 = tpu.memref_slice %arg3[%add3A_63, %dma_start3A_111] : memref<2560x128xi32, #tpu.memory_space<hbm>> -> memref<40x128xi32, #tpu.memory_space<hbm>>
      %dma_start3A_113 = arith.constant 0 : i32
      %dma_start3A_114 = tpu.memref_slice %arg3[%add3A_63, %dma_start3A_113] : memref<2560x128xi32, #tpu.memory_space<hbm>> -> memref<40x128xi32, #tpu.memory_space<hbm>>
      tpu.enqueue_dma source(%dma_start3A_114 : memref<40x128xi32, #tpu.memory_space<hbm>>) target(%arg6 : memref<40x128xi32, #tpu.memory_space<vmem>>) target_semaphore(%run_scoped3A : memref<!tpu.dma_semaphore, #tpu.memory_space<semaphore_mem>>)
      %dma_wait3A = arith.constant 0 : i32
      %dma_wait3A_115 = tpu.memref_slice %arg3[%add3A_63, %dma_wait3A] : memref<2560x128xi32, #tpu.memory_space<hbm>> -> memref<40x128xi32, #tpu.memory_space<hbm>>
      %dma_wait3A_116 = arith.constant 0 : i32
      %dma_wait3A_117 = tpu.memref_slice %arg3[%add3A_63, %dma_wait3A_116] : memref<2560x128xi32, #tpu.memory_space<hbm>> -> memref<40x128xi32, #tpu.memory_space<hbm>>
      tpu.wait_dma2 semaphore(%run_scoped3A : memref<!tpu.dma_semaphore, #tpu.memory_space<semaphore_mem>>) src(%dma_wait3A_117 : memref<40x128xi32, #tpu.memory_space<hbm>>) dst(%arg6 : memref<40x128xi32, #tpu.memory_space<vmem>>)
      tpu.yield
    }) : () -> ()
    %mul3A_64 = arith.constant 80 : i32
    %mul3A_65 = arith.muli %add3A, %mul3A_64 : i32
    %add3A_66 = arith.constant 40 : i32
    %add3A_67 = arith.addi %mul3A_65, %add3A_66 : i32
    "tpu.region"() ({
      %run_scoped3A = tpu.sem_alloc : memref<!tpu.dma_semaphore, #tpu.memory_space<semaphore_mem>>
      %dma_start3A_111 = arith.constant 0 : i32
      %dma_start3A_112 = tpu.memref_slice %arg4[%add3A_67, %dma_start3A_111] : memref<2560x128xi32, #tpu.memory_space<hbm>> -> memref<40x128xi32, #tpu.memory_space<hbm>>
      %dma_start3A_113 = arith.constant 0 : i32
      %dma_start3A_114 = tpu.memref_slice %arg4[%add3A_67, %dma_start3A_113] : memref<2560x128xi32, #tpu.memory_space<hbm>> -> memref<40x128xi32, #tpu.memory_space<hbm>>
      tpu.enqueue_dma source(%dma_start3A_114 : memref<40x128xi32, #tpu.memory_space<hbm>>) target(%arg7 : memref<40x128xi32, #tpu.memory_space<vmem>>) target_semaphore(%run_scoped3A : memref<!tpu.dma_semaphore, #tpu.memory_space<semaphore_mem>>)
      %dma_wait3A = arith.constant 0 : i32
      %dma_wait3A_115 = tpu.memref_slice %arg4[%add3A_67, %dma_wait3A] : memref<2560x128xi32, #tpu.memory_space<hbm>> -> memref<40x128xi32, #tpu.memory_space<hbm>>
      %dma_wait3A_116 = arith.constant 0 : i32
      %dma_wait3A_117 = tpu.memref_slice %arg4[%add3A_67, %dma_wait3A_116] : memref<2560x128xi32, #tpu.memory_space<hbm>> -> memref<40x128xi32, #tpu.memory_space<hbm>>
      tpu.wait_dma2 semaphore(%run_scoped3A : memref<!tpu.dma_semaphore, #tpu.memory_space<semaphore_mem>>) src(%dma_wait3A_117 : memref<40x128xi32, #tpu.memory_space<hbm>>) dst(%arg7 : memref<40x128xi32, #tpu.memory_space<vmem>>)
      tpu.yield
    }) : () -> ()
    %dma_start3A_68 = arith.constant 0 : i32
    %dma_start3A_69 = arith.constant 0 : i32
    %dma_start3A_70 = arith.constant 0 : i32
    %dma_start3A_71 = arith.constant 0 : i32
    %dma_start3A_72 = tpu.memref_slice %arg8[%dma_start3A_69, %dma_start3A_70, %dma_start3A_71] : memref<2x128x128xf32, #tpu.memory_space<vmem>> -> memref<1x128x128xf32, #tpu.memory_space<vmem>>
    %dma_start3A_73 = tpu.memref_squeeze %dma_start3A_72 : memref<1x128x128xf32, #tpu.memory_space<vmem>> -> memref<128x128xf32, #tpu.memory_space<vmem>>
    %dma_start3A_74 = arith.constant 0 : i32
    %dma_start3A_75 = tpu.memref_slice %arg6[%dma_start3A_68, %dma_start3A_74] : memref<40x128xi32, #tpu.memory_space<vmem>> -> memref<1x128xi32, #tpu.memory_space<vmem>>
    %dma_start3A_76 = tpu.memref_squeeze %dma_start3A_75 : memref<1x128xi32, #tpu.memory_space<vmem>> -> memref<128xi32, #tpu.memory_space<vmem>>
    %dma_start3A_77 = arith.constant 0 : i32
    %dma_start3A_78 = arith.constant 0 : i32
    %dma_start3A_79 = tpu.memref_slice %arg2[%dma_start3A_77, %dma_start3A_78] : memref<10000x128xf32, #tpu.memory_space<hbm>> -> memref<10000x128xf32, #tpu.memory_space<hbm>>
    tpu.enqueue_indirect_dma source(%dma_start3A_79 : memref<10000x128xf32, #tpu.memory_space<hbm>>) target(%dma_start3A_73 : memref<128x128xf32, #tpu.memory_space<vmem>>) offsets(%dma_start3A_76 : memref<128xi32, #tpu.memory_space<vmem>>) semaphore(%arg10 : memref<!tpu.dma_semaphore, #tpu.memory_space<semaphore_mem>>)
    %dma_start3A_80 = arith.constant 1 : i32
    %dma_start3A_81 = arith.constant 1 : i32
    %dma_start3A_82 = arith.constant 0 : i32
    %dma_start3A_83 = arith.constant 0 : i32
    %dma_start3A_84 = tpu.memref_slice %arg8[%dma_start3A_81, %dma_start3A_82, %dma_start3A_83] : memref<2x128x128xf32, #tpu.memory_space<vmem>> -> memref<1x128x128xf32, #tpu.memory_space<vmem>>
    %dma_start3A_85 = tpu.memref_squeeze %dma_start3A_84 : memref<1x128x128xf32, #tpu.memory_space<vmem>> -> memref<128x128xf32, #tpu.memory_space<vmem>>
    %dma_start3A_86 = arith.constant 0 : i32
    %dma_start3A_87 = tpu.memref_slice %arg6[%dma_start3A_80, %dma_start3A_86] : memref<40x128xi32, #tpu.memory_space<vmem>> -> memref<1x128xi32, #tpu.memory_space<vmem>>
    %dma_start3A_88 = tpu.memref_squeeze %dma_start3A_87 : memref<1x128xi32, #tpu.memory_space<vmem>> -> memref<128xi32, #tpu.memory_space<vmem>>
    %dma_start3A_89 = arith.constant 0 : i32
    %dma_start3A_90 = arith.constant 0 : i32
    %dma_start3A_91 = tpu.memref_slice %arg2[%dma_start3A_89, %dma_start3A_90] : memref<10000x128xf32, #tpu.memory_space<hbm>> -> memref<10000x128xf32, #tpu.memory_space<hbm>>
    tpu.enqueue_indirect_dma source(%dma_start3A_91 : memref<10000x128xf32, #tpu.memory_space<hbm>>) target(%dma_start3A_85 : memref<128x128xf32, #tpu.memory_space<vmem>>) offsets(%dma_start3A_88 : memref<128xi32, #tpu.memory_space<vmem>>) semaphore(%arg10 : memref<!tpu.dma_semaphore, #tpu.memory_space<semaphore_mem>>)
    %scan3A_92 = arith.constant 0 : i32
    %scan3A_93 = arith.constant 0 : i32
    %scan3A_94 = arith.constant 38 : i32
    %scan3A_95 = arith.addi %scan3A_93, %scan3A_94 : i32
    %scan3A_96 = arith.constant 1 : i32
    %scan3A_97 = scf.for %scan3A_111 = %scan3A_93 to %scan3A_95 step %scan3A_96 iter_args(%scan3A_112 = %scan3A_92) -> (i32)  : i32 {
      %jit3A = arith.constant 2 : i32
      %eq3A = arith.constant 0 : i32
      %eq3A_113 = arith.cmpi eq, %jit3A, %eq3A : i32
      %jit3A_114 = arith.constant 1 : i32
      %select_n3A = arith.select %eq3A_113, %jit3A_114, %jit3A : i32
      %rem3A = arith.remsi %scan3A_111, %select_n3A : i32
      %ne3A = arith.constant 0 : i32
      %ne3A_115 = arith.cmpi ne, %rem3A, %ne3A : i32
      %lt3A = arith.constant 0 : i32
      %lt3A_116 = arith.cmpi slt, %rem3A, %lt3A : i32
      %lt3A_117 = arith.constant 0 : i32
      %lt3A_118 = arith.cmpi slt, %select_n3A, %lt3A_117 : i32
      %ne3A_119 = arith.xori %lt3A_116, %lt3A_118 : i1
      %and3A = arith.andi %ne3A_119, %ne3A_115 : i1
      %add3A_120 = arith.addi %rem3A, %select_n3A : i32
      %select_n3A_121 = arith.select %and3A, %add3A_120, %rem3A : i32
      %dma_wait3A = arith.constant 0 : i32
      %dma_wait3A_122 = arith.constant 0 : i32
      %dma_wait3A_123 = tpu.memref_slice %arg8[%select_n3A_121, %dma_wait3A, %dma_wait3A_122] : memref<2x128x128xf32, #tpu.memory_space<vmem>> -> memref<1x128x128xf32, #tpu.memory_space<vmem>>
      %dma_wait3A_124 = tpu.memref_squeeze %dma_wait3A_123 : memref<1x128x128xf32, #tpu.memory_space<vmem>> -> memref<128x128xf32, #tpu.memory_space<vmem>>
      %dma_wait3A_125 = arith.constant 0 : i32
      %dma_wait3A_126 = tpu.memref_slice %arg6[%scan3A_111, %dma_wait3A_125] : memref<40x128xi32, #tpu.memory_space<vmem>> -> memref<1x128xi32, #tpu.memory_space<vmem>>
      %dma_wait3A_127 = tpu.memref_squeeze %dma_wait3A_126 : memref<1x128xi32, #tpu.memory_space<vmem>> -> memref<128xi32, #tpu.memory_space<vmem>>
      %dma_wait3A_128 = arith.constant 0 : i32
      %dma_wait3A_129 = arith.constant 0 : i32
      %dma_wait3A_130 = tpu.memref_slice %arg2[%dma_wait3A_128, %dma_wait3A_129] : memref<10000x128xf32, #tpu.memory_space<hbm>> -> memref<10000x128xf32, #tpu.memory_space<hbm>>
      tpu.wait_indirect_dma semaphore(%arg10 : memref<!tpu.dma_semaphore, #tpu.memory_space<semaphore_mem>>) src(%dma_wait3A_130 : memref<10000x128xf32, #tpu.memory_space<hbm>>) dst(%dma_wait3A_124 : memref<128x128xf32, #tpu.memory_space<vmem>>)
      %dma_start3A_131 = arith.constant 0 : i32
      %dma_start3A_132 = arith.constant 0 : i32
      %dma_start3A_133 = tpu.memref_slice %arg8[%select_n3A_121, %dma_start3A_131, %dma_start3A_132] : memref<2x128x128xf32, #tpu.memory_space<vmem>> -> memref<1x128x128xf32, #tpu.memory_space<vmem>>
      %dma_start3A_134 = tpu.memref_squeeze %dma_start3A_133 : memref<1x128x128xf32, #tpu.memory_space<vmem>> -> memref<128x128xf32, #tpu.memory_space<vmem>>
      %dma_start3A_135 = arith.constant 0 : i32
      %dma_start3A_136 = tpu.memref_slice %arg7[%scan3A_111, %dma_start3A_135] : memref<40x128xi32, #tpu.memory_space<vmem>> -> memref<1x128xi32, #tpu.memory_space<vmem>>
      %dma_start3A_137 = tpu.memref_squeeze %dma_start3A_136 : memref<1x128xi32, #tpu.memory_space<vmem>> -> memref<128xi32, #tpu.memory_space<vmem>>
      %dma_start3A_138 = arith.constant 0 : i32
      %dma_start3A_139 = arith.constant 0 : i32
      %dma_start3A_140 = tpu.memref_slice %arg9[%dma_start3A_138, %dma_start3A_139] : memref<10240x128xf32, #tpu.memory_space<vmem_shared>> -> memref<10240x128xf32, #tpu.memory_space<vmem_shared>>
      tpu.enqueue_indirect_dma source(%dma_start3A_134 : memref<128x128xf32, #tpu.memory_space<vmem>>) target(%dma_start3A_140 : memref<10240x128xf32, #tpu.memory_space<vmem_shared>>) offsets(%dma_start3A_137 : memref<128xi32, #tpu.memory_space<vmem>>) semaphore(%arg11 : memref<!tpu.dma_semaphore, #tpu.memory_space<semaphore_mem>>) {add = true}
      %dma_wait3A_141 = arith.constant 0 : i32
      %dma_wait3A_142 = arith.constant 0 : i32
      %dma_wait3A_143 = tpu.memref_slice %arg8[%select_n3A_121, %dma_wait3A_141, %dma_wait3A_142] : memref<2x128x128xf32, #tpu.memory_space<vmem>> -> memref<1x128x128xf32, #tpu.memory_space<vmem>>
      %dma_wait3A_144 = tpu.memref_squeeze %dma_wait3A_143 : memref<1x128x128xf32, #tpu.memory_space<vmem>> -> memref<128x128xf32, #tpu.memory_space<vmem>>
      %dma_wait3A_145 = arith.constant 0 : i32
      %dma_wait3A_146 = tpu.memref_slice %arg7[%scan3A_111, %dma_wait3A_145] : memref<40x128xi32, #tpu.memory_space<vmem>> -> memref<1x128xi32, #tpu.memory_space<vmem>>
      %dma_wait3A_147 = tpu.memref_squeeze %dma_wait3A_146 : memref<1x128xi32, #tpu.memory_space<vmem>> -> memref<128xi32, #tpu.memory_space<vmem>>
      %dma_wait3A_148 = arith.constant 0 : i32
      %dma_wait3A_149 = arith.constant 0 : i32
      %dma_wait3A_150 = tpu.memref_slice %arg9[%dma_wait3A_148, %dma_wait3A_149] : memref<10240x128xf32, #tpu.memory_space<vmem_shared>> -> memref<10240x128xf32, #tpu.memory_space<vmem_shared>>
      tpu.wait_indirect_dma semaphore(%arg11 : memref<!tpu.dma_semaphore, #tpu.memory_space<semaphore_mem>>) src(%dma_wait3A_144 : memref<128x128xf32, #tpu.memory_space<vmem>>) dst(%dma_wait3A_150 : memref<10240x128xf32, #tpu.memory_space<vmem_shared>>)
      %add3A_151 = arith.constant 2 : i32
      %add3A_152 = arith.addi %scan3A_111, %add3A_151 : i32
      %dma_start3A_153 = arith.constant 0 : i32
      %dma_start3A_154 = arith.constant 0 : i32
      %dma_start3A_155 = tpu.memref_slice %arg8[%select_n3A_121, %dma_start3A_153, %dma_start3A_154] : memref<2x128x128xf32, #tpu.memory_space<vmem>> -> memref<1x128x128xf32, #tpu.memory_space<vmem>>
      %dma_start3A_156 = tpu.memref_squeeze %dma_start3A_155 : memref<1x128x128xf32, #tpu.memory_space<vmem>> -> memref<128x128xf32, #tpu.memory_space<vmem>>
      %dma_start3A_157 = arith.constant 0 : i32
      %dma_start3A_158 = tpu.memref_slice %arg6[%add3A_152, %dma_start3A_157] : memref<40x128xi32, #tpu.memory_space<vmem>> -> memref<1x128xi32, #tpu.memory_space<vmem>>
      %dma_start3A_159 = tpu.memref_squeeze %dma_start3A_158 : memref<1x128xi32, #tpu.memory_space<vmem>> -> memref<128xi32, #tpu.memory_space<vmem>>
      %dma_start3A_160 = arith.constant 0 : i32
      %dma_start3A_161 = arith.constant 0 : i32
      %dma_start3A_162 = tpu.memref_slice %arg2[%dma_start3A_160, %dma_start3A_161] : memref<10000x128xf32, #tpu.memory_space<hbm>> -> memref<10000x128xf32, #tpu.memory_space<hbm>>
      tpu.enqueue_indirect_dma source(%dma_start3A_162 : memref<10000x128xf32, #tpu.memory_space<hbm>>) target(%dma_start3A_156 : memref<128x128xf32, #tpu.memory_space<vmem>>) offsets(%dma_start3A_159 : memref<128xi32, #tpu.memory_space<vmem>>) semaphore(%arg10 : memref<!tpu.dma_semaphore, #tpu.memory_space<semaphore_mem>>)
      %scan3A_163 = arith.constant 0 : i32
      scf.yield %scan3A_163 : i32
    }
    %scan3A_98 = arith.constant 38 : i32
    %scan3A_99 = arith.constant 0 : i32
    %scan3A_100 = arith.constant 38 : i32
    %scan3A_101 = arith.constant 2 : i32
    %scan3A_102 = arith.addi %scan3A_100, %scan3A_101 : i32
    %scan3A_103 = arith.constant 1 : i32
    %scan3A_104 = scf.for %scan3A_111 = %scan3A_100 to %scan3A_102 step %scan3A_103 iter_args(%scan3A_112 = %scan3A_99) -> (i32)  : i32 {
      %jit3A = arith.constant 2 : i32
      %eq3A = arith.constant 0 : i32
      %eq3A_113 = arith.cmpi eq, %jit3A, %eq3A : i32
      %jit3A_114 = arith.constant 1 : i32
      %select_n3A = arith.select %eq3A_113, %jit3A_114, %jit3A : i32
      %rem3A = arith.remsi %scan3A_111, %select_n3A : i32
      %ne3A = arith.constant 0 : i32
      %ne3A_115 = arith.cmpi ne, %rem3A, %ne3A : i32
      %lt3A = arith.constant 0 : i32
      %lt3A_116 = arith.cmpi slt, %rem3A, %lt3A : i32
      %lt3A_117 = arith.constant 0 : i32
      %lt3A_118 = arith.cmpi slt, %select_n3A, %lt3A_117 : i32
      %ne3A_119 = arith.xori %lt3A_116, %lt3A_118 : i1
      %and3A = arith.andi %ne3A_119, %ne3A_115 : i1
      %add3A_120 = arith.addi %rem3A, %select_n3A : i32
      %select_n3A_121 = arith.select %and3A, %add3A_120, %rem3A : i32
      %dma_wait3A = arith.constant 0 : i32
      %dma_wait3A_122 = arith.constant 0 : i32
      %dma_wait3A_123 = tpu.memref_slice %arg8[%select_n3A_121, %dma_wait3A, %dma_wait3A_122] : memref<2x128x128xf32, #tpu.memory_space<vmem>> -> memref<1x128x128xf32, #tpu.memory_space<vmem>>
      %dma_wait3A_124 = tpu.memref_squeeze %dma_wait3A_123 : memref<1x128x128xf32, #tpu.memory_space<vmem>> -> memref<128x128xf32, #tpu.memory_space<vmem>>
      %dma_wait3A_125 = arith.constant 0 : i32
      %dma_wait3A_126 = tpu.memref_slice %arg6[%scan3A_111, %dma_wait3A_125] : memref<40x128xi32, #tpu.memory_space<vmem>> -> memref<1x128xi32, #tpu.memory_space<vmem>>
      %dma_wait3A_127 = tpu.memref_squeeze %dma_wait3A_126 : memref<1x128xi32, #tpu.memory_space<vmem>> -> memref<128xi32, #tpu.memory_space<vmem>>
      %dma_wait3A_128 = arith.constant 0 : i32
      %dma_wait3A_129 = arith.constant 0 : i32
      %dma_wait3A_130 = tpu.memref_slice %arg2[%dma_wait3A_128, %dma_wait3A_129] : memref<10000x128xf32, #tpu.memory_space<hbm>> -> memref<10000x128xf32, #tpu.memory_space<hbm>>
      tpu.wait_indirect_dma semaphore(%arg10 : memref<!tpu.dma_semaphore, #tpu.memory_space<semaphore_mem>>) src(%dma_wait3A_130 : memref<10000x128xf32, #tpu.memory_space<hbm>>) dst(%dma_wait3A_124 : memref<128x128xf32, #tpu.memory_space<vmem>>)
      "tpu.region"() ({
        %run_scoped3A = tpu.sem_alloc : memref<!tpu.dma_semaphore, #tpu.memory_space<semaphore_mem>>
        %dma_start3A_132 = arith.constant 0 : i32
        %dma_start3A_133 = arith.constant 0 : i32
        %dma_start3A_134 = tpu.memref_slice %arg8[%select_n3A_121, %dma_start3A_132, %dma_start3A_133] : memref<2x128x128xf32, #tpu.memory_space<vmem>> -> memref<1x128x128xf32, #tpu.memory_space<vmem>>
        %dma_start3A_135 = tpu.memref_squeeze %dma_start3A_134 : memref<1x128x128xf32, #tpu.memory_space<vmem>> -> memref<128x128xf32, #tpu.memory_space<vmem>>
        %dma_start3A_136 = arith.constant 0 : i32
        %dma_start3A_137 = tpu.memref_slice %arg7[%scan3A_111, %dma_start3A_136] : memref<40x128xi32, #tpu.memory_space<vmem>> -> memref<1x128xi32, #tpu.memory_space<vmem>>
        %dma_start3A_138 = tpu.memref_squeeze %dma_start3A_137 : memref<1x128xi32, #tpu.memory_space<vmem>> -> memref<128xi32, #tpu.memory_space<vmem>>
        %dma_start3A_139 = arith.constant 0 : i32
        %dma_start3A_140 = arith.constant 0 : i32
        %dma_start3A_141 = tpu.memref_slice %arg9[%dma_start3A_139, %dma_start3A_140] : memref<10240x128xf32, #tpu.memory_space<vmem_shared>> -> memref<10240x128xf32, #tpu.memory_space<vmem_shared>>
        tpu.enqueue_indirect_dma source(%dma_start3A_135 : memref<128x128xf32, #tpu.memory_space<vmem>>) target(%dma_start3A_141 : memref<10240x128xf32, #tpu.memory_space<vmem_shared>>) offsets(%dma_start3A_138 : memref<128xi32, #tpu.memory_space<vmem>>) semaphore(%run_scoped3A : memref<!tpu.dma_semaphore, #tpu.memory_space<semaphore_mem>>) {add = true}
        %dma_wait3A_142 = arith.constant 0 : i32
        %dma_wait3A_143 = arith.constant 0 : i32
        %dma_wait3A_144 = tpu.memref_slice %arg8[%select_n3A_121, %dma_wait3A_142, %dma_wait3A_143] : memref<2x128x128xf32, #tpu.memory_space<vmem>> -> memref<1x128x128xf32, #tpu.memory_space<vmem>>
        %dma_wait3A_145 = tpu.memref_squeeze %dma_wait3A_144 : memref<1x128x128xf32, #tpu.memory_space<vmem>> -> memref<128x128xf32, #tpu.memory_space<vmem>>
        %dma_wait3A_146 = arith.constant 0 : i32
        %dma_wait3A_147 = tpu.memref_slice %arg7[%scan3A_111, %dma_wait3A_146] : memref<40x128xi32, #tpu.memory_space<vmem>> -> memref<1x128xi32, #tpu.memory_space<vmem>>
        %dma_wait3A_148 = tpu.memref_squeeze %dma_wait3A_147 : memref<1x128xi32, #tpu.memory_space<vmem>> -> memref<128xi32, #tpu.memory_space<vmem>>
        %dma_wait3A_149 = arith.constant 0 : i32
        %dma_wait3A_150 = arith.constant 0 : i32
        %dma_wait3A_151 = tpu.memref_slice %arg9[%dma_wait3A_149, %dma_wait3A_150] : memref<10240x128xf32, #tpu.memory_space<vmem_shared>> -> memref<10240x128xf32, #tpu.memory_space<vmem_shared>>
        tpu.wait_indirect_dma semaphore(%run_scoped3A : memref<!tpu.dma_semaphore, #tpu.memory_space<semaphore_mem>>) src(%dma_wait3A_145 : memref<128x128xf32, #tpu.memory_space<vmem>>) dst(%dma_wait3A_151 : memref<10240x128xf32, #tpu.memory_space<vmem_shared>>)
        tpu.yield
      }) : () -> ()
      %scan3A_131 = arith.constant 0 : i32
      scf.yield %scan3A_131 : i32
    }
    %scan3A_105 = arith.constant 2 : i32
    %barrier3A_106 = arith.constant 0 : index
    tpu.barrier barrier_id(%barrier3A_106)
    %mul3A_107 = arith.constant 640 : i32
    %mul3A_108 = arith.muli %arg1, %mul3A_107 : i32
    %mul3A_109 = arith.constant 640 : i32
    %mul3A_110 = arith.muli %arg1, %mul3A_109 : i32
    "tpu.region"() ({
      %run_scoped3A = tpu.sem_alloc : memref<!tpu.dma_semaphore, #tpu.memory_space<semaphore_mem>>
      %dma_start3A_111 = arith.constant 0 : i32
      %dma_start3A_112 = tpu.memref_slice %arg5[%arg0, %mul3A_110, %dma_start3A_111] : memref<2x10240x128xf32, #tpu.memory_space<hbm>> -> memref<1x640x128xf32, #tpu.memory_space<hbm>>
      %dma_start3A_113 = tpu.memref_squeeze %dma_start3A_112 : memref<1x640x128xf32, #tpu.memory_space<hbm>> -> memref<640x128xf32, #tpu.memory_space<hbm>>
      %dma_start3A_114 = arith.constant 0 : i32
      %dma_start3A_115 = tpu.memref_slice %arg9[%mul3A_108, %dma_start3A_114] : memref<10240x128xf32, #tpu.memory_space<vmem_shared>> -> memref<640x128xf32, #tpu.memory_space<vmem_shared>>
      tpu.enqueue_dma source(%dma_start3A_115 : memref<640x128xf32, #tpu.memory_space<vmem_shared>>) target(%dma_start3A_113 : memref<640x128xf32, #tpu.memory_space<hbm>>) target_semaphore(%run_scoped3A : memref<!tpu.dma_semaphore, #tpu.memory_space<semaphore_mem>>)
      %dma_wait3A = arith.constant 0 : i32
      %dma_wait3A_116 = tpu.memref_slice %arg5[%arg0, %mul3A_110, %dma_wait3A] : memref<2x10240x128xf32, #tpu.memory_space<hbm>> -> memref<1x640x128xf32, #tpu.memory_space<hbm>>
      %dma_wait3A_117 = tpu.memref_squeeze %dma_wait3A_116 : memref<1x640x128xf32, #tpu.memory_space<hbm>> -> memref<640x128xf32, #tpu.memory_space<hbm>>
      %dma_wait3A_118 = arith.constant 0 : i32
      %dma_wait3A_119 = tpu.memref_slice %arg9[%mul3A_108, %dma_wait3A_118] : memref<10240x128xf32, #tpu.memory_space<vmem_shared>> -> memref<640x128xf32, #tpu.memory_space<vmem_shared>>
      tpu.wait_dma2 semaphore(%run_scoped3A : memref<!tpu.dma_semaphore, #tpu.memory_space<semaphore_mem>>) src(%dma_wait3A_119 : memref<640x128xf32, #tpu.memory_space<vmem_shared>>) dst(%dma_wait3A_117 : memref<640x128xf32, #tpu.memory_space<hbm>>)
      tpu.yield
    }) : () -> ()
    return
  }
}

#map = affine_map<(d0, d1) -> (0, 0)>
#map1 = affine_map<(d0, d1) -> (0, 0, 0)>
module attributes {stable_mosaic.version = 14 : i64} {
  func.func @_deg_kernel(%arg0: i32, %arg1: i32, %arg2: memref<2560x128xi32, #tpu.memory_space<hbm>>, %arg3: memref<2x10240x128xf32, #tpu.memory_space<hbm>>, %arg4: memref<80x128xi32, #tpu.memory_space<vmem>>, %arg5: memref<128x128xf32, #tpu.memory_space<vmem>>, %arg6: memref<80x128xf32, #tpu.memory_space<vmem>>, %arg7: memref<10240x128xf32, #tpu.memory_space<vmem_shared>>, %arg8: memref<!tpu.dma_semaphore, #tpu.memory_space<semaphore_mem>>) attributes {dimension_semantics = [#tpu.dimension_semantics<core_parallel>, #tpu.dimension_semantics<subcore_parallel>], iteration_bounds = array<i64: 2, 16>, scalar_prefetch = 0 : i64, scratch_operands = 5 : i64, tpu.core_type = #tpu.core_type<sc_vector_subcore>, window_params = [{transform_indices = #map}, {transform_indices = #map1}]} {
    %mul3A = arith.constant 16 : i32
    %mul3A_0 = arith.muli %arg0, %mul3A : i32
    %add3A = arith.addi %mul3A_0, %arg1 : i32
    %broadcast_in_dim3A = arith.constant 1.000000e+00 : f32
    %broadcast_in_dim3A_1 = vector.broadcast %broadcast_in_dim3A : f32 to vector<16xf32>
    %broadcast_in_dim3A_2 = arith.constant 0.000000e+00 : f32
    %broadcast_in_dim3A_3 = vector.broadcast %broadcast_in_dim3A_2 : f32 to vector<16xf32>
    %mul3A_4 = arith.constant 80 : i32
    %mul3A_5 = arith.muli %add3A, %mul3A_4 : i32
    %dma_start3A = arith.constant 0 : i32
    %dma_start3A_6 = tpu.memref_slice %arg2[%mul3A_5, %dma_start3A] : memref<2560x128xi32, #tpu.memory_space<hbm>> -> memref<80x128xi32, #tpu.memory_space<hbm>>
    %dma_start3A_7 = arith.constant 0 : i32
    %dma_start3A_8 = tpu.memref_slice %arg2[%mul3A_5, %dma_start3A_7] : memref<2560x128xi32, #tpu.memory_space<hbm>> -> memref<80x128xi32, #tpu.memory_space<hbm>>
    tpu.enqueue_dma source(%dma_start3A_8 : memref<80x128xi32, #tpu.memory_space<hbm>>) target(%arg4 : memref<80x128xi32, #tpu.memory_space<vmem>>) target_semaphore(%arg8 : memref<!tpu.dma_semaphore, #tpu.memory_space<semaphore_mem>>)
    %scan3A = arith.constant 0 : i32
    %scan3A_9 = arith.constant 0 : i32
    %scan3A_10 = arith.constant 1024 : i32
    %scan3A_11 = arith.addi %scan3A_9, %scan3A_10 : i32
    %scan3A_12 = arith.constant 1 : i32
    %scan3A_13 = scf.for %scan3A_44 = %scan3A_9 to %scan3A_11 step %scan3A_12 iter_args(%scan3A_45 = %scan3A) -> (i32)  : i32 {
      %jit3A = arith.constant 8 : i32
      %div3A = arith.divsi %scan3A_44, %jit3A : i32
      %sign3A = arith.constant 0 : i32
      %sign3A_46 = arith.cmpi sgt, %scan3A_44, %sign3A : i32
      %sign3A_47 = arith.extui %sign3A_46 : i1 to i32
      %sign3A_48 = arith.constant 0 : i32
      %sign3A_49 = arith.cmpi slt, %scan3A_44, %sign3A_48 : i32
      %sign3A_50 = arith.extui %sign3A_49 : i1 to i32
      %sign3A_51 = arith.subi %sign3A_47, %sign3A_50 : i32
      %sign3A_52 = arith.constant 0 : i32
      %sign3A_53 = arith.cmpi sgt, %jit3A, %sign3A_52 : i32
      %sign3A_54 = arith.extui %sign3A_53 : i1 to i32
      %sign3A_55 = arith.constant 0 : i32
      %sign3A_56 = arith.cmpi slt, %jit3A, %sign3A_55 : i32
      %sign3A_57 = arith.extui %sign3A_56 : i1 to i32
      %sign3A_58 = arith.subi %sign3A_54, %sign3A_57 : i32
      %ne3A = arith.cmpi ne, %sign3A_51, %sign3A_58 : i32
      %rem3A = arith.remsi %scan3A_44, %jit3A : i32
      %ne3A_59 = arith.constant 0 : i32
      %ne3A_60 = arith.cmpi ne, %rem3A, %ne3A_59 : i32
      %and3A = arith.andi %ne3A, %ne3A_60 : i1
      %sub3A = arith.constant 1 : i32
      %sub3A_61 = arith.subi %div3A, %sub3A : i32
      %select_n3A = arith.select %and3A, %sub3A_61, %div3A : i32
      %jit3A_62 = arith.constant 8 : i32
      %eq3A = arith.constant 0 : i32
      %eq3A_63 = arith.cmpi eq, %jit3A_62, %eq3A : i32
      %jit3A_64 = arith.constant 1 : i32
      %select_n3A_65 = arith.select %eq3A_63, %jit3A_64, %jit3A_62 : i32
      %rem3A_66 = arith.remsi %scan3A_44, %select_n3A_65 : i32
      %ne3A_67 = arith.constant 0 : i32
      %ne3A_68 = arith.cmpi ne, %rem3A_66, %ne3A_67 : i32
      %lt3A = arith.constant 0 : i32
      %lt3A_69 = arith.cmpi slt, %rem3A_66, %lt3A : i32
      %lt3A_70 = arith.constant 0 : i32
      %lt3A_71 = arith.cmpi slt, %select_n3A_65, %lt3A_70 : i32
      %ne3A_72 = arith.xori %lt3A_69, %lt3A_71 : i1
      %and3A_73 = arith.andi %ne3A_72, %ne3A_68 : i1
      %add3A_74 = arith.addi %rem3A_66, %select_n3A_65 : i32
      %select_n3A_75 = arith.select %and3A_73, %add3A_74, %rem3A_66 : i32
      %mul3A_76 = arith.constant 16 : i32
      %mul3A_77 = arith.muli %mul3A_76, %select_n3A_75 : i32
      %swap3A = arith.index_cast %select_n3A : i32 to index
      %swap3A_78 = arith.index_cast %mul3A_77 : i32 to index
      %swap3A_79 = tpu.vector_load %arg5[%swap3A, %swap3A_78] {strides = array<i32>} : memref<128x128xf32, #tpu.memory_space<vmem>>, vector<1x16xf32>,
      %swap3A_80 = vector.shape_cast %swap3A_79 : vector<1x16xf32> to vector<16xf32>
      %swap3A_81 = vector.shape_cast %broadcast_in_dim3A_1 : vector<16xf32> to vector<1x16xf32>
      tpu.vector_store %arg5[%swap3A, %swap3A_78], %swap3A_81 {strides = array<i32>} : memref<128x128xf32, #tpu.memory_space<vmem>>, vector<1x16xf32>,
      %scan3A_82 = arith.constant 0 : i32
      scf.yield %scan3A_82 : i32
    }
    %scan3A_14 = arith.constant 1024 : i32
    %scan3A_15 = arith.constant 0 : i32
    %scan3A_16 = arith.constant 0 : i32
    %scan3A_17 = arith.constant 640 : i32
    %scan3A_18 = arith.addi %scan3A_16, %scan3A_17 : i32
    %scan3A_19 = arith.constant 1 : i32
    %scan3A_20 = scf.for %scan3A_44 = %scan3A_16 to %scan3A_18 step %scan3A_19 iter_args(%scan3A_45 = %scan3A_15) -> (i32)  : i32 {
      %jit3A = arith.constant 8 : i32
      %div3A = arith.divsi %scan3A_44, %jit3A : i32
      %sign3A = arith.constant 0 : i32
      %sign3A_46 = arith.cmpi sgt, %scan3A_44, %sign3A : i32
      %sign3A_47 = arith.extui %sign3A_46 : i1 to i32
      %sign3A_48 = arith.constant 0 : i32
      %sign3A_49 = arith.cmpi slt, %scan3A_44, %sign3A_48 : i32
      %sign3A_50 = arith.extui %sign3A_49 : i1 to i32
      %sign3A_51 = arith.subi %sign3A_47, %sign3A_50 : i32
      %sign3A_52 = arith.constant 0 : i32
      %sign3A_53 = arith.cmpi sgt, %jit3A, %sign3A_52 : i32
      %sign3A_54 = arith.extui %sign3A_53 : i1 to i32
      %sign3A_55 = arith.constant 0 : i32
      %sign3A_56 = arith.cmpi slt, %jit3A, %sign3A_55 : i32
      %sign3A_57 = arith.extui %sign3A_56 : i1 to i32
      %sign3A_58 = arith.subi %sign3A_54, %sign3A_57 : i32
      %ne3A = arith.cmpi ne, %sign3A_51, %sign3A_58 : i32
      %rem3A = arith.remsi %scan3A_44, %jit3A : i32
      %ne3A_59 = arith.constant 0 : i32
      %ne3A_60 = arith.cmpi ne, %rem3A, %ne3A_59 : i32
      %and3A = arith.andi %ne3A, %ne3A_60 : i1
      %sub3A = arith.constant 1 : i32
      %sub3A_61 = arith.subi %div3A, %sub3A : i32
      %select_n3A = arith.select %and3A, %sub3A_61, %div3A : i32
      %jit3A_62 = arith.constant 8 : i32
      %eq3A = arith.constant 0 : i32
      %eq3A_63 = arith.cmpi eq, %jit3A_62, %eq3A : i32
      %jit3A_64 = arith.constant 1 : i32
      %select_n3A_65 = arith.select %eq3A_63, %jit3A_64, %jit3A_62 : i32
      %rem3A_66 = arith.remsi %scan3A_44, %select_n3A_65 : i32
      %ne3A_67 = arith.constant 0 : i32
      %ne3A_68 = arith.cmpi ne, %rem3A_66, %ne3A_67 : i32
      %lt3A = arith.constant 0 : i32
      %lt3A_69 = arith.cmpi slt, %rem3A_66, %lt3A : i32
      %lt3A_70 = arith.constant 0 : i32
      %lt3A_71 = arith.cmpi slt, %select_n3A_65, %lt3A_70 : i32
      %ne3A_72 = arith.xori %lt3A_69, %lt3A_71 : i1
      %and3A_73 = arith.andi %ne3A_72, %ne3A_68 : i1
      %add3A_74 = arith.addi %rem3A_66, %select_n3A_65 : i32
      %select_n3A_75 = arith.select %and3A_73, %add3A_74, %rem3A_66 : i32
      %mul3A_76 = arith.constant 16 : i32
      %mul3A_77 = arith.muli %mul3A_76, %select_n3A_75 : i32
      %swap3A = arith.index_cast %select_n3A : i32 to index
      %swap3A_78 = arith.index_cast %mul3A_77 : i32 to index
      %swap3A_79 = tpu.vector_load %arg6[%swap3A, %swap3A_78] {strides = array<i32>} : memref<80x128xf32, #tpu.memory_space<vmem>>, vector<1x16xf32>,
      %swap3A_80 = vector.shape_cast %swap3A_79 : vector<1x16xf32> to vector<16xf32>
      %swap3A_81 = vector.shape_cast %broadcast_in_dim3A_3 : vector<16xf32> to vector<1x16xf32>
      tpu.vector_store %arg6[%swap3A, %swap3A_78], %swap3A_81 {strides = array<i32>} : memref<80x128xf32, #tpu.memory_space<vmem>>, vector<1x16xf32>,
      %scan3A_82 = arith.constant 0 : i32
      scf.yield %scan3A_82 : i32
    }
    %scan3A_21 = arith.constant 640 : i32
    %scan3A_22 = arith.constant 0 : i32
    %scan3A_23 = arith.constant 0 : i32
    %scan3A_24 = arith.constant 8 : i32
    %scan3A_25 = arith.addi %scan3A_23, %scan3A_24 : i32
    %scan3A_26 = arith.constant 1 : i32
    %scan3A_27 = scf.for %scan3A_44 = %scan3A_23 to %scan3A_25 step %scan3A_26 iter_args(%scan3A_45 = %scan3A_22) -> (i32)  : i32 {
      %mul3A_46 = arith.constant 640 : i32
      %mul3A_47 = arith.muli %arg1, %mul3A_46 : i32
      %mul3A_48 = arith.constant 80 : i32
      %mul3A_49 = arith.muli %scan3A_44, %mul3A_48 : i32
      %add3A_50 = arith.addi %mul3A_47, %mul3A_49 : i32
      "tpu.region"() ({
        %run_scoped3A = tpu.sem_alloc : memref<!tpu.dma_semaphore, #tpu.memory_space<semaphore_mem>>
        %dma_start3A_52 = arith.constant 0 : i32
        %dma_start3A_53 = tpu.memref_slice %arg7[%add3A_50, %dma_start3A_52] : memref<10240x128xf32, #tpu.memory_space<vmem_shared>> -> memref<80x128xf32, #tpu.memory_space<vmem_shared>>
        %dma_start3A_54 = arith.constant 0 : i32
        %dma_start3A_55 = tpu.memref_slice %arg7[%add3A_50, %dma_start3A_54] : memref<10240x128xf32, #tpu.memory_space<vmem_shared>> -> memref<80x128xf32, #tpu.memory_space<vmem_shared>>
        tpu.enqueue_dma source(%arg6 : memref<80x128xf32, #tpu.memory_space<vmem>>) target(%dma_start3A_55 : memref<80x128xf32, #tpu.memory_space<vmem_shared>>) target_semaphore(%run_scoped3A : memref<!tpu.dma_semaphore, #tpu.memory_space<semaphore_mem>>)
        %dma_wait3A_56 = arith.constant 0 : i32
        %dma_wait3A_57 = tpu.memref_slice %arg7[%add3A_50, %dma_wait3A_56] : memref<10240x128xf32, #tpu.memory_space<vmem_shared>> -> memref<80x128xf32, #tpu.memory_space<vmem_shared>>
        %dma_wait3A_58 = arith.constant 0 : i32
        %dma_wait3A_59 = tpu.memref_slice %arg7[%add3A_50, %dma_wait3A_58] : memref<10240x128xf32, #tpu.memory_space<vmem_shared>> -> memref<80x128xf32, #tpu.memory_space<vmem_shared>>
        tpu.wait_dma2 semaphore(%run_scoped3A : memref<!tpu.dma_semaphore, #tpu.memory_space<semaphore_mem>>) src(%arg6 : memref<80x128xf32, #tpu.memory_space<vmem>>) dst(%dma_wait3A_59 : memref<80x128xf32, #tpu.memory_space<vmem_shared>>)
        tpu.yield
      }) : () -> ()
      %scan3A_51 = arith.constant 0 : i32
      scf.yield %scan3A_51 : i32
    }
    %scan3A_28 = arith.constant 8 : i32
    %dma_wait3A = arith.constant 0 : i32
    %dma_wait3A_29 = tpu.memref_slice %arg2[%mul3A_5, %dma_wait3A] : memref<2560x128xi32, #tpu.memory_space<hbm>> -> memref<80x128xi32, #tpu.memory_space<hbm>>
    %dma_wait3A_30 = arith.constant 0 : i32
    %dma_wait3A_31 = tpu.memref_slice %arg2[%mul3A_5, %dma_wait3A_30] : memref<2560x128xi32, #tpu.memory_space<hbm>> -> memref<80x128xi32, #tpu.memory_space<hbm>>
    tpu.wait_dma2 semaphore(%arg8 : memref<!tpu.dma_semaphore, #tpu.memory_space<semaphore_mem>>) src(%dma_wait3A_31 : memref<80x128xi32, #tpu.memory_space<hbm>>) dst(%arg4 : memref<80x128xi32, #tpu.memory_space<vmem>>)
    %barrier3A = arith.constant 0 : index
    tpu.barrier barrier_id(%barrier3A)
    %scan3A_32 = arith.constant 0 : i32
    %scan3A_33 = arith.constant 0 : i32
    %scan3A_34 = arith.constant 5 : i32
    %scan3A_35 = arith.addi %scan3A_33, %scan3A_34 : i32
    %scan3A_36 = arith.constant 1 : i32
    %scan3A_37 = scf.for %scan3A_44 = %scan3A_33 to %scan3A_35 step %scan3A_36 iter_args(%scan3A_45 = %scan3A_32) -> (i32)  : i32 {
      %mul3A_46 = arith.constant 16 : i32
      %mul3A_47 = arith.muli %scan3A_44, %mul3A_46 : i32
      %add3A_48 = arith.constant 0 : i32
      %add3A_49 = arith.addi %mul3A_47, %add3A_48 : i32
      %dma_start3A_50 = arith.constant 0 : i32
      %dma_start3A_51 = tpu.memref_slice %arg4[%add3A_49, %dma_start3A_50] : memref<80x128xi32, #tpu.memory_space<vmem>> -> memref<1x128xi32, #tpu.memory_space<vmem>>
      %dma_start3A_52 = tpu.memref_squeeze %dma_start3A_51 : memref<1x128xi32, #tpu.memory_space<vmem>> -> memref<128xi32, #tpu.memory_space<vmem>>
      %dma_start3A_53 = arith.constant 0 : i32
      %dma_start3A_54 = arith.constant 0 : i32
      %dma_start3A_55 = tpu.memref_slice %arg7[%dma_start3A_53, %dma_start3A_54] : memref<10240x128xf32, #tpu.memory_space<vmem_shared>> -> memref<10240x128xf32, #tpu.memory_space<vmem_shared>>
      tpu.enqueue_indirect_dma source(%arg5 : memref<128x128xf32, #tpu.memory_space<vmem>>) target(%dma_start3A_55 : memref<10240x128xf32, #tpu.memory_space<vmem_shared>>) offsets(%dma_start3A_52 : memref<128xi32, #tpu.memory_space<vmem>>) semaphore(%arg8 : memref<!tpu.dma_semaphore, #tpu.memory_space<semaphore_mem>>) {add = true}
      %mul3A_56 = arith.constant 16 : i32
      %mul3A_57 = arith.muli %scan3A_44, %mul3A_56 : i32
      %add3A_58 = arith.constant 1 : i32
      %add3A_59 = arith.addi %mul3A_57, %add3A_58 : i32
      %dma_start3A_60 = arith.constant 0 : i32
      %dma_start3A_61 = tpu.memref_slice %arg4[%add3A_59, %dma_start3A_60] : memref<80x128xi32, #tpu.memory_space<vmem>> -> memref<1x128xi32, #tpu.memory_space<vmem>>
      %dma_start3A_62 = tpu.memref_squeeze %dma_start3A_61 : memref<1x128xi32, #tpu.memory_space<vmem>> -> memref<128xi32, #tpu.memory_space<vmem>>
      %dma_start3A_63 = arith.constant 0 : i32
      %dma_start3A_64 = arith.constant 0 : i32
      %dma_start3A_65 = tpu.memref_slice %arg7[%dma_start3A_63, %dma_start3A_64] : memref<10240x128xf32, #tpu.memory_space<vmem_shared>> -> memref<10240x128xf32, #tpu.memory_space<vmem_shared>>
      tpu.enqueue_indirect_dma source(%arg5 : memref<128x128xf32, #tpu.memory_space<vmem>>) target(%dma_start3A_65 : memref<10240x128xf32, #tpu.memory_space<vmem_shared>>) offsets(%dma_start3A_62 : memref<128xi32, #tpu.memory_space<vmem>>) semaphore(%arg8 : memref<!tpu.dma_semaphore, #tpu.memory_space<semaphore_mem>>) {add = true}
      %mul3A_66 = arith.constant 16 : i32
      %mul3A_67 = arith.muli %scan3A_44, %mul3A_66 : i32
      %add3A_68 = arith.constant 2 : i32
      %add3A_69 = arith.addi %mul3A_67, %add3A_68 : i32
      %dma_start3A_70 = arith.constant 0 : i32
      %dma_start3A_71 = tpu.memref_slice %arg4[%add3A_69, %dma_start3A_70] : memref<80x128xi32, #tpu.memory_space<vmem>> -> memref<1x128xi32, #tpu.memory_space<vmem>>
      %dma_start3A_72 = tpu.memref_squeeze %dma_start3A_71 : memref<1x128xi32, #tpu.memory_space<vmem>> -> memref<128xi32, #tpu.memory_space<vmem>>
      %dma_start3A_73 = arith.constant 0 : i32
      %dma_start3A_74 = arith.constant 0 : i32
      %dma_start3A_75 = tpu.memref_slice %arg7[%dma_start3A_73, %dma_start3A_74] : memref<10240x128xf32, #tpu.memory_space<vmem_shared>> -> memref<10240x128xf32, #tpu.memory_space<vmem_shared>>
      tpu.enqueue_indirect_dma source(%arg5 : memref<128x128xf32, #tpu.memory_space<vmem>>) target(%dma_start3A_75 : memref<10240x128xf32, #tpu.memory_space<vmem_shared>>) offsets(%dma_start3A_72 : memref<128xi32, #tpu.memory_space<vmem>>) semaphore(%arg8 : memref<!tpu.dma_semaphore, #tpu.memory_space<semaphore_mem>>) {add = true}
      %mul3A_76 = arith.constant 16 : i32
      %mul3A_77 = arith.muli %scan3A_44, %mul3A_76 : i32
      %add3A_78 = arith.constant 3 : i32
      %add3A_79 = arith.addi %mul3A_77, %add3A_78 : i32
      %dma_start3A_80 = arith.constant 0 : i32
      %dma_start3A_81 = tpu.memref_slice %arg4[%add3A_79, %dma_start3A_80] : memref<80x128xi32, #tpu.memory_space<vmem>> -> memref<1x128xi32, #tpu.memory_space<vmem>>
      %dma_start3A_82 = tpu.memref_squeeze %dma_start3A_81 : memref<1x128xi32, #tpu.memory_space<vmem>> -> memref<128xi32, #tpu.memory_space<vmem>>
      %dma_start3A_83 = arith.constant 0 : i32
      %dma_start3A_84 = arith.constant 0 : i32
      %dma_start3A_85 = tpu.memref_slice %arg7[%dma_start3A_83, %dma_start3A_84] : memref<10240x128xf32, #tpu.memory_space<vmem_shared>> -> memref<10240x128xf32, #tpu.memory_space<vmem_shared>>
      tpu.enqueue_indirect_dma source(%arg5 : memref<128x128xf32, #tpu.memory_space<vmem>>) target(%dma_start3A_85 : memref<10240x128xf32, #tpu.memory_space<vmem_shared>>) offsets(%dma_start3A_82 : memref<128xi32, #tpu.memory_space<vmem>>) semaphore(%arg8 : memref<!tpu.dma_semaphore, #tpu.memory_space<semaphore_mem>>) {add = true}
      %mul3A_86 = arith.constant 16 : i32
      %mul3A_87 = arith.muli %scan3A_44, %mul3A_86 : i32
      %add3A_88 = arith.constant 4 : i32
      %add3A_89 = arith.addi %mul3A_87, %add3A_88 : i32
      %dma_start3A_90 = arith.constant 0 : i32
      %dma_start3A_91 = tpu.memref_slice %arg4[%add3A_89, %dma_start3A_90] : memref<80x128xi32, #tpu.memory_space<vmem>> -> memref<1x128xi32, #tpu.memory_space<vmem>>
      %dma_start3A_92 = tpu.memref_squeeze %dma_start3A_91 : memref<1x128xi32, #tpu.memory_space<vmem>> -> memref<128xi32, #tpu.memory_space<vmem>>
      %dma_start3A_93 = arith.constant 0 : i32
      %dma_start3A_94 = arith.constant 0 : i32
      %dma_start3A_95 = tpu.memref_slice %arg7[%dma_start3A_93, %dma_start3A_94] : memref<10240x128xf32, #tpu.memory_space<vmem_shared>> -> memref<10240x128xf32, #tpu.memory_space<vmem_shared>>
      tpu.enqueue_indirect_dma source(%arg5 : memref<128x128xf32, #tpu.memory_space<vmem>>) target(%dma_start3A_95 : memref<10240x128xf32, #tpu.memory_space<vmem_shared>>) offsets(%dma_start3A_92 : memref<128xi32, #tpu.memory_space<vmem>>) semaphore(%arg8 : memref<!tpu.dma_semaphore, #tpu.memory_space<semaphore_mem>>) {add = true}
      %mul3A_96 = arith.constant 16 : i32
      %mul3A_97 = arith.muli %scan3A_44, %mul3A_96 : i32
      %add3A_98 = arith.constant 5 : i32
      %add3A_99 = arith.addi %mul3A_97, %add3A_98 : i32
      %dma_start3A_100 = arith.constant 0 : i32
      %dma_start3A_101 = tpu.memref_slice %arg4[%add3A_99, %dma_start3A_100] : memref<80x128xi32, #tpu.memory_space<vmem>> -> memref<1x128xi32, #tpu.memory_space<vmem>>
      %dma_start3A_102 = tpu.memref_squeeze %dma_start3A_101 : memref<1x128xi32, #tpu.memory_space<vmem>> -> memref<128xi32, #tpu.memory_space<vmem>>
      %dma_start3A_103 = arith.constant 0 : i32
      %dma_start3A_104 = arith.constant 0 : i32
      %dma_start3A_105 = tpu.memref_slice %arg7[%dma_start3A_103, %dma_start3A_104] : memref<10240x128xf32, #tpu.memory_space<vmem_shared>> -> memref<10240x128xf32, #tpu.memory_space<vmem_shared>>
      tpu.enqueue_indirect_dma source(%arg5 : memref<128x128xf32, #tpu.memory_space<vmem>>) target(%dma_start3A_105 : memref<10240x128xf32, #tpu.memory_space<vmem_shared>>) offsets(%dma_start3A_102 : memref<128xi32, #tpu.memory_space<vmem>>) semaphore(%arg8 : memref<!tpu.dma_semaphore, #tpu.memory_space<semaphore_mem>>) {add = true}
      %mul3A_106 = arith.constant 16 : i32
      %mul3A_107 = arith.muli %scan3A_44, %mul3A_106 : i32
      %add3A_108 = arith.constant 6 : i32
      %add3A_109 = arith.addi %mul3A_107, %add3A_108 : i32
      %dma_start3A_110 = arith.constant 0 : i32
      %dma_start3A_111 = tpu.memref_slice %arg4[%add3A_109, %dma_start3A_110] : memref<80x128xi32, #tpu.memory_space<vmem>> -> memref<1x128xi32, #tpu.memory_space<vmem>>
      %dma_start3A_112 = tpu.memref_squeeze %dma_start3A_111 : memref<1x128xi32, #tpu.memory_space<vmem>> -> memref<128xi32, #tpu.memory_space<vmem>>
      %dma_start3A_113 = arith.constant 0 : i32
      %dma_start3A_114 = arith.constant 0 : i32
      %dma_start3A_115 = tpu.memref_slice %arg7[%dma_start3A_113, %dma_start3A_114] : memref<10240x128xf32, #tpu.memory_space<vmem_shared>> -> memref<10240x128xf32, #tpu.memory_space<vmem_shared>>
      tpu.enqueue_indirect_dma source(%arg5 : memref<128x128xf32, #tpu.memory_space<vmem>>) target(%dma_start3A_115 : memref<10240x128xf32, #tpu.memory_space<vmem_shared>>) offsets(%dma_start3A_112 : memref<128xi32, #tpu.memory_space<vmem>>) semaphore(%arg8 : memref<!tpu.dma_semaphore, #tpu.memory_space<semaphore_mem>>) {add = true}
      %mul3A_116 = arith.constant 16 : i32
      %mul3A_117 = arith.muli %scan3A_44, %mul3A_116 : i32
      %add3A_118 = arith.constant 7 : i32
      %add3A_119 = arith.addi %mul3A_117, %add3A_118 : i32
      %dma_start3A_120 = arith.constant 0 : i32
      %dma_start3A_121 = tpu.memref_slice %arg4[%add3A_119, %dma_start3A_120] : memref<80x128xi32, #tpu.memory_space<vmem>> -> memref<1x128xi32, #tpu.memory_space<vmem>>
      %dma_start3A_122 = tpu.memref_squeeze %dma_start3A_121 : memref<1x128xi32, #tpu.memory_space<vmem>> -> memref<128xi32, #tpu.memory_space<vmem>>
      %dma_start3A_123 = arith.constant 0 : i32
      %dma_start3A_124 = arith.constant 0 : i32
      %dma_start3A_125 = tpu.memref_slice %arg7[%dma_start3A_123, %dma_start3A_124] : memref<10240x128xf32, #tpu.memory_space<vmem_shared>> -> memref<10240x128xf32, #tpu.memory_space<vmem_shared>>
      tpu.enqueue_indirect_dma source(%arg5 : memref<128x128xf32, #tpu.memory_space<vmem>>) target(%dma_start3A_125 : memref<10240x128xf32, #tpu.memory_space<vmem_shared>>) offsets(%dma_start3A_122 : memref<128xi32, #tpu.memory_space<vmem>>) semaphore(%arg8 : memref<!tpu.dma_semaphore, #tpu.memory_space<semaphore_mem>>) {add = true}
      %mul3A_126 = arith.constant 16 : i32
      %mul3A_127 = arith.muli %scan3A_44, %mul3A_126 : i32
      %add3A_128 = arith.constant 8 : i32
      %add3A_129 = arith.addi %mul3A_127, %add3A_128 : i32
      %dma_start3A_130 = arith.constant 0 : i32
      %dma_start3A_131 = tpu.memref_slice %arg4[%add3A_129, %dma_start3A_130] : memref<80x128xi32, #tpu.memory_space<vmem>> -> memref<1x128xi32, #tpu.memory_space<vmem>>
      %dma_start3A_132 = tpu.memref_squeeze %dma_start3A_131 : memref<1x128xi32, #tpu.memory_space<vmem>> -> memref<128xi32, #tpu.memory_space<vmem>>
      %dma_start3A_133 = arith.constant 0 : i32
      %dma_start3A_134 = arith.constant 0 : i32
      %dma_start3A_135 = tpu.memref_slice %arg7[%dma_start3A_133, %dma_start3A_134] : memref<10240x128xf32, #tpu.memory_space<vmem_shared>> -> memref<10240x128xf32, #tpu.memory_space<vmem_shared>>
      tpu.enqueue_indirect_dma source(%arg5 : memref<128x128xf32, #tpu.memory_space<vmem>>) target(%dma_start3A_135 : memref<10240x128xf32, #tpu.memory_space<vmem_shared>>) offsets(%dma_start3A_132 : memref<128xi32, #tpu.memory_space<vmem>>) semaphore(%arg8 : memref<!tpu.dma_semaphore, #tpu.memory_space<semaphore_mem>>) {add = true}
      %mul3A_136 = arith.constant 16 : i32
      %mul3A_137 = arith.muli %scan3A_44, %mul3A_136 : i32
      %add3A_138 = arith.constant 9 : i32
      %add3A_139 = arith.addi %mul3A_137, %add3A_138 : i32
      %dma_start3A_140 = arith.constant 0 : i32
      %dma_start3A_141 = tpu.memref_slice %arg4[%add3A_139, %dma_start3A_140] : memref<80x128xi32, #tpu.memory_space<vmem>> -> memref<1x128xi32, #tpu.memory_space<vmem>>
      %dma_start3A_142 = tpu.memref_squeeze %dma_start3A_141 : memref<1x128xi32, #tpu.memory_space<vmem>> -> memref<128xi32, #tpu.memory_space<vmem>>
      %dma_start3A_143 = arith.constant 0 : i32
      %dma_start3A_144 = arith.constant 0 : i32
      %dma_start3A_145 = tpu.memref_slice %arg7[%dma_start3A_143, %dma_start3A_144] : memref<10240x128xf32, #tpu.memory_space<vmem_shared>> -> memref<10240x128xf32, #tpu.memory_space<vmem_shared>>
      tpu.enqueue_indirect_dma source(%arg5 : memref<128x128xf32, #tpu.memory_space<vmem>>) target(%dma_start3A_145 : memref<10240x128xf32, #tpu.memory_space<vmem_shared>>) offsets(%dma_start3A_142 : memref<128xi32, #tpu.memory_space<vmem>>) semaphore(%arg8 : memref<!tpu.dma_semaphore, #tpu.memory_space<semaphore_mem>>) {add = true}
      %mul3A_146 = arith.constant 16 : i32
      %mul3A_147 = arith.muli %scan3A_44, %mul3A_146 : i32
      %add3A_148 = arith.constant 10 : i32
      %add3A_149 = arith.addi %mul3A_147, %add3A_148 : i32
      %dma_start3A_150 = arith.constant 0 : i32
      %dma_start3A_151 = tpu.memref_slice %arg4[%add3A_149, %dma_start3A_150] : memref<80x128xi32, #tpu.memory_space<vmem>> -> memref<1x128xi32, #tpu.memory_space<vmem>>
      %dma_start3A_152 = tpu.memref_squeeze %dma_start3A_151 : memref<1x128xi32, #tpu.memory_space<vmem>> -> memref<128xi32, #tpu.memory_space<vmem>>
      %dma_start3A_153 = arith.constant 0 : i32
      %dma_start3A_154 = arith.constant 0 : i32
      %dma_start3A_155 = tpu.memref_slice %arg7[%dma_start3A_153, %dma_start3A_154] : memref<10240x128xf32, #tpu.memory_space<vmem_shared>> -> memref<10240x128xf32, #tpu.memory_space<vmem_shared>>
      tpu.enqueue_indirect_dma source(%arg5 : memref<128x128xf32, #tpu.memory_space<vmem>>) target(%dma_start3A_155 : memref<10240x128xf32, #tpu.memory_space<vmem_shared>>) offsets(%dma_start3A_152 : memref<128xi32, #tpu.memory_space<vmem>>) semaphore(%arg8 : memref<!tpu.dma_semaphore, #tpu.memory_space<semaphore_mem>>) {add = true}
      %mul3A_156 = arith.constant 16 : i32
      %mul3A_157 = arith.muli %scan3A_44, %mul3A_156 : i32
      %add3A_158 = arith.constant 11 : i32
      %add3A_159 = arith.addi %mul3A_157, %add3A_158 : i32
      %dma_start3A_160 = arith.constant 0 : i32
      %dma_start3A_161 = tpu.memref_slice %arg4[%add3A_159, %dma_start3A_160] : memref<80x128xi32, #tpu.memory_space<vmem>> -> memref<1x128xi32, #tpu.memory_space<vmem>>
      %dma_start3A_162 = tpu.memref_squeeze %dma_start3A_161 : memref<1x128xi32, #tpu.memory_space<vmem>> -> memref<128xi32, #tpu.memory_space<vmem>>
      %dma_start3A_163 = arith.constant 0 : i32
      %dma_start3A_164 = arith.constant 0 : i32
      %dma_start3A_165 = tpu.memref_slice %arg7[%dma_start3A_163, %dma_start3A_164] : memref<10240x128xf32, #tpu.memory_space<vmem_shared>> -> memref<10240x128xf32, #tpu.memory_space<vmem_shared>>
      tpu.enqueue_indirect_dma source(%arg5 : memref<128x128xf32, #tpu.memory_space<vmem>>) target(%dma_start3A_165 : memref<10240x128xf32, #tpu.memory_space<vmem_shared>>) offsets(%dma_start3A_162 : memref<128xi32, #tpu.memory_space<vmem>>) semaphore(%arg8 : memref<!tpu.dma_semaphore, #tpu.memory_space<semaphore_mem>>) {add = true}
      %mul3A_166 = arith.constant 16 : i32
      %mul3A_167 = arith.muli %scan3A_44, %mul3A_166 : i32
      %add3A_168 = arith.constant 12 : i32
      %add3A_169 = arith.addi %mul3A_167, %add3A_168 : i32
      %dma_start3A_170 = arith.constant 0 : i32
      %dma_start3A_171 = tpu.memref_slice %arg4[%add3A_169, %dma_start3A_170] : memref<80x128xi32, #tpu.memory_space<vmem>> -> memref<1x128xi32, #tpu.memory_space<vmem>>
      %dma_start3A_172 = tpu.memref_squeeze %dma_start3A_171 : memref<1x128xi32, #tpu.memory_space<vmem>> -> memref<128xi32, #tpu.memory_space<vmem>>
      %dma_start3A_173 = arith.constant 0 : i32
      %dma_start3A_174 = arith.constant 0 : i32
      %dma_start3A_175 = tpu.memref_slice %arg7[%dma_start3A_173, %dma_start3A_174] : memref<10240x128xf32, #tpu.memory_space<vmem_shared>> -> memref<10240x128xf32, #tpu.memory_space<vmem_shared>>
      tpu.enqueue_indirect_dma source(%arg5 : memref<128x128xf32, #tpu.memory_space<vmem>>) target(%dma_start3A_175 : memref<10240x128xf32, #tpu.memory_space<vmem_shared>>) offsets(%dma_start3A_172 : memref<128xi32, #tpu.memory_space<vmem>>) semaphore(%arg8 : memref<!tpu.dma_semaphore, #tpu.memory_space<semaphore_mem>>) {add = true}
      %mul3A_176 = arith.constant 16 : i32
      %mul3A_177 = arith.muli %scan3A_44, %mul3A_176 : i32
      %add3A_178 = arith.constant 13 : i32
      %add3A_179 = arith.addi %mul3A_177, %add3A_178 : i32
      %dma_start3A_180 = arith.constant 0 : i32
      %dma_start3A_181 = tpu.memref_slice %arg4[%add3A_179, %dma_start3A_180] : memref<80x128xi32, #tpu.memory_space<vmem>> -> memref<1x128xi32, #tpu.memory_space<vmem>>
      %dma_start3A_182 = tpu.memref_squeeze %dma_start3A_181 : memref<1x128xi32, #tpu.memory_space<vmem>> -> memref<128xi32, #tpu.memory_space<vmem>>
      %dma_start3A_183 = arith.constant 0 : i32
      %dma_start3A_184 = arith.constant 0 : i32
      %dma_start3A_185 = tpu.memref_slice %arg7[%dma_start3A_183, %dma_start3A_184] : memref<10240x128xf32, #tpu.memory_space<vmem_shared>> -> memref<10240x128xf32, #tpu.memory_space<vmem_shared>>
      tpu.enqueue_indirect_dma source(%arg5 : memref<128x128xf32, #tpu.memory_space<vmem>>) target(%dma_start3A_185 : memref<10240x128xf32, #tpu.memory_space<vmem_shared>>) offsets(%dma_start3A_182 : memref<128xi32, #tpu.memory_space<vmem>>) semaphore(%arg8 : memref<!tpu.dma_semaphore, #tpu.memory_space<semaphore_mem>>) {add = true}
      %mul3A_186 = arith.constant 16 : i32
      %mul3A_187 = arith.muli %scan3A_44, %mul3A_186 : i32
      %add3A_188 = arith.constant 14 : i32
      %add3A_189 = arith.addi %mul3A_187, %add3A_188 : i32
      %dma_start3A_190 = arith.constant 0 : i32
      %dma_start3A_191 = tpu.memref_slice %arg4[%add3A_189, %dma_start3A_190] : memref<80x128xi32, #tpu.memory_space<vmem>> -> memref<1x128xi32, #tpu.memory_space<vmem>>
      %dma_start3A_192 = tpu.memref_squeeze %dma_start3A_191 : memref<1x128xi32, #tpu.memory_space<vmem>> -> memref<128xi32, #tpu.memory_space<vmem>>
      %dma_start3A_193 = arith.constant 0 : i32
      %dma_start3A_194 = arith.constant 0 : i32
      %dma_start3A_195 = tpu.memref_slice %arg7[%dma_start3A_193, %dma_start3A_194] : memref<10240x128xf32, #tpu.memory_space<vmem_shared>> -> memref<10240x128xf32, #tpu.memory_space<vmem_shared>>
      tpu.enqueue_indirect_dma source(%arg5 : memref<128x128xf32, #tpu.memory_space<vmem>>) target(%dma_start3A_195 : memref<10240x128xf32, #tpu.memory_space<vmem_shared>>) offsets(%dma_start3A_192 : memref<128xi32, #tpu.memory_space<vmem>>) semaphore(%arg8 : memref<!tpu.dma_semaphore, #tpu.memory_space<semaphore_mem>>) {add = true}
      %mul3A_196 = arith.constant 16 : i32
      %mul3A_197 = arith.muli %scan3A_44, %mul3A_196 : i32
      %add3A_198 = arith.constant 15 : i32
      %add3A_199 = arith.addi %mul3A_197, %add3A_198 : i32
      %dma_start3A_200 = arith.constant 0 : i32
      %dma_start3A_201 = tpu.memref_slice %arg4[%add3A_199, %dma_start3A_200] : memref<80x128xi32, #tpu.memory_space<vmem>> -> memref<1x128xi32, #tpu.memory_space<vmem>>
      %dma_start3A_202 = tpu.memref_squeeze %dma_start3A_201 : memref<1x128xi32, #tpu.memory_space<vmem>> -> memref<128xi32, #tpu.memory_space<vmem>>
      %dma_start3A_203 = arith.constant 0 : i32
      %dma_start3A_204 = arith.constant 0 : i32
      %dma_start3A_205 = tpu.memref_slice %arg7[%dma_start3A_203, %dma_start3A_204] : memref<10240x128xf32, #tpu.memory_space<vmem_shared>> -> memref<10240x128xf32, #tpu.memory_space<vmem_shared>>
      tpu.enqueue_indirect_dma source(%arg5 : memref<128x128xf32, #tpu.memory_space<vmem>>) target(%dma_start3A_205 : memref<10240x128xf32, #tpu.memory_space<vmem_shared>>) offsets(%dma_start3A_202 : memref<128xi32, #tpu.memory_space<vmem>>) semaphore(%arg8 : memref<!tpu.dma_semaphore, #tpu.memory_space<semaphore_mem>>) {add = true}
      %dma_wait3A_206 = arith.constant 0 : i32
      %dma_wait3A_207 = tpu.memref_slice %arg4[%add3A_49, %dma_wait3A_206] : memref<80x128xi32, #tpu.memory_space<vmem>> -> memref<1x128xi32, #tpu.memory_space<vmem>>
      %dma_wait3A_208 = tpu.memref_squeeze %dma_wait3A_207 : memref<1x128xi32, #tpu.memory_space<vmem>> -> memref<128xi32, #tpu.memory_space<vmem>>
      %dma_wait3A_209 = arith.constant 0 : i32
      %dma_wait3A_210 = arith.constant 0 : i32
      %dma_wait3A_211 = tpu.memref_slice %arg7[%dma_wait3A_209, %dma_wait3A_210] : memref<10240x128xf32, #tpu.memory_space<vmem_shared>> -> memref<10240x128xf32, #tpu.memory_space<vmem_shared>>
      tpu.wait_indirect_dma semaphore(%arg8 : memref<!tpu.dma_semaphore, #tpu.memory_space<semaphore_mem>>) src(%arg5 : memref<128x128xf32, #tpu.memory_space<vmem>>) dst(%dma_wait3A_211 : memref<10240x128xf32, #tpu.memory_space<vmem_shared>>)
      %dma_wait3A_212 = arith.constant 0 : i32
      %dma_wait3A_213 = tpu.memref_slice %arg4[%add3A_59, %dma_wait3A_212] : memref<80x128xi32, #tpu.memory_space<vmem>> -> memref<1x128xi32, #tpu.memory_space<vmem>>
      %dma_wait3A_214 = tpu.memref_squeeze %dma_wait3A_213 : memref<1x128xi32, #tpu.memory_space<vmem>> -> memref<128xi32, #tpu.memory_space<vmem>>
      %dma_wait3A_215 = arith.constant 0 : i32
      %dma_wait3A_216 = arith.constant 0 : i32
      %dma_wait3A_217 = tpu.memref_slice %arg7[%dma_wait3A_215, %dma_wait3A_216] : memref<10240x128xf32, #tpu.memory_space<vmem_shared>> -> memref<10240x128xf32, #tpu.memory_space<vmem_shared>>
      tpu.wait_indirect_dma semaphore(%arg8 : memref<!tpu.dma_semaphore, #tpu.memory_space<semaphore_mem>>) src(%arg5 : memref<128x128xf32, #tpu.memory_space<vmem>>) dst(%dma_wait3A_217 : memref<10240x128xf32, #tpu.memory_space<vmem_shared>>)
      %dma_wait3A_218 = arith.constant 0 : i32
      %dma_wait3A_219 = tpu.memref_slice %arg4[%add3A_69, %dma_wait3A_218] : memref<80x128xi32, #tpu.memory_space<vmem>> -> memref<1x128xi32, #tpu.memory_space<vmem>>
      %dma_wait3A_220 = tpu.memref_squeeze %dma_wait3A_219 : memref<1x128xi32, #tpu.memory_space<vmem>> -> memref<128xi32, #tpu.memory_space<vmem>>
      %dma_wait3A_221 = arith.constant 0 : i32
      %dma_wait3A_222 = arith.constant 0 : i32
      %dma_wait3A_223 = tpu.memref_slice %arg7[%dma_wait3A_221, %dma_wait3A_222] : memref<10240x128xf32, #tpu.memory_space<vmem_shared>> -> memref<10240x128xf32, #tpu.memory_space<vmem_shared>>
      tpu.wait_indirect_dma semaphore(%arg8 : memref<!tpu.dma_semaphore, #tpu.memory_space<semaphore_mem>>) src(%arg5 : memref<128x128xf32, #tpu.memory_space<vmem>>) dst(%dma_wait3A_223 : memref<10240x128xf32, #tpu.memory_space<vmem_shared>>)
      %dma_wait3A_224 = arith.constant 0 : i32
      %dma_wait3A_225 = tpu.memref_slice %arg4[%add3A_79, %dma_wait3A_224] : memref<80x128xi32, #tpu.memory_space<vmem>> -> memref<1x128xi32, #tpu.memory_space<vmem>>
      %dma_wait3A_226 = tpu.memref_squeeze %dma_wait3A_225 : memref<1x128xi32, #tpu.memory_space<vmem>> -> memref<128xi32, #tpu.memory_space<vmem>>
      %dma_wait3A_227 = arith.constant 0 : i32
      %dma_wait3A_228 = arith.constant 0 : i32
      %dma_wait3A_229 = tpu.memref_slice %arg7[%dma_wait3A_227, %dma_wait3A_228] : memref<10240x128xf32, #tpu.memory_space<vmem_shared>> -> memref<10240x128xf32, #tpu.memory_space<vmem_shared>>
      tpu.wait_indirect_dma semaphore(%arg8 : memref<!tpu.dma_semaphore, #tpu.memory_space<semaphore_mem>>) src(%arg5 : memref<128x128xf32, #tpu.memory_space<vmem>>) dst(%dma_wait3A_229 : memref<10240x128xf32, #tpu.memory_space<vmem_shared>>)
      %dma_wait3A_230 = arith.constant 0 : i32
      %dma_wait3A_231 = tpu.memref_slice %arg4[%add3A_89, %dma_wait3A_230] : memref<80x128xi32, #tpu.memory_space<vmem>> -> memref<1x128xi32, #tpu.memory_space<vmem>>
      %dma_wait3A_232 = tpu.memref_squeeze %dma_wait3A_231 : memref<1x128xi32, #tpu.memory_space<vmem>> -> memref<128xi32, #tpu.memory_space<vmem>>
      %dma_wait3A_233 = arith.constant 0 : i32
      %dma_wait3A_234 = arith.constant 0 : i32
      %dma_wait3A_235 = tpu.memref_slice %arg7[%dma_wait3A_233, %dma_wait3A_234] : memref<10240x128xf32, #tpu.memory_space<vmem_shared>> -> memref<10240x128xf32, #tpu.memory_space<vmem_shared>>
      tpu.wait_indirect_dma semaphore(%arg8 : memref<!tpu.dma_semaphore, #tpu.memory_space<semaphore_mem>>) src(%arg5 : memref<128x128xf32, #tpu.memory_space<vmem>>) dst(%dma_wait3A_235 : memref<10240x128xf32, #tpu.memory_space<vmem_shared>>)
      %dma_wait3A_236 = arith.constant 0 : i32
      %dma_wait3A_237 = tpu.memref_slice %arg4[%add3A_99, %dma_wait3A_236] : memref<80x128xi32, #tpu.memory_space<vmem>> -> memref<1x128xi32, #tpu.memory_space<vmem>>
      %dma_wait3A_238 = tpu.memref_squeeze %dma_wait3A_237 : memref<1x128xi32, #tpu.memory_space<vmem>> -> memref<128xi32, #tpu.memory_space<vmem>>
      %dma_wait3A_239 = arith.constant 0 : i32
      %dma_wait3A_240 = arith.constant 0 : i32
      %dma_wait3A_241 = tpu.memref_slice %arg7[%dma_wait3A_239, %dma_wait3A_240] : memref<10240x128xf32, #tpu.memory_space<vmem_shared>> -> memref<10240x128xf32, #tpu.memory_space<vmem_shared>>
      tpu.wait_indirect_dma semaphore(%arg8 : memref<!tpu.dma_semaphore, #tpu.memory_space<semaphore_mem>>) src(%arg5 : memref<128x128xf32, #tpu.memory_space<vmem>>) dst(%dma_wait3A_241 : memref<10240x128xf32, #tpu.memory_space<vmem_shared>>)
      %dma_wait3A_242 = arith.constant 0 : i32
      %dma_wait3A_243 = tpu.memref_slice %arg4[%add3A_109, %dma_wait3A_242] : memref<80x128xi32, #tpu.memory_space<vmem>> -> memref<1x128xi32, #tpu.memory_space<vmem>>
      %dma_wait3A_244 = tpu.memref_squeeze %dma_wait3A_243 : memref<1x128xi32, #tpu.memory_space<vmem>> -> memref<128xi32, #tpu.memory_space<vmem>>
      %dma_wait3A_245 = arith.constant 0 : i32
      %dma_wait3A_246 = arith.constant 0 : i32
      %dma_wait3A_247 = tpu.memref_slice %arg7[%dma_wait3A_245, %dma_wait3A_246] : memref<10240x128xf32, #tpu.memory_space<vmem_shared>> -> memref<10240x128xf32, #tpu.memory_space<vmem_shared>>
      tpu.wait_indirect_dma semaphore(%arg8 : memref<!tpu.dma_semaphore, #tpu.memory_space<semaphore_mem>>) src(%arg5 : memref<128x128xf32, #tpu.memory_space<vmem>>) dst(%dma_wait3A_247 : memref<10240x128xf32, #tpu.memory_space<vmem_shared>>)
      %dma_wait3A_248 = arith.constant 0 : i32
      %dma_wait3A_249 = tpu.memref_slice %arg4[%add3A_119, %dma_wait3A_248] : memref<80x128xi32, #tpu.memory_space<vmem>> -> memref<1x128xi32, #tpu.memory_space<vmem>>
      %dma_wait3A_250 = tpu.memref_squeeze %dma_wait3A_249 : memref<1x128xi32, #tpu.memory_space<vmem>> -> memref<128xi32, #tpu.memory_space<vmem>>
      %dma_wait3A_251 = arith.constant 0 : i32
      %dma_wait3A_252 = arith.constant 0 : i32
      %dma_wait3A_253 = tpu.memref_slice %arg7[%dma_wait3A_251, %dma_wait3A_252] : memref<10240x128xf32, #tpu.memory_space<vmem_shared>> -> memref<10240x128xf32, #tpu.memory_space<vmem_shared>>
      tpu.wait_indirect_dma semaphore(%arg8 : memref<!tpu.dma_semaphore, #tpu.memory_space<semaphore_mem>>) src(%arg5 : memref<128x128xf32, #tpu.memory_space<vmem>>) dst(%dma_wait3A_253 : memref<10240x128xf32, #tpu.memory_space<vmem_shared>>)
      %dma_wait3A_254 = arith.constant 0 : i32
      %dma_wait3A_255 = tpu.memref_slice %arg4[%add3A_129, %dma_wait3A_254] : memref<80x128xi32, #tpu.memory_space<vmem>> -> memref<1x128xi32, #tpu.memory_space<vmem>>
      %dma_wait3A_256 = tpu.memref_squeeze %dma_wait3A_255 : memref<1x128xi32, #tpu.memory_space<vmem>> -> memref<128xi32, #tpu.memory_space<vmem>>
      %dma_wait3A_257 = arith.constant 0 : i32
      %dma_wait3A_258 = arith.constant 0 : i32
      %dma_wait3A_259 = tpu.memref_slice %arg7[%dma_wait3A_257, %dma_wait3A_258] : memref<10240x128xf32, #tpu.memory_space<vmem_shared>> -> memref<10240x128xf32, #tpu.memory_space<vmem_shared>>
      tpu.wait_indirect_dma semaphore(%arg8 : memref<!tpu.dma_semaphore, #tpu.memory_space<semaphore_mem>>) src(%arg5 : memref<128x128xf32, #tpu.memory_space<vmem>>) dst(%dma_wait3A_259 : memref<10240x128xf32, #tpu.memory_space<vmem_shared>>)
      %dma_wait3A_260 = arith.constant 0 : i32
      %dma_wait3A_261 = tpu.memref_slice %arg4[%add3A_139, %dma_wait3A_260] : memref<80x128xi32, #tpu.memory_space<vmem>> -> memref<1x128xi32, #tpu.memory_space<vmem>>
      %dma_wait3A_262 = tpu.memref_squeeze %dma_wait3A_261 : memref<1x128xi32, #tpu.memory_space<vmem>> -> memref<128xi32, #tpu.memory_space<vmem>>
      %dma_wait3A_263 = arith.constant 0 : i32
      %dma_wait3A_264 = arith.constant 0 : i32
      %dma_wait3A_265 = tpu.memref_slice %arg7[%dma_wait3A_263, %dma_wait3A_264] : memref<10240x128xf32, #tpu.memory_space<vmem_shared>> -> memref<10240x128xf32, #tpu.memory_space<vmem_shared>>
      tpu.wait_indirect_dma semaphore(%arg8 : memref<!tpu.dma_semaphore, #tpu.memory_space<semaphore_mem>>) src(%arg5 : memref<128x128xf32, #tpu.memory_space<vmem>>) dst(%dma_wait3A_265 : memref<10240x128xf32, #tpu.memory_space<vmem_shared>>)
      %dma_wait3A_266 = arith.constant 0 : i32
      %dma_wait3A_267 = tpu.memref_slice %arg4[%add3A_149, %dma_wait3A_266] : memref<80x128xi32, #tpu.memory_space<vmem>> -> memref<1x128xi32, #tpu.memory_space<vmem>>
      %dma_wait3A_268 = tpu.memref_squeeze %dma_wait3A_267 : memref<1x128xi32, #tpu.memory_space<vmem>> -> memref<128xi32, #tpu.memory_space<vmem>>
      %dma_wait3A_269 = arith.constant 0 : i32
      %dma_wait3A_270 = arith.constant 0 : i32
      %dma_wait3A_271 = tpu.memref_slice %arg7[%dma_wait3A_269, %dma_wait3A_270] : memref<10240x128xf32, #tpu.memory_space<vmem_shared>> -> memref<10240x128xf32, #tpu.memory_space<vmem_shared>>
      tpu.wait_indirect_dma semaphore(%arg8 : memref<!tpu.dma_semaphore, #tpu.memory_space<semaphore_mem>>) src(%arg5 : memref<128x128xf32, #tpu.memory_space<vmem>>) dst(%dma_wait3A_271 : memref<10240x128xf32, #tpu.memory_space<vmem_shared>>)
      %dma_wait3A_272 = arith.constant 0 : i32
      %dma_wait3A_273 = tpu.memref_slice %arg4[%add3A_159, %dma_wait3A_272] : memref<80x128xi32, #tpu.memory_space<vmem>> -> memref<1x128xi32, #tpu.memory_space<vmem>>
      %dma_wait3A_274 = tpu.memref_squeeze %dma_wait3A_273 : memref<1x128xi32, #tpu.memory_space<vmem>> -> memref<128xi32, #tpu.memory_space<vmem>>
      %dma_wait3A_275 = arith.constant 0 : i32
      %dma_wait3A_276 = arith.constant 0 : i32
      %dma_wait3A_277 = tpu.memref_slice %arg7[%dma_wait3A_275, %dma_wait3A_276] : memref<10240x128xf32, #tpu.memory_space<vmem_shared>> -> memref<10240x128xf32, #tpu.memory_space<vmem_shared>>
      tpu.wait_indirect_dma semaphore(%arg8 : memref<!tpu.dma_semaphore, #tpu.memory_space<semaphore_mem>>) src(%arg5 : memref<128x128xf32, #tpu.memory_space<vmem>>) dst(%dma_wait3A_277 : memref<10240x128xf32, #tpu.memory_space<vmem_shared>>)
      %dma_wait3A_278 = arith.constant 0 : i32
      %dma_wait3A_279 = tpu.memref_slice %arg4[%add3A_169, %dma_wait3A_278] : memref<80x128xi32, #tpu.memory_space<vmem>> -> memref<1x128xi32, #tpu.memory_space<vmem>>
      %dma_wait3A_280 = tpu.memref_squeeze %dma_wait3A_279 : memref<1x128xi32, #tpu.memory_space<vmem>> -> memref<128xi32, #tpu.memory_space<vmem>>
      %dma_wait3A_281 = arith.constant 0 : i32
      %dma_wait3A_282 = arith.constant 0 : i32
      %dma_wait3A_283 = tpu.memref_slice %arg7[%dma_wait3A_281, %dma_wait3A_282] : memref<10240x128xf32, #tpu.memory_space<vmem_shared>> -> memref<10240x128xf32, #tpu.memory_space<vmem_shared>>
      tpu.wait_indirect_dma semaphore(%arg8 : memref<!tpu.dma_semaphore, #tpu.memory_space<semaphore_mem>>) src(%arg5 : memref<128x128xf32, #tpu.memory_space<vmem>>) dst(%dma_wait3A_283 : memref<10240x128xf32, #tpu.memory_space<vmem_shared>>)
      %dma_wait3A_284 = arith.constant 0 : i32
      %dma_wait3A_285 = tpu.memref_slice %arg4[%add3A_179, %dma_wait3A_284] : memref<80x128xi32, #tpu.memory_space<vmem>> -> memref<1x128xi32, #tpu.memory_space<vmem>>
      %dma_wait3A_286 = tpu.memref_squeeze %dma_wait3A_285 : memref<1x128xi32, #tpu.memory_space<vmem>> -> memref<128xi32, #tpu.memory_space<vmem>>
      %dma_wait3A_287 = arith.constant 0 : i32
      %dma_wait3A_288 = arith.constant 0 : i32
      %dma_wait3A_289 = tpu.memref_slice %arg7[%dma_wait3A_287, %dma_wait3A_288] : memref<10240x128xf32, #tpu.memory_space<vmem_shared>> -> memref<10240x128xf32, #tpu.memory_space<vmem_shared>>
      tpu.wait_indirect_dma semaphore(%arg8 : memref<!tpu.dma_semaphore, #tpu.memory_space<semaphore_mem>>) src(%arg5 : memref<128x128xf32, #tpu.memory_space<vmem>>) dst(%dma_wait3A_289 : memref<10240x128xf32, #tpu.memory_space<vmem_shared>>)
      %dma_wait3A_290 = arith.constant 0 : i32
      %dma_wait3A_291 = tpu.memref_slice %arg4[%add3A_189, %dma_wait3A_290] : memref<80x128xi32, #tpu.memory_space<vmem>> -> memref<1x128xi32, #tpu.memory_space<vmem>>
      %dma_wait3A_292 = tpu.memref_squeeze %dma_wait3A_291 : memref<1x128xi32, #tpu.memory_space<vmem>> -> memref<128xi32, #tpu.memory_space<vmem>>
      %dma_wait3A_293 = arith.constant 0 : i32
      %dma_wait3A_294 = arith.constant 0 : i32
      %dma_wait3A_295 = tpu.memref_slice %arg7[%dma_wait3A_293, %dma_wait3A_294] : memref<10240x128xf32, #tpu.memory_space<vmem_shared>> -> memref<10240x128xf32, #tpu.memory_space<vmem_shared>>
      tpu.wait_indirect_dma semaphore(%arg8 : memref<!tpu.dma_semaphore, #tpu.memory_space<semaphore_mem>>) src(%arg5 : memref<128x128xf32, #tpu.memory_space<vmem>>) dst(%dma_wait3A_295 : memref<10240x128xf32, #tpu.memory_space<vmem_shared>>)
      %dma_wait3A_296 = arith.constant 0 : i32
      %dma_wait3A_297 = tpu.memref_slice %arg4[%add3A_199, %dma_wait3A_296] : memref<80x128xi32, #tpu.memory_space<vmem>> -> memref<1x128xi32, #tpu.memory_space<vmem>>
      %dma_wait3A_298 = tpu.memref_squeeze %dma_wait3A_297 : memref<1x128xi32, #tpu.memory_space<vmem>> -> memref<128xi32, #tpu.memory_space<vmem>>
      %dma_wait3A_299 = arith.constant 0 : i32
      %dma_wait3A_300 = arith.constant 0 : i32
      %dma_wait3A_301 = tpu.memref_slice %arg7[%dma_wait3A_299, %dma_wait3A_300] : memref<10240x128xf32, #tpu.memory_space<vmem_shared>> -> memref<10240x128xf32, #tpu.memory_space<vmem_shared>>
      tpu.wait_indirect_dma semaphore(%arg8 : memref<!tpu.dma_semaphore, #tpu.memory_space<semaphore_mem>>) src(%arg5 : memref<128x128xf32, #tpu.memory_space<vmem>>) dst(%dma_wait3A_301 : memref<10240x128xf32, #tpu.memory_space<vmem_shared>>)
      %scan3A_302 = arith.constant 0 : i32
      scf.yield %scan3A_302 : i32
    }
    %scan3A_38 = arith.constant 5 : i32
    %barrier3A_39 = arith.constant 0 : index
    tpu.barrier barrier_id(%barrier3A_39)
    %mul3A_40 = arith.constant 640 : i32
    %mul3A_41 = arith.muli %arg1, %mul3A_40 : i32
    %mul3A_42 = arith.constant 640 : i32
    %mul3A_43 = arith.muli %arg1, %mul3A_42 : i32
    "tpu.region"() ({
      %run_scoped3A = tpu.sem_alloc : memref<!tpu.dma_semaphore, #tpu.memory_space<semaphore_mem>>
      %dma_start3A_44 = arith.constant 0 : i32
      %dma_start3A_45 = tpu.memref_slice %arg3[%arg0, %mul3A_43, %dma_start3A_44] : memref<2x10240x128xf32, #tpu.memory_space<hbm>> -> memref<1x640x128xf32, #tpu.memory_space<hbm>>
      %dma_start3A_46 = tpu.memref_squeeze %dma_start3A_45 : memref<1x640x128xf32, #tpu.memory_space<hbm>> -> memref<640x128xf32, #tpu.memory_space<hbm>>
      %dma_start3A_47 = arith.constant 0 : i32
      %dma_start3A_48 = tpu.memref_slice %arg7[%mul3A_41, %dma_start3A_47] : memref<10240x128xf32, #tpu.memory_space<vmem_shared>> -> memref<640x128xf32, #tpu.memory_space<vmem_shared>>
      tpu.enqueue_dma source(%dma_start3A_48 : memref<640x128xf32, #tpu.memory_space<vmem_shared>>) target(%dma_start3A_46 : memref<640x128xf32, #tpu.memory_space<hbm>>) target_semaphore(%run_scoped3A : memref<!tpu.dma_semaphore, #tpu.memory_space<semaphore_mem>>)
      %dma_wait3A_49 = arith.constant 0 : i32
      %dma_wait3A_50 = tpu.memref_slice %arg3[%arg0, %mul3A_43, %dma_wait3A_49] : memref<2x10240x128xf32, #tpu.memory_space<hbm>> -> memref<1x640x128xf32, #tpu.memory_space<hbm>>
      %dma_wait3A_51 = tpu.memref_squeeze %dma_wait3A_50 : memref<1x640x128xf32, #tpu.memory_space<hbm>> -> memref<640x128xf32, #tpu.memory_space<hbm>>
      %dma_wait3A_52 = arith.constant 0 : i32
      %dma_wait3A_53 = tpu.memref_slice %arg7[%mul3A_41, %dma_wait3A_52] : memref<10240x128xf32, #tpu.memory_space<vmem_shared>> -> memref<640x128xf32, #tpu.memory_space<vmem_shared>>
      tpu.wait_dma2 semaphore(%run_scoped3A : memref<!tpu.dma_semaphore, #tpu.memory_space<semaphore_mem>>) src(%dma_wait3A_53 : memref<640x128xf32, #tpu.memory_space<vmem_shared>>) dst(%dma_wait3A_51 : memref<640x128xf32, #tpu.memory_space<hbm>>)
      tpu.yield
    }) : () -> ()
    return
  }
}

#map = affine_map<(d0, d1) -> (0, 0)>
#map1 = affine_map<(d0, d1) -> (0, 0, 0)>
module attributes {stable_mosaic.version = 14 : i64} {
  func.func @_scatter_kernel(%arg0: i32, %arg1: i32, %arg2: memref<10000x128xf32, #tpu.memory_space<hbm>>, %arg3: memref<2560x128xi32, #tpu.memory_space<hbm>>, %arg4: memref<2560x128xi32, #tpu.memory_space<hbm>>, %arg5: memref<2x10240x128xf32, #tpu.memory_space<hbm>>, %arg6: memref<40x128xi32, #tpu.memory_space<vmem>>, %arg7: memref<40x128xi32, #tpu.memory_space<vmem>>, %arg8: memref<2x128x128xf32, #tpu.memory_space<vmem>>, %arg9: memref<10240x128xf32, #tpu.memory_space<vmem_shared>>, %arg10: memref<!tpu.dma_semaphore, #tpu.memory_space<semaphore_mem>>, %arg11: memref<!tpu.dma_semaphore, #tpu.memory_space<semaphore_mem>>) attributes {dimension_semantics = [#tpu.dimension_semantics<core_parallel>, #tpu.dimension_semantics<subcore_parallel>], iteration_bounds = array<i64: 2, 16>, scalar_prefetch = 0 : i64, scratch_operands = 6 : i64, tpu.core_type = #tpu.core_type<sc_vector_subcore>, window_params = [{transform_indices = #map}, {transform_indices = #map}, {transform_indices = #map}, {transform_indices = #map1}]} {
    %mul3A = arith.constant 16 : i32
    %mul3A_0 = arith.muli %arg0, %mul3A : i32
    %add3A = arith.addi %mul3A_0, %arg1 : i32
    %broadcast_in_dim3A = arith.constant 0.000000e+00 : f32
    %broadcast_in_dim3A_1 = vector.broadcast %broadcast_in_dim3A : f32 to vector<16xf32>
    %scan3A = arith.constant 0 : i32
    %scan3A_2 = arith.constant 0 : i32
    %scan3A_3 = arith.constant 1024 : i32
    %scan3A_4 = arith.addi %scan3A_2, %scan3A_3 : i32
    %scan3A_5 = arith.constant 1 : i32
    %scan3A_6 = scf.for %scan3A_111 = %scan3A_2 to %scan3A_4 step %scan3A_5 iter_args(%scan3A_112 = %scan3A) -> (i32)  : i32 {
      %jit3A = arith.constant 8 : i32
      %div3A = arith.divsi %scan3A_111, %jit3A : i32
      %sign3A = arith.constant 0 : i32
      %sign3A_113 = arith.cmpi sgt, %scan3A_111, %sign3A : i32
      %sign3A_114 = arith.extui %sign3A_113 : i1 to i32
      %sign3A_115 = arith.constant 0 : i32
      %sign3A_116 = arith.cmpi slt, %scan3A_111, %sign3A_115 : i32
      %sign3A_117 = arith.extui %sign3A_116 : i1 to i32
      %sign3A_118 = arith.subi %sign3A_114, %sign3A_117 : i32
      %sign3A_119 = arith.constant 0 : i32
      %sign3A_120 = arith.cmpi sgt, %jit3A, %sign3A_119 : i32
      %sign3A_121 = arith.extui %sign3A_120 : i1 to i32
      %sign3A_122 = arith.constant 0 : i32
      %sign3A_123 = arith.cmpi slt, %jit3A, %sign3A_122 : i32
      %sign3A_124 = arith.extui %sign3A_123 : i1 to i32
      %sign3A_125 = arith.subi %sign3A_121, %sign3A_124 : i32
      %ne3A = arith.cmpi ne, %sign3A_118, %sign3A_125 : i32
      %rem3A = arith.remsi %scan3A_111, %jit3A : i32
      %ne3A_126 = arith.constant 0 : i32
      %ne3A_127 = arith.cmpi ne, %rem3A, %ne3A_126 : i32
      %and3A = arith.andi %ne3A, %ne3A_127 : i1
      %sub3A = arith.constant 1 : i32
      %sub3A_128 = arith.subi %div3A, %sub3A : i32
      %select_n3A = arith.select %and3A, %sub3A_128, %div3A : i32
      %jit3A_129 = arith.constant 8 : i32
      %eq3A = arith.constant 0 : i32
      %eq3A_130 = arith.cmpi eq, %jit3A_129, %eq3A : i32
      %jit3A_131 = arith.constant 1 : i32
      %select_n3A_132 = arith.select %eq3A_130, %jit3A_131, %jit3A_129 : i32
      %rem3A_133 = arith.remsi %scan3A_111, %select_n3A_132 : i32
      %ne3A_134 = arith.constant 0 : i32
      %ne3A_135 = arith.cmpi ne, %rem3A_133, %ne3A_134 : i32
      %lt3A = arith.constant 0 : i32
      %lt3A_136 = arith.cmpi slt, %rem3A_133, %lt3A : i32
      %lt3A_137 = arith.constant 0 : i32
      %lt3A_138 = arith.cmpi slt, %select_n3A_132, %lt3A_137 : i32
      %ne3A_139 = arith.xori %lt3A_136, %lt3A_138 : i1
      %and3A_140 = arith.andi %ne3A_139, %ne3A_135 : i1
      %add3A_141 = arith.addi %rem3A_133, %select_n3A_132 : i32
      %select_n3A_142 = arith.select %and3A_140, %add3A_141, %rem3A_133 : i32
      %mul3A_143 = arith.constant 16 : i32
      %mul3A_144 = arith.muli %mul3A_143, %select_n3A_142 : i32
      %swap3A = arith.constant 0 : i32
      %swap3A_145 = arith.index_cast %swap3A : i32 to index
      %swap3A_146 = arith.index_cast %select_n3A : i32 to index
      %swap3A_147 = arith.index_cast %mul3A_144 : i32 to index
      %swap3A_148 = tpu.vector_load %arg8[%swap3A_145, %swap3A_146, %swap3A_147] {strides = array<i32>} : memref<2x128x128xf32, #tpu.memory_space<vmem>>, vector<1x1x16xf32>,
      %swap3A_149 = vector.shape_cast %swap3A_148 : vector<1x1x16xf32> to vector<16xf32>
      %swap3A_150 = vector.shape_cast %broadcast_in_dim3A_1 : vector<16xf32> to vector<1x1x16xf32>
      tpu.vector_store %arg8[%swap3A_145, %swap3A_146, %swap3A_147], %swap3A_150 {strides = array<i32>} : memref<2x128x128xf32, #tpu.memory_space<vmem>>, vector<1x1x16xf32>,
      %scan3A_151 = arith.constant 0 : i32
      scf.yield %scan3A_151 : i32
    }
    %scan3A_7 = arith.constant 1024 : i32
    %scan3A_8 = arith.constant 0 : i32
    %scan3A_9 = arith.constant 0 : i32
    %scan3A_10 = arith.constant 5 : i32
    %scan3A_11 = arith.addi %scan3A_9, %scan3A_10 : i32
    %scan3A_12 = arith.constant 1 : i32
    %scan3A_13 = scf.for %scan3A_111 = %scan3A_9 to %scan3A_11 step %scan3A_12 iter_args(%scan3A_112 = %scan3A_8) -> (i32)  : i32 {
      %mul3A_113 = arith.constant 640 : i32
      %mul3A_114 = arith.muli %arg1, %mul3A_113 : i32
      %mul3A_115 = arith.constant 128 : i32
      %mul3A_116 = arith.muli %scan3A_111, %mul3A_115 : i32
      %add3A_117 = arith.addi %mul3A_114, %mul3A_116 : i32
      %run_scoped3A = arith.constant 0 : i32
      "tpu.region"() ({
        %run_scoped3A_119 = tpu.sem_alloc : memref<!tpu.dma_semaphore, #tpu.memory_space<semaphore_mem>>
        %dma_start3A_120 = arith.constant 0 : i32
        %dma_start3A_121 = arith.constant 0 : i32
        %dma_start3A_122 = tpu.memref_slice %arg8[%run_scoped3A, %dma_start3A_120, %dma_start3A_121] : memref<2x128x128xf32, #tpu.memory_space<vmem>> -> memref<1x128x128xf32, #tpu.memory_space<vmem>>
        %dma_start3A_123 = tpu.memref_squeeze %dma_start3A_122 : memref<1x128x128xf32, #tpu.memory_space<vmem>> -> memref<128x128xf32, #tpu.memory_space<vmem>>
        %dma_start3A_124 = arith.constant 0 : i32
        %dma_start3A_125 = tpu.memref_slice %arg9[%add3A_117, %dma_start3A_124] : memref<10240x128xf32, #tpu.memory_space<vmem_shared>> -> memref<128x128xf32, #tpu.memory_space<vmem_shared>>
        %dma_start3A_126 = arith.constant 0 : i32
        %dma_start3A_127 = tpu.memref_slice %arg9[%add3A_117, %dma_start3A_126] : memref<10240x128xf32, #tpu.memory_space<vmem_shared>> -> memref<128x128xf32, #tpu.memory_space<vmem_shared>>
        %dma_start3A_128 = arith.constant 0 : i32
        %dma_start3A_129 = arith.constant 0 : i32
        %dma_start3A_130 = tpu.memref_slice %arg8[%run_scoped3A, %dma_start3A_128, %dma_start3A_129] : memref<2x128x128xf32, #tpu.memory_space<vmem>> -> memref<1x128x128xf32, #tpu.memory_space<vmem>>
        %dma_start3A_131 = tpu.memref_squeeze %dma_start3A_130 : memref<1x128x128xf32, #tpu.memory_space<vmem>> -> memref<128x128xf32, #tpu.memory_space<vmem>>
        tpu.enqueue_dma source(%dma_start3A_131 : memref<128x128xf32, #tpu.memory_space<vmem>>) target(%dma_start3A_127 : memref<128x128xf32, #tpu.memory_space<vmem_shared>>) target_semaphore(%run_scoped3A_119 : memref<!tpu.dma_semaphore, #tpu.memory_space<semaphore_mem>>)
        %dma_wait3A = arith.constant 0 : i32
        %dma_wait3A_132 = arith.constant 0 : i32
        %dma_wait3A_133 = tpu.memref_slice %arg8[%run_scoped3A, %dma_wait3A, %dma_wait3A_132] : memref<2x128x128xf32, #tpu.memory_space<vmem>> -> memref<1x128x128xf32, #tpu.memory_space<vmem>>
        %dma_wait3A_134 = tpu.memref_squeeze %dma_wait3A_133 : memref<1x128x128xf32, #tpu.memory_space<vmem>> -> memref<128x128xf32, #tpu.memory_space<vmem>>
        %dma_wait3A_135 = arith.constant 0 : i32
        %dma_wait3A_136 = tpu.memref_slice %arg9[%add3A_117, %dma_wait3A_135] : memref<10240x128xf32, #tpu.memory_space<vmem_shared>> -> memref<128x128xf32, #tpu.memory_space<vmem_shared>>
        %dma_wait3A_137 = arith.constant 0 : i32
        %dma_wait3A_138 = tpu.memref_slice %arg9[%add3A_117, %dma_wait3A_137] : memref<10240x128xf32, #tpu.memory_space<vmem_shared>> -> memref<128x128xf32, #tpu.memory_space<vmem_shared>>
        %dma_wait3A_139 = arith.constant 0 : i32
        %dma_wait3A_140 = arith.constant 0 : i32
        %dma_wait3A_141 = tpu.memref_slice %arg8[%run_scoped3A, %dma_wait3A_139, %dma_wait3A_140] : memref<2x128x128xf32, #tpu.memory_space<vmem>> -> memref<1x128x128xf32, #tpu.memory_space<vmem>>
        %dma_wait3A_142 = tpu.memref_squeeze %dma_wait3A_141 : memref<1x128x128xf32, #tpu.memory_space<vmem>> -> memref<128x128xf32, #tpu.memory_space<vmem>>
        tpu.wait_dma2 semaphore(%run_scoped3A_119 : memref<!tpu.dma_semaphore, #tpu.memory_space<semaphore_mem>>) src(%dma_wait3A_142 : memref<128x128xf32, #tpu.memory_space<vmem>>) dst(%dma_wait3A_138 : memref<128x128xf32, #tpu.memory_space<vmem_shared>>)
        tpu.yield
      }) : () -> ()
      %scan3A_118 = arith.constant 0 : i32
      scf.yield %scan3A_118 : i32
    }
    %scan3A_14 = arith.constant 5 : i32
    %mul3A_15 = arith.constant 80 : i32
    %mul3A_16 = arith.muli %add3A, %mul3A_15 : i32
    %add3A_17 = arith.constant 0 : i32
    %add3A_18 = arith.addi %mul3A_16, %add3A_17 : i32
    "tpu.region"() ({
      %run_scoped3A = tpu.sem_alloc : memref<!tpu.dma_semaphore, #tpu.memory_space<semaphore_mem>>
      %dma_start3A_111 = arith.constant 0 : i32
      %dma_start3A_112 = tpu.memref_slice %arg3[%add3A_18, %dma_start3A_111] : memref<2560x128xi32, #tpu.memory_space<hbm>> -> memref<40x128xi32, #tpu.memory_space<hbm>>
      %dma_start3A_113 = arith.constant 0 : i32
      %dma_start3A_114 = tpu.memref_slice %arg3[%add3A_18, %dma_start3A_113] : memref<2560x128xi32, #tpu.memory_space<hbm>> -> memref<40x128xi32, #tpu.memory_space<hbm>>
      tpu.enqueue_dma source(%dma_start3A_114 : memref<40x128xi32, #tpu.memory_space<hbm>>) target(%arg6 : memref<40x128xi32, #tpu.memory_space<vmem>>) target_semaphore(%run_scoped3A : memref<!tpu.dma_semaphore, #tpu.memory_space<semaphore_mem>>)
      %dma_wait3A = arith.constant 0 : i32
      %dma_wait3A_115 = tpu.memref_slice %arg3[%add3A_18, %dma_wait3A] : memref<2560x128xi32, #tpu.memory_space<hbm>> -> memref<40x128xi32, #tpu.memory_space<hbm>>
      %dma_wait3A_116 = arith.constant 0 : i32
      %dma_wait3A_117 = tpu.memref_slice %arg3[%add3A_18, %dma_wait3A_116] : memref<2560x128xi32, #tpu.memory_space<hbm>> -> memref<40x128xi32, #tpu.memory_space<hbm>>
      tpu.wait_dma2 semaphore(%run_scoped3A : memref<!tpu.dma_semaphore, #tpu.memory_space<semaphore_mem>>) src(%dma_wait3A_117 : memref<40x128xi32, #tpu.memory_space<hbm>>) dst(%arg6 : memref<40x128xi32, #tpu.memory_space<vmem>>)
      tpu.yield
    }) : () -> ()
    %mul3A_19 = arith.constant 80 : i32
    %mul3A_20 = arith.muli %add3A, %mul3A_19 : i32
    %add3A_21 = arith.constant 0 : i32
    %add3A_22 = arith.addi %mul3A_20, %add3A_21 : i32
    "tpu.region"() ({
      %run_scoped3A = tpu.sem_alloc : memref<!tpu.dma_semaphore, #tpu.memory_space<semaphore_mem>>
      %dma_start3A_111 = arith.constant 0 : i32
      %dma_start3A_112 = tpu.memref_slice %arg4[%add3A_22, %dma_start3A_111] : memref<2560x128xi32, #tpu.memory_space<hbm>> -> memref<40x128xi32, #tpu.memory_space<hbm>>
      %dma_start3A_113 = arith.constant 0 : i32
      %dma_start3A_114 = tpu.memref_slice %arg4[%add3A_22, %dma_start3A_113] : memref<2560x128xi32, #tpu.memory_space<hbm>> -> memref<40x128xi32, #tpu.memory_space<hbm>>
      tpu.enqueue_dma source(%dma_start3A_114 : memref<40x128xi32, #tpu.memory_space<hbm>>) target(%arg7 : memref<40x128xi32, #tpu.memory_space<vmem>>) target_semaphore(%run_scoped3A : memref<!tpu.dma_semaphore, #tpu.memory_space<semaphore_mem>>)
      %dma_wait3A = arith.constant 0 : i32
      %dma_wait3A_115 = tpu.memref_slice %arg4[%add3A_22, %dma_wait3A] : memref<2560x128xi32, #tpu.memory_space<hbm>> -> memref<40x128xi32, #tpu.memory_space<hbm>>
      %dma_wait3A_116 = arith.constant 0 : i32
      %dma_wait3A_117 = tpu.memref_slice %arg4[%add3A_22, %dma_wait3A_116] : memref<2560x128xi32, #tpu.memory_space<hbm>> -> memref<40x128xi32, #tpu.memory_space<hbm>>
      tpu.wait_dma2 semaphore(%run_scoped3A : memref<!tpu.dma_semaphore, #tpu.memory_space<semaphore_mem>>) src(%dma_wait3A_117 : memref<40x128xi32, #tpu.memory_space<hbm>>) dst(%arg7 : memref<40x128xi32, #tpu.memory_space<vmem>>)
      tpu.yield
    }) : () -> ()
    %dma_start3A = arith.constant 0 : i32
    %dma_start3A_23 = arith.constant 0 : i32
    %dma_start3A_24 = arith.constant 0 : i32
    %dma_start3A_25 = arith.constant 0 : i32
    %dma_start3A_26 = tpu.memref_slice %arg8[%dma_start3A_23, %dma_start3A_24, %dma_start3A_25] : memref<2x128x128xf32, #tpu.memory_space<vmem>> -> memref<1x128x128xf32, #tpu.memory_space<vmem>>
    %dma_start3A_27 = tpu.memref_squeeze %dma_start3A_26 : memref<1x128x128xf32, #tpu.memory_space<vmem>> -> memref<128x128xf32, #tpu.memory_space<vmem>>
    %dma_start3A_28 = arith.constant 0 : i32
    %dma_start3A_29 = tpu.memref_slice %arg6[%dma_start3A, %dma_start3A_28] : memref<40x128xi32, #tpu.memory_space<vmem>> -> memref<1x128xi32, #tpu.memory_space<vmem>>
    %dma_start3A_30 = tpu.memref_squeeze %dma_start3A_29 : memref<1x128xi32, #tpu.memory_space<vmem>> -> memref<128xi32, #tpu.memory_space<vmem>>
    %dma_start3A_31 = arith.constant 0 : i32
    %dma_start3A_32 = arith.constant 0 : i32
    %dma_start3A_33 = tpu.memref_slice %arg2[%dma_start3A_31, %dma_start3A_32] : memref<10000x128xf32, #tpu.memory_space<hbm>> -> memref<10000x128xf32, #tpu.memory_space<hbm>>
    tpu.enqueue_indirect_dma source(%dma_start3A_33 : memref<10000x128xf32, #tpu.memory_space<hbm>>) target(%dma_start3A_27 : memref<128x128xf32, #tpu.memory_space<vmem>>) offsets(%dma_start3A_30 : memref<128xi32, #tpu.memory_space<vmem>>) semaphore(%arg10 : memref<!tpu.dma_semaphore, #tpu.memory_space<semaphore_mem>>)
    %dma_start3A_34 = arith.constant 1 : i32
    %dma_start3A_35 = arith.constant 1 : i32
    %dma_start3A_36 = arith.constant 0 : i32
    %dma_start3A_37 = arith.constant 0 : i32
    %dma_start3A_38 = tpu.memref_slice %arg8[%dma_start3A_35, %dma_start3A_36, %dma_start3A_37] : memref<2x128x128xf32, #tpu.memory_space<vmem>> -> memref<1x128x128xf32, #tpu.memory_space<vmem>>
    %dma_start3A_39 = tpu.memref_squeeze %dma_start3A_38 : memref<1x128x128xf32, #tpu.memory_space<vmem>> -> memref<128x128xf32, #tpu.memory_space<vmem>>
    %dma_start3A_40 = arith.constant 0 : i32
    %dma_start3A_41 = tpu.memref_slice %arg6[%dma_start3A_34, %dma_start3A_40] : memref<40x128xi32, #tpu.memory_space<vmem>> -> memref<1x128xi32, #tpu.memory_space<vmem>>
    %dma_start3A_42 = tpu.memref_squeeze %dma_start3A_41 : memref<1x128xi32, #tpu.memory_space<vmem>> -> memref<128xi32, #tpu.memory_space<vmem>>
    %dma_start3A_43 = arith.constant 0 : i32
    %dma_start3A_44 = arith.constant 0 : i32
    %dma_start3A_45 = tpu.memref_slice %arg2[%dma_start3A_43, %dma_start3A_44] : memref<10000x128xf32, #tpu.memory_space<hbm>> -> memref<10000x128xf32, #tpu.memory_space<hbm>>
    tpu.enqueue_indirect_dma source(%dma_start3A_45 : memref<10000x128xf32, #tpu.memory_space<hbm>>) target(%dma_start3A_39 : memref<128x128xf32, #tpu.memory_space<vmem>>) offsets(%dma_start3A_42 : memref<128xi32, #tpu.memory_space<vmem>>) semaphore(%arg10 : memref<!tpu.dma_semaphore, #tpu.memory_space<semaphore_mem>>)
    %barrier3A = arith.constant 0 : index
    tpu.barrier barrier_id(%barrier3A)
    %scan3A_46 = arith.constant 0 : i32
    %scan3A_47 = arith.constant 0 : i32
    %scan3A_48 = arith.constant 38 : i32
    %scan3A_49 = arith.addi %scan3A_47, %scan3A_48 : i32
    %scan3A_50 = arith.constant 1 : i32
    %scan3A_51 = scf.for %scan3A_111 = %scan3A_47 to %scan3A_49 step %scan3A_50 iter_args(%scan3A_112 = %scan3A_46) -> (i32)  : i32 {
      %jit3A = arith.constant 2 : i32
      %eq3A = arith.constant 0 : i32
      %eq3A_113 = arith.cmpi eq, %jit3A, %eq3A : i32
      %jit3A_114 = arith.constant 1 : i32
      %select_n3A = arith.select %eq3A_113, %jit3A_114, %jit3A : i32
      %rem3A = arith.remsi %scan3A_111, %select_n3A : i32
      %ne3A = arith.constant 0 : i32
      %ne3A_115 = arith.cmpi ne, %rem3A, %ne3A : i32
      %lt3A = arith.constant 0 : i32
      %lt3A_116 = arith.cmpi slt, %rem3A, %lt3A : i32
      %lt3A_117 = arith.constant 0 : i32
      %lt3A_118 = arith.cmpi slt, %select_n3A, %lt3A_117 : i32
      %ne3A_119 = arith.xori %lt3A_116, %lt3A_118 : i1
      %and3A = arith.andi %ne3A_119, %ne3A_115 : i1
      %add3A_120 = arith.addi %rem3A, %select_n3A : i32
      %select_n3A_121 = arith.select %and3A, %add3A_120, %rem3A : i32
      %dma_wait3A = arith.constant 0 : i32
      %dma_wait3A_122 = arith.constant 0 : i32
      %dma_wait3A_123 = tpu.memref_slice %arg8[%select_n3A_121, %dma_wait3A, %dma_wait3A_122] : memref<2x128x128xf32, #tpu.memory_space<vmem>> -> memref<1x128x128xf32, #tpu.memory_space<vmem>>
      %dma_wait3A_124 = tpu.memref_squeeze %dma_wait3A_123 : memref<1x128x128xf32, #tpu.memory_space<vmem>> -> memref<128x128xf32, #tpu.memory_space<vmem>>
      %dma_wait3A_125 = arith.constant 0 : i32
      %dma_wait3A_126 = tpu.memref_slice %arg6[%scan3A_111, %dma_wait3A_125] : memref<40x128xi32, #tpu.memory_space<vmem>> -> memref<1x128xi32, #tpu.memory_space<vmem>>
      %dma_wait3A_127 = tpu.memref_squeeze %dma_wait3A_126 : memref<1x128xi32, #tpu.memory_space<vmem>> -> memref<128xi32, #tpu.memory_space<vmem>>
      %dma_wait3A_128 = arith.constant 0 : i32
      %dma_wait3A_129 = arith.constant 0 : i32
      %dma_wait3A_130 = tpu.memref_slice %arg2[%dma_wait3A_128, %dma_wait3A_129] : memref<10000x128xf32, #tpu.memory_space<hbm>> -> memref<10000x128xf32, #tpu.memory_space<hbm>>
      tpu.wait_indirect_dma semaphore(%arg10 : memref<!tpu.dma_semaphore, #tpu.memory_space<semaphore_mem>>) src(%dma_wait3A_130 : memref<10000x128xf32, #tpu.memory_space<hbm>>) dst(%dma_wait3A_124 : memref<128x128xf32, #tpu.memory_space<vmem>>)
      %dma_start3A_131 = arith.constant 0 : i32
      %dma_start3A_132 = arith.constant 0 : i32
      %dma_start3A_133 = tpu.memref_slice %arg8[%select_n3A_121, %dma_start3A_131, %dma_start3A_132] : memref<2x128x128xf32, #tpu.memory_space<vmem>> -> memref<1x128x128xf32, #tpu.memory_space<vmem>>
      %dma_start3A_134 = tpu.memref_squeeze %dma_start3A_133 : memref<1x128x128xf32, #tpu.memory_space<vmem>> -> memref<128x128xf32, #tpu.memory_space<vmem>>
      %dma_start3A_135 = arith.constant 0 : i32
      %dma_start3A_136 = tpu.memref_slice %arg7[%scan3A_111, %dma_start3A_135] : memref<40x128xi32, #tpu.memory_space<vmem>> -> memref<1x128xi32, #tpu.memory_space<vmem>>
      %dma_start3A_137 = tpu.memref_squeeze %dma_start3A_136 : memref<1x128xi32, #tpu.memory_space<vmem>> -> memref<128xi32, #tpu.memory_space<vmem>>
      %dma_start3A_138 = arith.constant 0 : i32
      %dma_start3A_139 = arith.constant 0 : i32
      %dma_start3A_140 = tpu.memref_slice %arg9[%dma_start3A_138, %dma_start3A_139] : memref<10240x128xf32, #tpu.memory_space<vmem_shared>> -> memref<10240x128xf32, #tpu.memory_space<vmem_shared>>
      tpu.enqueue_indirect_dma source(%dma_start3A_134 : memref<128x128xf32, #tpu.memory_space<vmem>>) target(%dma_start3A_140 : memref<10240x128xf32, #tpu.memory_space<vmem_shared>>) offsets(%dma_start3A_137 : memref<128xi32, #tpu.memory_space<vmem>>) semaphore(%arg11 : memref<!tpu.dma_semaphore, #tpu.memory_space<semaphore_mem>>) {add = true}
      %dma_wait3A_141 = arith.constant 0 : i32
      %dma_wait3A_142 = arith.constant 0 : i32
      %dma_wait3A_143 = tpu.memref_slice %arg8[%select_n3A_121, %dma_wait3A_141, %dma_wait3A_142] : memref<2x128x128xf32, #tpu.memory_space<vmem>> -> memref<1x128x128xf32, #tpu.memory_space<vmem>>
      %dma_wait3A_144 = tpu.memref_squeeze %dma_wait3A_143 : memref<1x128x128xf32, #tpu.memory_space<vmem>> -> memref<128x128xf32, #tpu.memory_space<vmem>>
      %dma_wait3A_145 = arith.constant 0 : i32
      %dma_wait3A_146 = tpu.memref_slice %arg7[%scan3A_111, %dma_wait3A_145] : memref<40x128xi32, #tpu.memory_space<vmem>> -> memref<1x128xi32, #tpu.memory_space<vmem>>
      %dma_wait3A_147 = tpu.memref_squeeze %dma_wait3A_146 : memref<1x128xi32, #tpu.memory_space<vmem>> -> memref<128xi32, #tpu.memory_space<vmem>>
      %dma_wait3A_148 = arith.constant 0 : i32
      %dma_wait3A_149 = arith.constant 0 : i32
      %dma_wait3A_150 = tpu.memref_slice %arg9[%dma_wait3A_148, %dma_wait3A_149] : memref<10240x128xf32, #tpu.memory_space<vmem_shared>> -> memref<10240x128xf32, #tpu.memory_space<vmem_shared>>
      tpu.wait_indirect_dma semaphore(%arg11 : memref<!tpu.dma_semaphore, #tpu.memory_space<semaphore_mem>>) src(%dma_wait3A_144 : memref<128x128xf32, #tpu.memory_space<vmem>>) dst(%dma_wait3A_150 : memref<10240x128xf32, #tpu.memory_space<vmem_shared>>)
      %add3A_151 = arith.constant 2 : i32
      %add3A_152 = arith.addi %scan3A_111, %add3A_151 : i32
      %dma_start3A_153 = arith.constant 0 : i32
      %dma_start3A_154 = arith.constant 0 : i32
      %dma_start3A_155 = tpu.memref_slice %arg8[%select_n3A_121, %dma_start3A_153, %dma_start3A_154] : memref<2x128x128xf32, #tpu.memory_space<vmem>> -> memref<1x128x128xf32, #tpu.memory_space<vmem>>
      %dma_start3A_156 = tpu.memref_squeeze %dma_start3A_155 : memref<1x128x128xf32, #tpu.memory_space<vmem>> -> memref<128x128xf32, #tpu.memory_space<vmem>>
      %dma_start3A_157 = arith.constant 0 : i32
      %dma_start3A_158 = tpu.memref_slice %arg6[%add3A_152, %dma_start3A_157] : memref<40x128xi32, #tpu.memory_space<vmem>> -> memref<1x128xi32, #tpu.memory_space<vmem>>
      %dma_start3A_159 = tpu.memref_squeeze %dma_start3A_158 : memref<1x128xi32, #tpu.memory_space<vmem>> -> memref<128xi32, #tpu.memory_space<vmem>>
      %dma_start3A_160 = arith.constant 0 : i32
      %dma_start3A_161 = arith.constant 0 : i32
      %dma_start3A_162 = tpu.memref_slice %arg2[%dma_start3A_160, %dma_start3A_161] : memref<10000x128xf32, #tpu.memory_space<hbm>> -> memref<10000x128xf32, #tpu.memory_space<hbm>>
      tpu.enqueue_indirect_dma source(%dma_start3A_162 : memref<10000x128xf32, #tpu.memory_space<hbm>>) target(%dma_start3A_156 : memref<128x128xf32, #tpu.memory_space<vmem>>) offsets(%dma_start3A_159 : memref<128xi32, #tpu.memory_space<vmem>>) semaphore(%arg10 : memref<!tpu.dma_semaphore, #tpu.memory_space<semaphore_mem>>)
      %scan3A_163 = arith.constant 0 : i32
      scf.yield %scan3A_163 : i32
    }
    %scan3A_52 = arith.constant 38 : i32
    %scan3A_53 = arith.constant 0 : i32
    %scan3A_54 = arith.constant 38 : i32
    %scan3A_55 = arith.constant 2 : i32
    %scan3A_56 = arith.addi %scan3A_54, %scan3A_55 : i32
    %scan3A_57 = arith.constant 1 : i32
    %scan3A_58 = scf.for %scan3A_111 = %scan3A_54 to %scan3A_56 step %scan3A_57 iter_args(%scan3A_112 = %scan3A_53) -> (i32)  : i32 {
      %jit3A = arith.constant 2 : i32
      %eq3A = arith.constant 0 : i32
      %eq3A_113 = arith.cmpi eq, %jit3A, %eq3A : i32
      %jit3A_114 = arith.constant 1 : i32
      %select_n3A = arith.select %eq3A_113, %jit3A_114, %jit3A : i32
      %rem3A = arith.remsi %scan3A_111, %select_n3A : i32
      %ne3A = arith.constant 0 : i32
      %ne3A_115 = arith.cmpi ne, %rem3A, %ne3A : i32
      %lt3A = arith.constant 0 : i32
      %lt3A_116 = arith.cmpi slt, %rem3A, %lt3A : i32
      %lt3A_117 = arith.constant 0 : i32
      %lt3A_118 = arith.cmpi slt, %select_n3A, %lt3A_117 : i32
      %ne3A_119 = arith.xori %lt3A_116, %lt3A_118 : i1
      %and3A = arith.andi %ne3A_119, %ne3A_115 : i1
      %add3A_120 = arith.addi %rem3A, %select_n3A : i32
      %select_n3A_121 = arith.select %and3A, %add3A_120, %rem3A : i32
      %dma_wait3A = arith.constant 0 : i32
      %dma_wait3A_122 = arith.constant 0 : i32
      %dma_wait3A_123 = tpu.memref_slice %arg8[%select_n3A_121, %dma_wait3A, %dma_wait3A_122] : memref<2x128x128xf32, #tpu.memory_space<vmem>> -> memref<1x128x128xf32, #tpu.memory_space<vmem>>
      %dma_wait3A_124 = tpu.memref_squeeze %dma_wait3A_123 : memref<1x128x128xf32, #tpu.memory_space<vmem>> -> memref<128x128xf32, #tpu.memory_space<vmem>>
      %dma_wait3A_125 = arith.constant 0 : i32
      %dma_wait3A_126 = tpu.memref_slice %arg6[%scan3A_111, %dma_wait3A_125] : memref<40x128xi32, #tpu.memory_space<vmem>> -> memref<1x128xi32, #tpu.memory_space<vmem>>
      %dma_wait3A_127 = tpu.memref_squeeze %dma_wait3A_126 : memref<1x128xi32, #tpu.memory_space<vmem>> -> memref<128xi32, #tpu.memory_space<vmem>>
      %dma_wait3A_128 = arith.constant 0 : i32
      %dma_wait3A_129 = arith.constant 0 : i32
      %dma_wait3A_130 = tpu.memref_slice %arg2[%dma_wait3A_128, %dma_wait3A_129] : memref<10000x128xf32, #tpu.memory_space<hbm>> -> memref<10000x128xf32, #tpu.memory_space<hbm>>
      tpu.wait_indirect_dma semaphore(%arg10 : memref<!tpu.dma_semaphore, #tpu.memory_space<semaphore_mem>>) src(%dma_wait3A_130 : memref<10000x128xf32, #tpu.memory_space<hbm>>) dst(%dma_wait3A_124 : memref<128x128xf32, #tpu.memory_space<vmem>>)
      "tpu.region"() ({
        %run_scoped3A = tpu.sem_alloc : memref<!tpu.dma_semaphore, #tpu.memory_space<semaphore_mem>>
        %dma_start3A_132 = arith.constant 0 : i32
        %dma_start3A_133 = arith.constant 0 : i32
        %dma_start3A_134 = tpu.memref_slice %arg8[%select_n3A_121, %dma_start3A_132, %dma_start3A_133] : memref<2x128x128xf32, #tpu.memory_space<vmem>> -> memref<1x128x128xf32, #tpu.memory_space<vmem>>
        %dma_start3A_135 = tpu.memref_squeeze %dma_start3A_134 : memref<1x128x128xf32, #tpu.memory_space<vmem>> -> memref<128x128xf32, #tpu.memory_space<vmem>>
        %dma_start3A_136 = arith.constant 0 : i32
        %dma_start3A_137 = tpu.memref_slice %arg7[%scan3A_111, %dma_start3A_136] : memref<40x128xi32, #tpu.memory_space<vmem>> -> memref<1x128xi32, #tpu.memory_space<vmem>>
        %dma_start3A_138 = tpu.memref_squeeze %dma_start3A_137 : memref<1x128xi32, #tpu.memory_space<vmem>> -> memref<128xi32, #tpu.memory_space<vmem>>
        %dma_start3A_139 = arith.constant 0 : i32
        %dma_start3A_140 = arith.constant 0 : i32
        %dma_start3A_141 = tpu.memref_slice %arg9[%dma_start3A_139, %dma_start3A_140] : memref<10240x128xf32, #tpu.memory_space<vmem_shared>> -> memref<10240x128xf32, #tpu.memory_space<vmem_shared>>
        tpu.enqueue_indirect_dma source(%dma_start3A_135 : memref<128x128xf32, #tpu.memory_space<vmem>>) target(%dma_start3A_141 : memref<10240x128xf32, #tpu.memory_space<vmem_shared>>) offsets(%dma_start3A_138 : memref<128xi32, #tpu.memory_space<vmem>>) semaphore(%run_scoped3A : memref<!tpu.dma_semaphore, #tpu.memory_space<semaphore_mem>>) {add = true}
        %dma_wait3A_142 = arith.constant 0 : i32
        %dma_wait3A_143 = arith.constant 0 : i32
        %dma_wait3A_144 = tpu.memref_slice %arg8[%select_n3A_121, %dma_wait3A_142, %dma_wait3A_143] : memref<2x128x128xf32, #tpu.memory_space<vmem>> -> memref<1x128x128xf32, #tpu.memory_space<vmem>>
        %dma_wait3A_145 = tpu.memref_squeeze %dma_wait3A_144 : memref<1x128x128xf32, #tpu.memory_space<vmem>> -> memref<128x128xf32, #tpu.memory_space<vmem>>
        %dma_wait3A_146 = arith.constant 0 : i32
        %dma_wait3A_147 = tpu.memref_slice %arg7[%scan3A_111, %dma_wait3A_146] : memref<40x128xi32, #tpu.memory_space<vmem>> -> memref<1x128xi32, #tpu.memory_space<vmem>>
        %dma_wait3A_148 = tpu.memref_squeeze %dma_wait3A_147 : memref<1x128xi32, #tpu.memory_space<vmem>> -> memref<128xi32, #tpu.memory_space<vmem>>
        %dma_wait3A_149 = arith.constant 0 : i32
        %dma_wait3A_150 = arith.constant 0 : i32
        %dma_wait3A_151 = tpu.memref_slice %arg9[%dma_wait3A_149, %dma_wait3A_150] : memref<10240x128xf32, #tpu.memory_space<vmem_shared>> -> memref<10240x128xf32, #tpu.memory_space<vmem_shared>>
        tpu.wait_indirect_dma semaphore(%run_scoped3A : memref<!tpu.dma_semaphore, #tpu.memory_space<semaphore_mem>>) src(%dma_wait3A_145 : memref<128x128xf32, #tpu.memory_space<vmem>>) dst(%dma_wait3A_151 : memref<10240x128xf32, #tpu.memory_space<vmem_shared>>)
        tpu.yield
      }) : () -> ()
      %scan3A_131 = arith.constant 0 : i32
      scf.yield %scan3A_131 : i32
    }
    %scan3A_59 = arith.constant 2 : i32
    %mul3A_60 = arith.constant 80 : i32
    %mul3A_61 = arith.muli %add3A, %mul3A_60 : i32
    %add3A_62 = arith.constant 40 : i32
    %add3A_63 = arith.addi %mul3A_61, %add3A_62 : i32
    "tpu.region"() ({
      %run_scoped3A = tpu.sem_alloc : memref<!tpu.dma_semaphore, #tpu.memory_space<semaphore_mem>>
      %dma_start3A_111 = arith.constant 0 : i32
      %dma_start3A_112 = tpu.memref_slice %arg3[%add3A_63, %dma_start3A_111] : memref<2560x128xi32, #tpu.memory_space<hbm>> -> memref<40x128xi32, #tpu.memory_space<hbm>>
      %dma_start3A_113 = arith.constant 0 : i32
      %dma_start3A_114 = tpu.memref_slice %arg3[%add3A_63, %dma_start3A_113] : memref<2560x128xi32, #tpu.memory_space<hbm>> -> memref<40x128xi32, #tpu.memory_space<hbm>>
      tpu.enqueue_dma source(%dma_start3A_114 : memref<40x128xi32, #tpu.memory_space<hbm>>) target(%arg6 : memref<40x128xi32, #tpu.memory_space<vmem>>) target_semaphore(%run_scoped3A : memref<!tpu.dma_semaphore, #tpu.memory_space<semaphore_mem>>)
      %dma_wait3A = arith.constant 0 : i32
      %dma_wait3A_115 = tpu.memref_slice %arg3[%add3A_63, %dma_wait3A] : memref<2560x128xi32, #tpu.memory_space<hbm>> -> memref<40x128xi32, #tpu.memory_space<hbm>>
      %dma_wait3A_116 = arith.constant 0 : i32
      %dma_wait3A_117 = tpu.memref_slice %arg3[%add3A_63, %dma_wait3A_116] : memref<2560x128xi32, #tpu.memory_space<hbm>> -> memref<40x128xi32, #tpu.memory_space<hbm>>
      tpu.wait_dma2 semaphore(%run_scoped3A : memref<!tpu.dma_semaphore, #tpu.memory_space<semaphore_mem>>) src(%dma_wait3A_117 : memref<40x128xi32, #tpu.memory_space<hbm>>) dst(%arg6 : memref<40x128xi32, #tpu.memory_space<vmem>>)
      tpu.yield
    }) : () -> ()
    %mul3A_64 = arith.constant 80 : i32
    %mul3A_65 = arith.muli %add3A, %mul3A_64 : i32
    %add3A_66 = arith.constant 40 : i32
    %add3A_67 = arith.addi %mul3A_65, %add3A_66 : i32
    "tpu.region"() ({
      %run_scoped3A = tpu.sem_alloc : memref<!tpu.dma_semaphore, #tpu.memory_space<semaphore_mem>>
      %dma_start3A_111 = arith.constant 0 : i32
      %dma_start3A_112 = tpu.memref_slice %arg4[%add3A_67, %dma_start3A_111] : memref<2560x128xi32, #tpu.memory_space<hbm>> -> memref<40x128xi32, #tpu.memory_space<hbm>>
      %dma_start3A_113 = arith.constant 0 : i32
      %dma_start3A_114 = tpu.memref_slice %arg4[%add3A_67, %dma_start3A_113] : memref<2560x128xi32, #tpu.memory_space<hbm>> -> memref<40x128xi32, #tpu.memory_space<hbm>>
      tpu.enqueue_dma source(%dma_start3A_114 : memref<40x128xi32, #tpu.memory_space<hbm>>) target(%arg7 : memref<40x128xi32, #tpu.memory_space<vmem>>) target_semaphore(%run_scoped3A : memref<!tpu.dma_semaphore, #tpu.memory_space<semaphore_mem>>)
      %dma_wait3A = arith.constant 0 : i32
      %dma_wait3A_115 = tpu.memref_slice %arg4[%add3A_67, %dma_wait3A] : memref<2560x128xi32, #tpu.memory_space<hbm>> -> memref<40x128xi32, #tpu.memory_space<hbm>>
      %dma_wait3A_116 = arith.constant 0 : i32
      %dma_wait3A_117 = tpu.memref_slice %arg4[%add3A_67, %dma_wait3A_116] : memref<2560x128xi32, #tpu.memory_space<hbm>> -> memref<40x128xi32, #tpu.memory_space<hbm>>
      tpu.wait_dma2 semaphore(%run_scoped3A : memref<!tpu.dma_semaphore, #tpu.memory_space<semaphore_mem>>) src(%dma_wait3A_117 : memref<40x128xi32, #tpu.memory_space<hbm>>) dst(%arg7 : memref<40x128xi32, #tpu.memory_space<vmem>>)
      tpu.yield
    }) : () -> ()
    %dma_start3A_68 = arith.constant 0 : i32
    %dma_start3A_69 = arith.constant 0 : i32
    %dma_start3A_70 = arith.constant 0 : i32
    %dma_start3A_71 = arith.constant 0 : i32
    %dma_start3A_72 = tpu.memref_slice %arg8[%dma_start3A_69, %dma_start3A_70, %dma_start3A_71] : memref<2x128x128xf32, #tpu.memory_space<vmem>> -> memref<1x128x128xf32, #tpu.memory_space<vmem>>
    %dma_start3A_73 = tpu.memref_squeeze %dma_start3A_72 : memref<1x128x128xf32, #tpu.memory_space<vmem>> -> memref<128x128xf32, #tpu.memory_space<vmem>>
    %dma_start3A_74 = arith.constant 0 : i32
    %dma_start3A_75 = tpu.memref_slice %arg6[%dma_start3A_68, %dma_start3A_74] : memref<40x128xi32, #tpu.memory_space<vmem>> -> memref<1x128xi32, #tpu.memory_space<vmem>>
    %dma_start3A_76 = tpu.memref_squeeze %dma_start3A_75 : memref<1x128xi32, #tpu.memory_space<vmem>> -> memref<128xi32, #tpu.memory_space<vmem>>
    %dma_start3A_77 = arith.constant 0 : i32
    %dma_start3A_78 = arith.constant 0 : i32
    %dma_start3A_79 = tpu.memref_slice %arg2[%dma_start3A_77, %dma_start3A_78] : memref<10000x128xf32, #tpu.memory_space<hbm>> -> memref<10000x128xf32, #tpu.memory_space<hbm>>
    tpu.enqueue_indirect_dma source(%dma_start3A_79 : memref<10000x128xf32, #tpu.memory_space<hbm>>) target(%dma_start3A_73 : memref<128x128xf32, #tpu.memory_space<vmem>>) offsets(%dma_start3A_76 : memref<128xi32, #tpu.memory_space<vmem>>) semaphore(%arg10 : memref<!tpu.dma_semaphore, #tpu.memory_space<semaphore_mem>>)
    %dma_start3A_80 = arith.constant 1 : i32
    %dma_start3A_81 = arith.constant 1 : i32
    %dma_start3A_82 = arith.constant 0 : i32
    %dma_start3A_83 = arith.constant 0 : i32
    %dma_start3A_84 = tpu.memref_slice %arg8[%dma_start3A_81, %dma_start3A_82, %dma_start3A_83] : memref<2x128x128xf32, #tpu.memory_space<vmem>> -> memref<1x128x128xf32, #tpu.memory_space<vmem>>
    %dma_start3A_85 = tpu.memref_squeeze %dma_start3A_84 : memref<1x128x128xf32, #tpu.memory_space<vmem>> -> memref<128x128xf32, #tpu.memory_space<vmem>>
    %dma_start3A_86 = arith.constant 0 : i32
    %dma_start3A_87 = tpu.memref_slice %arg6[%dma_start3A_80, %dma_start3A_86] : memref<40x128xi32, #tpu.memory_space<vmem>> -> memref<1x128xi32, #tpu.memory_space<vmem>>
    %dma_start3A_88 = tpu.memref_squeeze %dma_start3A_87 : memref<1x128xi32, #tpu.memory_space<vmem>> -> memref<128xi32, #tpu.memory_space<vmem>>
    %dma_start3A_89 = arith.constant 0 : i32
    %dma_start3A_90 = arith.constant 0 : i32
    %dma_start3A_91 = tpu.memref_slice %arg2[%dma_start3A_89, %dma_start3A_90] : memref<10000x128xf32, #tpu.memory_space<hbm>> -> memref<10000x128xf32, #tpu.memory_space<hbm>>
    tpu.enqueue_indirect_dma source(%dma_start3A_91 : memref<10000x128xf32, #tpu.memory_space<hbm>>) target(%dma_start3A_85 : memref<128x128xf32, #tpu.memory_space<vmem>>) offsets(%dma_start3A_88 : memref<128xi32, #tpu.memory_space<vmem>>) semaphore(%arg10 : memref<!tpu.dma_semaphore, #tpu.memory_space<semaphore_mem>>)
    %scan3A_92 = arith.constant 0 : i32
    %scan3A_93 = arith.constant 0 : i32
    %scan3A_94 = arith.constant 38 : i32
    %scan3A_95 = arith.addi %scan3A_93, %scan3A_94 : i32
    %scan3A_96 = arith.constant 1 : i32
    %scan3A_97 = scf.for %scan3A_111 = %scan3A_93 to %scan3A_95 step %scan3A_96 iter_args(%scan3A_112 = %scan3A_92) -> (i32)  : i32 {
      %jit3A = arith.constant 2 : i32
      %eq3A = arith.constant 0 : i32
      %eq3A_113 = arith.cmpi eq, %jit3A, %eq3A : i32
      %jit3A_114 = arith.constant 1 : i32
      %select_n3A = arith.select %eq3A_113, %jit3A_114, %jit3A : i32
      %rem3A = arith.remsi %scan3A_111, %select_n3A : i32
      %ne3A = arith.constant 0 : i32
      %ne3A_115 = arith.cmpi ne, %rem3A, %ne3A : i32
      %lt3A = arith.constant 0 : i32
      %lt3A_116 = arith.cmpi slt, %rem3A, %lt3A : i32
      %lt3A_117 = arith.constant 0 : i32
      %lt3A_118 = arith.cmpi slt, %select_n3A, %lt3A_117 : i32
      %ne3A_119 = arith.xori %lt3A_116, %lt3A_118 : i1
      %and3A = arith.andi %ne3A_119, %ne3A_115 : i1
      %add3A_120 = arith.addi %rem3A, %select_n3A : i32
      %select_n3A_121 = arith.select %and3A, %add3A_120, %rem3A : i32
      %dma_wait3A = arith.constant 0 : i32
      %dma_wait3A_122 = arith.constant 0 : i32
      %dma_wait3A_123 = tpu.memref_slice %arg8[%select_n3A_121, %dma_wait3A, %dma_wait3A_122] : memref<2x128x128xf32, #tpu.memory_space<vmem>> -> memref<1x128x128xf32, #tpu.memory_space<vmem>>
      %dma_wait3A_124 = tpu.memref_squeeze %dma_wait3A_123 : memref<1x128x128xf32, #tpu.memory_space<vmem>> -> memref<128x128xf32, #tpu.memory_space<vmem>>
      %dma_wait3A_125 = arith.constant 0 : i32
      %dma_wait3A_126 = tpu.memref_slice %arg6[%scan3A_111, %dma_wait3A_125] : memref<40x128xi32, #tpu.memory_space<vmem>> -> memref<1x128xi32, #tpu.memory_space<vmem>>
      %dma_wait3A_127 = tpu.memref_squeeze %dma_wait3A_126 : memref<1x128xi32, #tpu.memory_space<vmem>> -> memref<128xi32, #tpu.memory_space<vmem>>
      %dma_wait3A_128 = arith.constant 0 : i32
      %dma_wait3A_129 = arith.constant 0 : i32
      %dma_wait3A_130 = tpu.memref_slice %arg2[%dma_wait3A_128, %dma_wait3A_129] : memref<10000x128xf32, #tpu.memory_space<hbm>> -> memref<10000x128xf32, #tpu.memory_space<hbm>>
      tpu.wait_indirect_dma semaphore(%arg10 : memref<!tpu.dma_semaphore, #tpu.memory_space<semaphore_mem>>) src(%dma_wait3A_130 : memref<10000x128xf32, #tpu.memory_space<hbm>>) dst(%dma_wait3A_124 : memref<128x128xf32, #tpu.memory_space<vmem>>)
      %dma_start3A_131 = arith.constant 0 : i32
      %dma_start3A_132 = arith.constant 0 : i32
      %dma_start3A_133 = tpu.memref_slice %arg8[%select_n3A_121, %dma_start3A_131, %dma_start3A_132] : memref<2x128x128xf32, #tpu.memory_space<vmem>> -> memref<1x128x128xf32, #tpu.memory_space<vmem>>
      %dma_start3A_134 = tpu.memref_squeeze %dma_start3A_133 : memref<1x128x128xf32, #tpu.memory_space<vmem>> -> memref<128x128xf32, #tpu.memory_space<vmem>>
      %dma_start3A_135 = arith.constant 0 : i32
      %dma_start3A_136 = tpu.memref_slice %arg7[%scan3A_111, %dma_start3A_135] : memref<40x128xi32, #tpu.memory_space<vmem>> -> memref<1x128xi32, #tpu.memory_space<vmem>>
      %dma_start3A_137 = tpu.memref_squeeze %dma_start3A_136 : memref<1x128xi32, #tpu.memory_space<vmem>> -> memref<128xi32, #tpu.memory_space<vmem>>
      %dma_start3A_138 = arith.constant 0 : i32
      %dma_start3A_139 = arith.constant 0 : i32
      %dma_start3A_140 = tpu.memref_slice %arg9[%dma_start3A_138, %dma_start3A_139] : memref<10240x128xf32, #tpu.memory_space<vmem_shared>> -> memref<10240x128xf32, #tpu.memory_space<vmem_shared>>
      tpu.enqueue_indirect_dma source(%dma_start3A_134 : memref<128x128xf32, #tpu.memory_space<vmem>>) target(%dma_start3A_140 : memref<10240x128xf32, #tpu.memory_space<vmem_shared>>) offsets(%dma_start3A_137 : memref<128xi32, #tpu.memory_space<vmem>>) semaphore(%arg11 : memref<!tpu.dma_semaphore, #tpu.memory_space<semaphore_mem>>) {add = true}
      %dma_wait3A_141 = arith.constant 0 : i32
      %dma_wait3A_142 = arith.constant 0 : i32
      %dma_wait3A_143 = tpu.memref_slice %arg8[%select_n3A_121, %dma_wait3A_141, %dma_wait3A_142] : memref<2x128x128xf32, #tpu.memory_space<vmem>> -> memref<1x128x128xf32, #tpu.memory_space<vmem>>
      %dma_wait3A_144 = tpu.memref_squeeze %dma_wait3A_143 : memref<1x128x128xf32, #tpu.memory_space<vmem>> -> memref<128x128xf32, #tpu.memory_space<vmem>>
      %dma_wait3A_145 = arith.constant 0 : i32
      %dma_wait3A_146 = tpu.memref_slice %arg7[%scan3A_111, %dma_wait3A_145] : memref<40x128xi32, #tpu.memory_space<vmem>> -> memref<1x128xi32, #tpu.memory_space<vmem>>
      %dma_wait3A_147 = tpu.memref_squeeze %dma_wait3A_146 : memref<1x128xi32, #tpu.memory_space<vmem>> -> memref<128xi32, #tpu.memory_space<vmem>>
      %dma_wait3A_148 = arith.constant 0 : i32
      %dma_wait3A_149 = arith.constant 0 : i32
      %dma_wait3A_150 = tpu.memref_slice %arg9[%dma_wait3A_148, %dma_wait3A_149] : memref<10240x128xf32, #tpu.memory_space<vmem_shared>> -> memref<10240x128xf32, #tpu.memory_space<vmem_shared>>
      tpu.wait_indirect_dma semaphore(%arg11 : memref<!tpu.dma_semaphore, #tpu.memory_space<semaphore_mem>>) src(%dma_wait3A_144 : memref<128x128xf32, #tpu.memory_space<vmem>>) dst(%dma_wait3A_150 : memref<10240x128xf32, #tpu.memory_space<vmem_shared>>)
      %add3A_151 = arith.constant 2 : i32
      %add3A_152 = arith.addi %scan3A_111, %add3A_151 : i32
      %dma_start3A_153 = arith.constant 0 : i32
      %dma_start3A_154 = arith.constant 0 : i32
      %dma_start3A_155 = tpu.memref_slice %arg8[%select_n3A_121, %dma_start3A_153, %dma_start3A_154] : memref<2x128x128xf32, #tpu.memory_space<vmem>> -> memref<1x128x128xf32, #tpu.memory_space<vmem>>
      %dma_start3A_156 = tpu.memref_squeeze %dma_start3A_155 : memref<1x128x128xf32, #tpu.memory_space<vmem>> -> memref<128x128xf32, #tpu.memory_space<vmem>>
      %dma_start3A_157 = arith.constant 0 : i32
      %dma_start3A_158 = tpu.memref_slice %arg6[%add3A_152, %dma_start3A_157] : memref<40x128xi32, #tpu.memory_space<vmem>> -> memref<1x128xi32, #tpu.memory_space<vmem>>
      %dma_start3A_159 = tpu.memref_squeeze %dma_start3A_158 : memref<1x128xi32, #tpu.memory_space<vmem>> -> memref<128xi32, #tpu.memory_space<vmem>>
      %dma_start3A_160 = arith.constant 0 : i32
      %dma_start3A_161 = arith.constant 0 : i32
      %dma_start3A_162 = tpu.memref_slice %arg2[%dma_start3A_160, %dma_start3A_161] : memref<10000x128xf32, #tpu.memory_space<hbm>> -> memref<10000x128xf32, #tpu.memory_space<hbm>>
      tpu.enqueue_indirect_dma source(%dma_start3A_162 : memref<10000x128xf32, #tpu.memory_space<hbm>>) target(%dma_start3A_156 : memref<128x128xf32, #tpu.memory_space<vmem>>) offsets(%dma_start3A_159 : memref<128xi32, #tpu.memory_space<vmem>>) semaphore(%arg10 : memref<!tpu.dma_semaphore, #tpu.memory_space<semaphore_mem>>)
      %scan3A_163 = arith.constant 0 : i32
      scf.yield %scan3A_163 : i32
    }
    %scan3A_98 = arith.constant 38 : i32
    %scan3A_99 = arith.constant 0 : i32
    %scan3A_100 = arith.constant 38 : i32
    %scan3A_101 = arith.constant 2 : i32
    %scan3A_102 = arith.addi %scan3A_100, %scan3A_101 : i32
    %scan3A_103 = arith.constant 1 : i32
    %scan3A_104 = scf.for %scan3A_111 = %scan3A_100 to %scan3A_102 step %scan3A_103 iter_args(%scan3A_112 = %scan3A_99) -> (i32)  : i32 {
      %jit3A = arith.constant 2 : i32
      %eq3A = arith.constant 0 : i32
      %eq3A_113 = arith.cmpi eq, %jit3A, %eq3A : i32
      %jit3A_114 = arith.constant 1 : i32
      %select_n3A = arith.select %eq3A_113, %jit3A_114, %jit3A : i32
      %rem3A = arith.remsi %scan3A_111, %select_n3A : i32
      %ne3A = arith.constant 0 : i32
      %ne3A_115 = arith.cmpi ne, %rem3A, %ne3A : i32
      %lt3A = arith.constant 0 : i32
      %lt3A_116 = arith.cmpi slt, %rem3A, %lt3A : i32
      %lt3A_117 = arith.constant 0 : i32
      %lt3A_118 = arith.cmpi slt, %select_n3A, %lt3A_117 : i32
      %ne3A_119 = arith.xori %lt3A_116, %lt3A_118 : i1
      %and3A = arith.andi %ne3A_119, %ne3A_115 : i1
      %add3A_120 = arith.addi %rem3A, %select_n3A : i32
      %select_n3A_121 = arith.select %and3A, %add3A_120, %rem3A : i32
      %dma_wait3A = arith.constant 0 : i32
      %dma_wait3A_122 = arith.constant 0 : i32
      %dma_wait3A_123 = tpu.memref_slice %arg8[%select_n3A_121, %dma_wait3A, %dma_wait3A_122] : memref<2x128x128xf32, #tpu.memory_space<vmem>> -> memref<1x128x128xf32, #tpu.memory_space<vmem>>
      %dma_wait3A_124 = tpu.memref_squeeze %dma_wait3A_123 : memref<1x128x128xf32, #tpu.memory_space<vmem>> -> memref<128x128xf32, #tpu.memory_space<vmem>>
      %dma_wait3A_125 = arith.constant 0 : i32
      %dma_wait3A_126 = tpu.memref_slice %arg6[%scan3A_111, %dma_wait3A_125] : memref<40x128xi32, #tpu.memory_space<vmem>> -> memref<1x128xi32, #tpu.memory_space<vmem>>
      %dma_wait3A_127 = tpu.memref_squeeze %dma_wait3A_126 : memref<1x128xi32, #tpu.memory_space<vmem>> -> memref<128xi32, #tpu.memory_space<vmem>>
      %dma_wait3A_128 = arith.constant 0 : i32
      %dma_wait3A_129 = arith.constant 0 : i32
      %dma_wait3A_130 = tpu.memref_slice %arg2[%dma_wait3A_128, %dma_wait3A_129] : memref<10000x128xf32, #tpu.memory_space<hbm>> -> memref<10000x128xf32, #tpu.memory_space<hbm>>
      tpu.wait_indirect_dma semaphore(%arg10 : memref<!tpu.dma_semaphore, #tpu.memory_space<semaphore_mem>>) src(%dma_wait3A_130 : memref<10000x128xf32, #tpu.memory_space<hbm>>) dst(%dma_wait3A_124 : memref<128x128xf32, #tpu.memory_space<vmem>>)
      "tpu.region"() ({
        %run_scoped3A = tpu.sem_alloc : memref<!tpu.dma_semaphore, #tpu.memory_space<semaphore_mem>>
        %dma_start3A_132 = arith.constant 0 : i32
        %dma_start3A_133 = arith.constant 0 : i32
        %dma_start3A_134 = tpu.memref_slice %arg8[%select_n3A_121, %dma_start3A_132, %dma_start3A_133] : memref<2x128x128xf32, #tpu.memory_space<vmem>> -> memref<1x128x128xf32, #tpu.memory_space<vmem>>
        %dma_start3A_135 = tpu.memref_squeeze %dma_start3A_134 : memref<1x128x128xf32, #tpu.memory_space<vmem>> -> memref<128x128xf32, #tpu.memory_space<vmem>>
        %dma_start3A_136 = arith.constant 0 : i32
        %dma_start3A_137 = tpu.memref_slice %arg7[%scan3A_111, %dma_start3A_136] : memref<40x128xi32, #tpu.memory_space<vmem>> -> memref<1x128xi32, #tpu.memory_space<vmem>>
        %dma_start3A_138 = tpu.memref_squeeze %dma_start3A_137 : memref<1x128xi32, #tpu.memory_space<vmem>> -> memref<128xi32, #tpu.memory_space<vmem>>
        %dma_start3A_139 = arith.constant 0 : i32
        %dma_start3A_140 = arith.constant 0 : i32
        %dma_start3A_141 = tpu.memref_slice %arg9[%dma_start3A_139, %dma_start3A_140] : memref<10240x128xf32, #tpu.memory_space<vmem_shared>> -> memref<10240x128xf32, #tpu.memory_space<vmem_shared>>
        tpu.enqueue_indirect_dma source(%dma_start3A_135 : memref<128x128xf32, #tpu.memory_space<vmem>>) target(%dma_start3A_141 : memref<10240x128xf32, #tpu.memory_space<vmem_shared>>) offsets(%dma_start3A_138 : memref<128xi32, #tpu.memory_space<vmem>>) semaphore(%run_scoped3A : memref<!tpu.dma_semaphore, #tpu.memory_space<semaphore_mem>>) {add = true}
        %dma_wait3A_142 = arith.constant 0 : i32
        %dma_wait3A_143 = arith.constant 0 : i32
        %dma_wait3A_144 = tpu.memref_slice %arg8[%select_n3A_121, %dma_wait3A_142, %dma_wait3A_143] : memref<2x128x128xf32, #tpu.memory_space<vmem>> -> memref<1x128x128xf32, #tpu.memory_space<vmem>>
        %dma_wait3A_145 = tpu.memref_squeeze %dma_wait3A_144 : memref<1x128x128xf32, #tpu.memory_space<vmem>> -> memref<128x128xf32, #tpu.memory_space<vmem>>
        %dma_wait3A_146 = arith.constant 0 : i32
        %dma_wait3A_147 = tpu.memref_slice %arg7[%scan3A_111, %dma_wait3A_146] : memref<40x128xi32, #tpu.memory_space<vmem>> -> memref<1x128xi32, #tpu.memory_space<vmem>>
        %dma_wait3A_148 = tpu.memref_squeeze %dma_wait3A_147 : memref<1x128xi32, #tpu.memory_space<vmem>> -> memref<128xi32, #tpu.memory_space<vmem>>
        %dma_wait3A_149 = arith.constant 0 : i32
        %dma_wait3A_150 = arith.constant 0 : i32
        %dma_wait3A_151 = tpu.memref_slice %arg9[%dma_wait3A_149, %dma_wait3A_150] : memref<10240x128xf32, #tpu.memory_space<vmem_shared>> -> memref<10240x128xf32, #tpu.memory_space<vmem_shared>>
        tpu.wait_indirect_dma semaphore(%run_scoped3A : memref<!tpu.dma_semaphore, #tpu.memory_space<semaphore_mem>>) src(%dma_wait3A_145 : memref<128x128xf32, #tpu.memory_space<vmem>>) dst(%dma_wait3A_151 : memref<10240x128xf32, #tpu.memory_space<vmem_shared>>)
        tpu.yield
      }) : () -> ()
      %scan3A_131 = arith.constant 0 : i32
      scf.yield %scan3A_131 : i32
    }
    %scan3A_105 = arith.constant 2 : i32
    %barrier3A_106 = arith.constant 0 : index
    tpu.barrier barrier_id(%barrier3A_106)
    %mul3A_107 = arith.constant 640 : i32
    %mul3A_108 = arith.muli %arg1, %mul3A_107 : i32
    %mul3A_109 = arith.constant 640 : i32
    %mul3A_110 = arith.muli %arg1, %mul3A_109 : i32
    "tpu.region"() ({
      %run_scoped3A = tpu.sem_alloc : memref<!tpu.dma_semaphore, #tpu.memory_space<semaphore_mem>>
      %dma_start3A_111 = arith.constant 0 : i32
      %dma_start3A_112 = tpu.memref_slice %arg5[%arg0, %mul3A_110, %dma_start3A_111] : memref<2x10240x128xf32, #tpu.memory_space<hbm>> -> memref<1x640x128xf32, #tpu.memory_space<hbm>>
      %dma_start3A_113 = tpu.memref_squeeze %dma_start3A_112 : memref<1x640x128xf32, #tpu.memory_space<hbm>> -> memref<640x128xf32, #tpu.memory_space<hbm>>
      %dma_start3A_114 = arith.constant 0 : i32
      %dma_start3A_115 = tpu.memref_slice %arg9[%mul3A_108, %dma_start3A_114] : memref<10240x128xf32, #tpu.memory_space<vmem_shared>> -> memref<640x128xf32, #tpu.memory_space<vmem_shared>>
      tpu.enqueue_dma source(%dma_start3A_115 : memref<640x128xf32, #tpu.memory_space<vmem_shared>>) target(%dma_start3A_113 : memref<640x128xf32, #tpu.memory_space<hbm>>) target_semaphore(%run_scoped3A : memref<!tpu.dma_semaphore, #tpu.memory_space<semaphore_mem>>)
      %dma_wait3A = arith.constant 0 : i32
      %dma_wait3A_116 = tpu.memref_slice %arg5[%arg0, %mul3A_110, %dma_wait3A] : memref<2x10240x128xf32, #tpu.memory_space<hbm>> -> memref<1x640x128xf32, #tpu.memory_space<hbm>>
      %dma_wait3A_117 = tpu.memref_squeeze %dma_wait3A_116 : memref<1x640x128xf32, #tpu.memory_space<hbm>> -> memref<640x128xf32, #tpu.memory_space<hbm>>
      %dma_wait3A_118 = arith.constant 0 : i32
      %dma_wait3A_119 = tpu.memref_slice %arg9[%mul3A_108, %dma_wait3A_118] : memref<10240x128xf32, #tpu.memory_space<vmem_shared>> -> memref<640x128xf32, #tpu.memory_space<vmem_shared>>
      tpu.wait_dma2 semaphore(%run_scoped3A : memref<!tpu.dma_semaphore, #tpu.memory_space<semaphore_mem>>) src(%dma_wait3A_119 : memref<640x128xf32, #tpu.memory_space<vmem_shared>>) dst(%dma_wait3A_117 : memref<640x128xf32, #tpu.memory_space<hbm>>)
      tpu.yield
    }) : () -> ()
    return
  }
}

module attributes {stable_mosaic.version = 14 : i64} {
  func.func @_tc0_body(%arg0: i32, %arg1: memref<400x128xf32, #tpu.memory_space<vmem>>, %arg2: memref<128x128xf32, #tpu.memory_space<vmem>>, %arg3: memref<1x128xf32, #tpu.memory_space<vmem>>, %arg4: memref<128x128xf32, #tpu.memory_space<vmem>>, %arg5: memref<400x128xf32, #tpu.memory_space<vmem>>) attributes {dimension_semantics = [#tpu.dimension_semantics<arbitrary>], iteration_bounds = array<i64: 25>, scalar_prefetch = 0 : i64, scratch_operands = 0 : i64, tpu.core_type = #tpu.core_type<tc>, window_params = [{transform_indices = @transform_0, window_bounds = array<i64: 400, 128>}, {pipeline_mode = #tpu.pipeline_mode<synchronous>, transform_indices = @transform_1, window_bounds = array<i64: 128, 128>}, {pipeline_mode = #tpu.pipeline_mode<synchronous>, transform_indices = @transform_2, window_bounds = array<i64: 1, 128>}, {pipeline_mode = #tpu.pipeline_mode<synchronous>, transform_indices = @transform_3, window_bounds = array<i64: 128, 128>}, {transform_indices = @transform_4, window_bounds = array<i64: 400, 128>}]} {
    %get3A = arith.constant 0 : index
    %get3A_0 = arith.constant 0 : index
    %get3A_1 = vector.load %arg1[%get3A, %get3A_0] : memref<400x128xf32, #tpu.memory_space<vmem>>, vector<400x128xf32>
    %get3A_2 = arith.constant 0 : index
    %get3A_3 = arith.constant 0 : index
    %get3A_4 = vector.load %arg2[%get3A_2, %get3A_3] : memref<128x128xf32, #tpu.memory_space<vmem>>, vector<128x128xf32>
    %dot_general3A = arith.constant dense<0.000000e+00> : vector<400x128xf32>
    %dot_general3A_5 = tpu.matmul %get3A_1, %get3A_4, %dot_general3A {dimension_numbers = #tpu.dot_dimension_numbers<[1], [0], [0], [1], [0, 0, 1, 1], [], []>, transpose_lhs_hint = false} : vector<400x128xf32>, vector<128x128xf32>, vector<400x128xf32> -> vector<400x128xf32>
    %get3A_6 = arith.constant 0 : index
    %get3A_7 = arith.constant 0 : index
    %get3A_8 = vector.load %arg3[%get3A_6, %get3A_7] : memref<1x128xf32, #tpu.memory_space<vmem>>, vector<1x128xf32>
    %add3A = vector.broadcast %get3A_8 : vector<1x128xf32> to vector<400x128xf32>
    %add3A_9 = arith.addf %dot_general3A_5, %add3A : vector<400x128xf32>
    %max3A = arith.constant 0.000000e+00 : f32
    %max3A_10 = vector.broadcast %max3A : f32 to vector<400x128xf32>
    %max3A_11 = arith.maximumf %add3A_9, %max3A_10 : vector<400x128xf32>
    %get3A_12 = arith.constant 0 : index
    %get3A_13 = arith.constant 0 : index
    %get3A_14 = vector.load %arg4[%get3A_12, %get3A_13] : memref<128x128xf32, #tpu.memory_space<vmem>>, vector<128x128xf32>
    %dot_general3A_15 = arith.constant dense<0.000000e+00> : vector<400x128xf32>
    %dot_general3A_16 = tpu.matmul %max3A_11, %get3A_14, %dot_general3A_15 {dimension_numbers = #tpu.dot_dimension_numbers<[1], [0], [0], [1], [0, 0, 1, 1], [], []>, transpose_lhs_hint = false} : vector<400x128xf32>, vector<128x128xf32>, vector<400x128xf32> -> vector<400x128xf32>
    %swap3A = arith.constant 0 : index
    %swap3A_17 = arith.constant 0 : index
    %swap3A_18 = vector.load %arg5[%swap3A, %swap3A_17] : memref<400x128xf32, #tpu.memory_space<vmem>>, vector<400x128xf32>
    tpu.vector_store %arg5[%swap3A, %swap3A_17], %dot_general3A_16 {strides = array<i32>} : memref<400x128xf32, #tpu.memory_space<vmem>>, vector<400x128xf32>,
    return
  }
  func.func @transform_0(%arg0: i32) -> (i32, i32) {
    %c0_i32 = arith.constant 0 : i32
    %c0_i32_0 = arith.constant 0 : i32
    return %arg0, %c0_i32 : i32, i32
  }
  func.func @transform_1(%arg0: i32) -> (i32, i32) {
    %c0_i32 = arith.constant 0 : i32
    %c0_i32_0 = arith.constant 0 : i32
    %c0_i32_1 = arith.constant 0 : i32
    return %c0_i32, %c0_i32_0 : i32, i32
  }
  func.func @transform_2(%arg0: i32) -> (i32, i32) {
    %c0_i32 = arith.constant 0 : i32
    %c0_i32_0 = arith.constant 0 : i32
    %c0_i32_1 = arith.constant 0 : i32
    return %c0_i32, %c0_i32_0 : i32, i32
  }
  func.func @transform_3(%arg0: i32) -> (i32, i32) {
    %c0_i32 = arith.constant 0 : i32
    %c0_i32_0 = arith.constant 0 : i32
    %c0_i32_1 = arith.constant 0 : i32
    return %c0_i32, %c0_i32_0 : i32, i32
  }
  func.func @transform_4(%arg0: i32) -> (i32, i32) {
    %c0_i32 = arith.constant 0 : i32
    %c0_i32_0 = arith.constant 0 : i32
    return %arg0, %c0_i32 : i32, i32
  }
}

module attributes {stable_mosaic.version = 14 : i64} {
  func.func @_tc1_body(%arg0: i32, %arg1: memref<400x128xf32, #tpu.memory_space<vmem>>, %arg2: memref<400x128xf32, #tpu.memory_space<vmem>>, %arg3: memref<400x128xf32, #tpu.memory_space<vmem>>, %arg4: memref<400x128xf32, #tpu.memory_space<vmem>>, %arg5: memref<400x16xf32, #tpu.memory_space<vmem>>) attributes {dimension_semantics = [#tpu.dimension_semantics<arbitrary>], iteration_bounds = array<i64: 25>, scalar_prefetch = 0 : i64, scratch_operands = 0 : i64, tpu.core_type = #tpu.core_type<tc>, window_params = [{transform_indices = @transform_0, window_bounds = array<i64: 400, 128>}, {transform_indices = @transform_1, window_bounds = array<i64: 400, 128>}, {transform_indices = @transform_2, window_bounds = array<i64: 400, 128>}, {transform_indices = @transform_3, window_bounds = array<i64: 400, 128>}, {transform_indices = @transform_4, window_bounds = array<i64: 400, 16>}]} {
    %get3A = arith.constant 0 : index
    %get3A_0 = arith.constant 0 : index
    %get3A_1 = vector.load %arg2[%get3A, %get3A_0] : memref<400x128xf32, #tpu.memory_space<vmem>>, vector<400x128xf32>
    %slice3A = vector.extract_strided_slice %get3A_1 {offsets = [0, 0], sizes = [400, 1], strides = [1, 1]} : vector<400x128xf32> to vector<400x1xf32>
    %get3A_2 = arith.constant 0 : index
    %get3A_3 = arith.constant 0 : index
    %get3A_4 = vector.load %arg3[%get3A_2, %get3A_3] : memref<400x128xf32, #tpu.memory_space<vmem>>, vector<400x128xf32>
    %slice3A_5 = vector.extract_strided_slice %get3A_4 {offsets = [0, 0], sizes = [400, 1], strides = [1, 1]} : vector<400x128xf32> to vector<400x1xf32>
    %add3A = arith.addf %slice3A, %slice3A_5 : vector<400x1xf32>
    %add3A_6 = arith.constant 1.000000e+00 : f32
    %add3A_7 = vector.broadcast %add3A_6 : f32 to vector<400x1xf32>
    %add3A_8 = arith.addf %add3A, %add3A_7 : vector<400x1xf32>
    %rsqrt3A = math.rsqrt %add3A_8 : vector<400x1xf32>
    %get3A_9 = arith.constant 0 : index
    %get3A_10 = arith.constant 0 : index
    %get3A_11 = vector.load %arg1[%get3A_9, %get3A_10] : memref<400x128xf32, #tpu.memory_space<vmem>>, vector<400x128xf32>
    %mul3A = vector.broadcast %rsqrt3A : vector<400x1xf32> to vector<400x128xf32>
    %mul3A_12 = arith.mulf %get3A_11, %mul3A : vector<400x128xf32>
    %swap3A = arith.constant 0 : index
    %swap3A_13 = arith.constant 0 : index
    %swap3A_14 = vector.load %arg4[%swap3A, %swap3A_13] : memref<400x128xf32, #tpu.memory_space<vmem>>, vector<400x128xf32>
    tpu.vector_store %arg4[%swap3A, %swap3A_13], %mul3A_12 {strides = array<i32>} : memref<400x128xf32, #tpu.memory_space<vmem>>, vector<400x128xf32>,
    %broadcast_in_dim3A = vector.shape_cast %rsqrt3A : vector<400x1xf32> to vector<400x1xf32>
    %broadcast_in_dim3A_15 = vector.broadcast %broadcast_in_dim3A : vector<400x1xf32> to vector<400x16xf32>
    %swap3A_16 = arith.constant 0 : index
    %swap3A_17 = arith.constant 0 : index
    %swap3A_18 = vector.load %arg5[%swap3A_16, %swap3A_17] : memref<400x16xf32, #tpu.memory_space<vmem>>, vector<400x16xf32>
    tpu.vector_store %arg5[%swap3A_16, %swap3A_17], %broadcast_in_dim3A_15 {strides = array<i32>} : memref<400x16xf32, #tpu.memory_space<vmem>>, vector<400x16xf32>,
    return
  }
  func.func @transform_0(%arg0: i32) -> (i32, i32) {
    %c0_i32 = arith.constant 0 : i32
    %c0_i32_0 = arith.constant 0 : i32
    return %arg0, %c0_i32 : i32, i32
  }
  func.func @transform_1(%arg0: i32) -> (i32, i32) {
    %c0_i32 = arith.constant 0 : i32
    %c0_i32_0 = arith.constant 0 : i32
    return %arg0, %c0_i32 : i32, i32
  }
  func.func @transform_2(%arg0: i32) -> (i32, i32) {
    %c0_i32 = arith.constant 0 : i32
    %c0_i32_0 = arith.constant 0 : i32
    return %arg0, %c0_i32 : i32, i32
  }
  func.func @transform_3(%arg0: i32) -> (i32, i32) {
    %c0_i32 = arith.constant 0 : i32
    %c0_i32_0 = arith.constant 0 : i32
    return %arg0, %c0_i32 : i32, i32
  }
  func.func @transform_4(%arg0: i32) -> (i32, i32) {
    %c0_i32 = arith.constant 0 : i32
    %c0_i32_0 = arith.constant 0 : i32
    return %arg0, %c0_i32 : i32, i32
  }
}

module attributes {stable_mosaic.version = 14 : i64} {
  func.func @_tc2_body(%arg0: i32, %arg1: memref<400x128xf32, #tpu.memory_space<vmem>>, %arg2: memref<400x128xf32, #tpu.memory_space<vmem>>, %arg3: memref<400x128xf32, #tpu.memory_space<vmem>>, %arg4: memref<400x16xf32, #tpu.memory_space<vmem>>, %arg5: memref<1x128xf32, #tpu.memory_space<vmem>>, %arg6: memref<128x128xf32, #tpu.memory_space<vmem>>, %arg7: memref<400x128xf32, #tpu.memory_space<vmem>>) attributes {dimension_semantics = [#tpu.dimension_semantics<arbitrary>], iteration_bounds = array<i64: 25>, scalar_prefetch = 0 : i64, scratch_operands = 0 : i64, tpu.core_type = #tpu.core_type<tc>, window_params = [{transform_indices = @transform_0, window_bounds = array<i64: 400, 128>}, {transform_indices = @transform_1, window_bounds = array<i64: 400, 128>}, {transform_indices = @transform_2, window_bounds = array<i64: 400, 128>}, {transform_indices = @transform_3, window_bounds = array<i64: 400, 16>}, {pipeline_mode = #tpu.pipeline_mode<synchronous>, transform_indices = @transform_4, window_bounds = array<i64: 1, 128>}, {pipeline_mode = #tpu.pipeline_mode<synchronous>, transform_indices = @transform_5, window_bounds = array<i64: 128, 128>}, {transform_indices = @transform_6, window_bounds = array<i64: 400, 128>}]} {
    %get3A = arith.constant 0 : index
    %get3A_0 = arith.constant 0 : index
    %get3A_1 = vector.load %arg4[%get3A, %get3A_0] : memref<400x16xf32, #tpu.memory_space<vmem>>, vector<400x16xf32>
    %slice3A = vector.extract_strided_slice %get3A_1 {offsets = [0, 0], sizes = [400, 1], strides = [1, 1]} : vector<400x16xf32> to vector<400x1xf32>
    %get3A_2 = arith.constant 0 : index
    %get3A_3 = arith.constant 0 : index
    %get3A_4 = vector.load %arg1[%get3A_2, %get3A_3] : memref<400x128xf32, #tpu.memory_space<vmem>>, vector<400x128xf32>
    %get3A_5 = arith.constant 0 : index
    %get3A_6 = arith.constant 0 : index
    %get3A_7 = vector.load %arg2[%get3A_5, %get3A_6] : memref<400x128xf32, #tpu.memory_space<vmem>>, vector<400x128xf32>
    %add3A = arith.addf %get3A_4, %get3A_7 : vector<400x128xf32>
    %get3A_8 = arith.constant 0 : index
    %get3A_9 = arith.constant 0 : index
    %get3A_10 = vector.load %arg3[%get3A_8, %get3A_9] : memref<400x128xf32, #tpu.memory_space<vmem>>, vector<400x128xf32>
    %add3A_11 = arith.addf %add3A, %get3A_10 : vector<400x128xf32>
    %mul3A = vector.broadcast %slice3A : vector<400x1xf32> to vector<400x128xf32>
    %mul3A_12 = arith.mulf %mul3A, %add3A_11 : vector<400x128xf32>
    %get3A_13 = arith.constant 0 : index
    %get3A_14 = arith.constant 0 : index
    %get3A_15 = vector.load %arg5[%get3A_13, %get3A_14] : memref<1x128xf32, #tpu.memory_space<vmem>>, vector<1x128xf32>
    %add3A_16 = vector.broadcast %get3A_15 : vector<1x128xf32> to vector<400x128xf32>
    %add3A_17 = arith.addf %mul3A_12, %add3A_16 : vector<400x128xf32>
    %get3A_18 = arith.constant 0 : index
    %get3A_19 = arith.constant 0 : index
    %get3A_20 = vector.load %arg6[%get3A_18, %get3A_19] : memref<128x128xf32, #tpu.memory_space<vmem>>, vector<128x128xf32>
    %dot_general3A = arith.constant dense<0.000000e+00> : vector<400x128xf32>
    %dot_general3A_21 = tpu.matmul %add3A_17, %get3A_20, %dot_general3A {dimension_numbers = #tpu.dot_dimension_numbers<[1], [0], [0], [1], [0, 0, 1, 1], [], []>, transpose_lhs_hint = false} : vector<400x128xf32>, vector<128x128xf32>, vector<400x128xf32> -> vector<400x128xf32>
    %mul3A_22 = vector.broadcast %slice3A : vector<400x1xf32> to vector<400x128xf32>
    %mul3A_23 = arith.mulf %dot_general3A_21, %mul3A_22 : vector<400x128xf32>
    %swap3A = arith.constant 0 : index
    %swap3A_24 = arith.constant 0 : index
    %swap3A_25 = vector.load %arg7[%swap3A, %swap3A_24] : memref<400x128xf32, #tpu.memory_space<vmem>>, vector<400x128xf32>
    tpu.vector_store %arg7[%swap3A, %swap3A_24], %mul3A_23 {strides = array<i32>} : memref<400x128xf32, #tpu.memory_space<vmem>>, vector<400x128xf32>,
    return
  }
  func.func @transform_0(%arg0: i32) -> (i32, i32) {
    %c0_i32 = arith.constant 0 : i32
    %c0_i32_0 = arith.constant 0 : i32
    return %arg0, %c0_i32 : i32, i32
  }
  func.func @transform_1(%arg0: i32) -> (i32, i32) {
    %c0_i32 = arith.constant 0 : i32
    %c0_i32_0 = arith.constant 0 : i32
    return %arg0, %c0_i32 : i32, i32
  }
  func.func @transform_2(%arg0: i32) -> (i32, i32) {
    %c0_i32 = arith.constant 0 : i32
    %c0_i32_0 = arith.constant 0 : i32
    return %arg0, %c0_i32 : i32, i32
  }
  func.func @transform_3(%arg0: i32) -> (i32, i32) {
    %c0_i32 = arith.constant 0 : i32
    %c0_i32_0 = arith.constant 0 : i32
    return %arg0, %c0_i32 : i32, i32
  }
  func.func @transform_4(%arg0: i32) -> (i32, i32) {
    %c0_i32 = arith.constant 0 : i32
    %c0_i32_0 = arith.constant 0 : i32
    %c0_i32_1 = arith.constant 0 : i32
    return %c0_i32, %c0_i32_0 : i32, i32
  }
  func.func @transform_5(%arg0: i32) -> (i32, i32) {
    %c0_i32 = arith.constant 0 : i32
    %c0_i32_0 = arith.constant 0 : i32
    %c0_i32_1 = arith.constant 0 : i32
    return %c0_i32, %c0_i32_0 : i32, i32
  }
  func.func @transform_6(%arg0: i32) -> (i32, i32) {
    %c0_i32 = arith.constant 0 : i32
    %c0_i32_0 = arith.constant 0 : i32
    return %arg0, %c0_i32 : i32, i32
  }
}

module attributes {stable_mosaic.version = 14 : i64} {
  func.func @_tc3_body(%arg0: i32, %arg1: memref<400x128xf32, #tpu.memory_space<vmem>>, %arg2: memref<400x128xf32, #tpu.memory_space<vmem>>, %arg3: memref<400x128xf32, #tpu.memory_space<vmem>>, %arg4: memref<400x16xf32, #tpu.memory_space<vmem>>, %arg5: memref<1x128xf32, #tpu.memory_space<vmem>>, %arg6: memref<128x128xf32, #tpu.memory_space<vmem>>, %arg7: memref<1x128xf32, #tpu.memory_space<vmem>>, %arg8: memref<400x128xf32, #tpu.memory_space<vmem>>) attributes {dimension_semantics = [#tpu.dimension_semantics<arbitrary>], iteration_bounds = array<i64: 25>, scalar_prefetch = 0 : i64, scratch_operands = 0 : i64, tpu.core_type = #tpu.core_type<tc>, window_params = [{transform_indices = @transform_0, window_bounds = array<i64: 400, 128>}, {transform_indices = @transform_1, window_bounds = array<i64: 400, 128>}, {transform_indices = @transform_2, window_bounds = array<i64: 400, 128>}, {transform_indices = @transform_3, window_bounds = array<i64: 400, 16>}, {pipeline_mode = #tpu.pipeline_mode<synchronous>, transform_indices = @transform_4, window_bounds = array<i64: 1, 128>}, {pipeline_mode = #tpu.pipeline_mode<synchronous>, transform_indices = @transform_5, window_bounds = array<i64: 128, 128>}, {pipeline_mode = #tpu.pipeline_mode<synchronous>, transform_indices = @transform_6, window_bounds = array<i64: 1, 128>}, {transform_indices = @transform_7, window_bounds = array<i64: 400, 128>}]} {
    %get3A = arith.constant 0 : index
    %get3A_0 = arith.constant 0 : index
    %get3A_1 = vector.load %arg4[%get3A, %get3A_0] : memref<400x16xf32, #tpu.memory_space<vmem>>, vector<400x16xf32>
    %slice3A = vector.extract_strided_slice %get3A_1 {offsets = [0, 0], sizes = [400, 1], strides = [1, 1]} : vector<400x16xf32> to vector<400x1xf32>
    %get3A_2 = arith.constant 0 : index
    %get3A_3 = arith.constant 0 : index
    %get3A_4 = vector.load %arg1[%get3A_2, %get3A_3] : memref<400x128xf32, #tpu.memory_space<vmem>>, vector<400x128xf32>
    %get3A_5 = arith.constant 0 : index
    %get3A_6 = arith.constant 0 : index
    %get3A_7 = vector.load %arg2[%get3A_5, %get3A_6] : memref<400x128xf32, #tpu.memory_space<vmem>>, vector<400x128xf32>
    %add3A = arith.addf %get3A_4, %get3A_7 : vector<400x128xf32>
    %get3A_8 = arith.constant 0 : index
    %get3A_9 = arith.constant 0 : index
    %get3A_10 = vector.load %arg3[%get3A_8, %get3A_9] : memref<400x128xf32, #tpu.memory_space<vmem>>, vector<400x128xf32>
    %add3A_11 = arith.addf %add3A, %get3A_10 : vector<400x128xf32>
    %mul3A = vector.broadcast %slice3A : vector<400x1xf32> to vector<400x128xf32>
    %mul3A_12 = arith.mulf %mul3A, %add3A_11 : vector<400x128xf32>
    %get3A_13 = arith.constant 0 : index
    %get3A_14 = arith.constant 0 : index
    %get3A_15 = vector.load %arg5[%get3A_13, %get3A_14] : memref<1x128xf32, #tpu.memory_space<vmem>>, vector<1x128xf32>
    %add3A_16 = vector.broadcast %get3A_15 : vector<1x128xf32> to vector<400x128xf32>
    %add3A_17 = arith.addf %mul3A_12, %add3A_16 : vector<400x128xf32>
    %get3A_18 = arith.constant 0 : index
    %get3A_19 = arith.constant 0 : index
    %get3A_20 = vector.load %arg6[%get3A_18, %get3A_19] : memref<128x128xf32, #tpu.memory_space<vmem>>, vector<128x128xf32>
    %dot_general3A = arith.constant dense<0.000000e+00> : vector<400x128xf32>
    %dot_general3A_21 = tpu.matmul %add3A_17, %get3A_20, %dot_general3A {dimension_numbers = #tpu.dot_dimension_numbers<[1], [0], [0], [1], [0, 0, 1, 1], [], []>, transpose_lhs_hint = false} : vector<400x128xf32>, vector<128x128xf32>, vector<400x128xf32> -> vector<400x128xf32>
    %get3A_22 = arith.constant 0 : index
    %get3A_23 = arith.constant 0 : index
    %get3A_24 = vector.load %arg7[%get3A_22, %get3A_23] : memref<1x128xf32, #tpu.memory_space<vmem>>, vector<1x128xf32>
    %add3A_25 = vector.broadcast %get3A_24 : vector<1x128xf32> to vector<400x128xf32>
    %add3A_26 = arith.addf %dot_general3A_21, %add3A_25 : vector<400x128xf32>
    %swap3A = arith.constant 0 : index
    %swap3A_27 = arith.constant 0 : index
    %swap3A_28 = vector.load %arg8[%swap3A, %swap3A_27] : memref<400x128xf32, #tpu.memory_space<vmem>>, vector<400x128xf32>
    tpu.vector_store %arg8[%swap3A, %swap3A_27], %add3A_26 {strides = array<i32>} : memref<400x128xf32, #tpu.memory_space<vmem>>, vector<400x128xf32>,
    return
  }
  func.func @transform_0(%arg0: i32) -> (i32, i32) {
    %c0_i32 = arith.constant 0 : i32
    %c0_i32_0 = arith.constant 0 : i32
    return %arg0, %c0_i32 : i32, i32
  }
  func.func @transform_1(%arg0: i32) -> (i32, i32) {
    %c0_i32 = arith.constant 0 : i32
    %c0_i32_0 = arith.constant 0 : i32
    return %arg0, %c0_i32 : i32, i32
  }
  func.func @transform_2(%arg0: i32) -> (i32, i32) {
    %c0_i32 = arith.constant 0 : i32
    %c0_i32_0 = arith.constant 0 : i32
    return %arg0, %c0_i32 : i32, i32
  }
  func.func @transform_3(%arg0: i32) -> (i32, i32) {
    %c0_i32 = arith.constant 0 : i32
    %c0_i32_0 = arith.constant 0 : i32
    return %arg0, %c0_i32 : i32, i32
  }
  func.func @transform_4(%arg0: i32) -> (i32, i32) {
    %c0_i32 = arith.constant 0 : i32
    %c0_i32_0 = arith.constant 0 : i32
    %c0_i32_1 = arith.constant 0 : i32
    return %c0_i32, %c0_i32_0 : i32, i32
  }
  func.func @transform_5(%arg0: i32) -> (i32, i32) {
    %c0_i32 = arith.constant 0 : i32
    %c0_i32_0 = arith.constant 0 : i32
    %c0_i32_1 = arith.constant 0 : i32
    return %c0_i32, %c0_i32_0 : i32, i32
  }
  func.func @transform_6(%arg0: i32) -> (i32, i32) {
    %c0_i32 = arith.constant 0 : i32
    %c0_i32_0 = arith.constant 0 : i32
    %c0_i32_1 = arith.constant 0 : i32
    return %c0_i32, %c0_i32_0 : i32, i32
  }
  func.func @transform_7(%arg0: i32) -> (i32, i32) {
    %c0_i32 = arith.constant 0 : i32
    %c0_i32_0 = arith.constant 0 : i32
    return %arg0, %c0_i32 : i32, i32
  }
}

</mosaic_0001>

<sc_bundles>
// kernel: kernel.12.cloned.1.call-start
scs
__scs_entry_jumppad:
0x0: {  	(pc) =	sbr.rel $0x88, $3  }
0x1: {  	(tag) =	ssettag $0x0;
	lr =	simm.s32 $0x1  }
0x2: {  	[smem:$0x3F97] =	sst lr;
	_ =	strace $0xD0000000  }
0x3: {  	_ = 	snop  }
0x4: {  	_ = 	snop  }
0x5: {  	_ = 	snop  }
0x6: {  	_ = 	snop  }
0x7: {  	_ = 	snop  }
__scs_overlays_trampoline_lowered:
0x8: {  	[smem:$0x3FA6] =	sst s0  }
0x9: {  	[smem:$0x3FA7] =	sst s1  }
0xa: {  	[smem:$0x3FA8] =	sst s2  }
0xb: {  	[smem:$0x3FA9] =	sst s3  }
0xc: {  	[smem:$0x3FAA] =	sst s4  }
0xd: {  	[smem:$0x3FAB] =	sst s5  }
0xe: {  	[smem:$0x3FAC] =	sst s6  }
0xf: {  	[smem:$0x3FAD] =	sst s7  }
0x10: {  	[smem:$0x3FAE] =	sst s8  }
0x11: {  	[smem:$0x3FAF] =	sst s9;
	s0 =	simm.s32 @!p0 $0x0  }
0x12: {  	s1 =	sld [smem:$0x3F95];
	s0 =	simm.s32 @p0 $0x1  }
0x13: {  	[smem:$0x3FB0] =	sst s0;
	s0 =	simm.s32 @!p1 $0x0  }
0x14: {  	s2 =	sld [smem:$0x3F94];
	s0 =	simm.s32 @p1 $0x1  }
0x15: {  	[smem:$0x3FB1] =	sst s0;
	s0 =	simm.s32 @!p2 $0x0  }
0x16: {  	s3 =	sld [smem:$0x3FDB];
	s0 =	simm.s32 @p2 $0x1  }
0x17: {  	s4 =	simm.s32 $0x1BF5;
	[smem:$0x3FB3] =	sst s0  }
0x18: {  	s0 =	sld [smem:$0x3F96];
	_ =	swait.ge [sflag:s4], $0x0  }
0x19: {  	s7 =	sld [smem:$0x3F97]  }
0x1a: {  	s8 =	sadd.s32 $0xFFFFE003, lr  }
0x1b: {  	s9 =	sadd.s32 $0xFFFFFEF7, lr;
	s5 =	simm.s32 $0xFFFFFFFF;
	p2 =	slt.u32 s8, $0xFFFFF086  }
0x1c: {  	p1 =	slt.u32 s9, $0xF7A;
	s5 =	simm.s32 @!p2 $0x0  }
0x1d: {  	s5 =	simm.s32 @p1 $0x1;
	p0 =	seq.s32 s7, s2  }
0x1e: {  	s7 =	smul.u32 @!p0 $0xF7A, s2;
	p2 =	seq.s32 @!p0 s5, $0x0  }
0x1f: {  	s9 =	smul.u32 $0xF7A, s1;
	s8 =	simm.s32 @!p0 $0x1BF5;
	p2 =	por !p2, p0  }
0x20: {  	[sflag:s8] =	ssyncset.s32 @!p0 $0xFFFFF086;
	s6 =	sadd.s32 @!p0 s3, s7;
	s7 =	simm.s32 @!p0 $0x108  }
0x21: {  	s3 =	sadd.s32 s3, s9;
	s6 =	sadd.s32 @!p0 $0x88, s6;
	s7 =	simm.s32 @p2 $0x1082  }
0x22: {  	[simem:s7], [sflag:s8] =	dma.local @!p0 [hbm:s6], $0xF7A  }
0x23: {  	s9 =	sor.u32 $0xD0000000, s2;
	s6 =	simm.s32 $0x108;
	_ =	swait.ge @!p0 [sflag:s8], $0x0  }
0x24: {  	s3 =	sadd.s32 $0x88, s3;
	s6 =	simm.s32 @!p1 $0x1082;
	[sflag:s4] =	ssyncset.s32 $0xFFFFF086  }
0x25: {  	[simem:s6], [sflag:s4] =	dma.local [hbm:s3], $0xF7A  }
0x26: {  	[smem:$0x3F97] =	sst s1;
	(tag) =	ssettag s2;
	_ =	strace s9  }
0x27: {  	s1 =	sld [smem:$0x3FA7]  }
0x28: {  	s2 =	sld [smem:$0x3FA8]  }
0x29: {  	s4 =	sld [smem:$0x3FAA]  }
0x2a: {  	p0 =	seq.s32 s5, $0x0;
	s5 =	sld [smem:$0x3FAB]  }
0x2b: {  	s6 =	sld [smem:$0x3FAC]  }
0x2c: {  	s7 =	sld [smem:$0x3FAD]  }
0x2d: {  	s3 =	simm.s32 $0x108;
	s8 =	sld [smem:$0x3FAE]  }
0x2e: {  	s3 =	simm.s32 @!p0 $0x1082;
	s9 =	sld [smem:$0x3FAF]  }
0x2f: {  	lr =	sadd.s32 s0, s3;
	s0 =	sld [smem:$0x3FA6]  }
0x30: {  	s3 =	sld [smem:$0x3FA9]  }
0x31: {  	[smem:$0x3FB2] =	sst s10  }
0x32: {  	s10 =	sld [smem:$0x3FB0];
	_ =	sdelay $0x3  }
0x33: {  	p0 =	seq.s32 s10, $0x1;
	s10 =	sld [smem:$0x3FB2];
	_ =	sdelay $0x3  }
0x34: {  	[smem:$0x3FB2] =	sst s10  }
0x35: {  	s10 =	sld [smem:$0x3FB1];
	_ =	sdelay $0x3  }
0x36: {  	p1 =	seq.s32 s10, $0x1;
	s10 =	sld [smem:$0x3FB2];
	_ =	sdelay $0x3  }
0x37: {  	[smem:$0x3FB2] =	sst s10  }
0x38: {  	s10 =	sld [smem:$0x3FB3]  }
0x39: {  	_ = 	snop;
	(pc) =	sbr.ind lr, $3  }
0x3a: {  	_ = 	snop  }
0x3b: {  	_ = 	snop  }
0x3c: {  	p2 =	seq.s32 s10, $0x1;
	s10 =	sld [smem:$0x3FB2]  }
0x3d: {  	_ =	shalt  }
0x3e: {  	_ =	shalt  }
0x3f: {  	_ =	shalt  }
0x40: {  	_ =	shalt  }
0x41: {  	_ =	shalt  }
0x42: {  	_ =	shalt  }
0x43: {  	_ =	shalt  }
0x44: {  	_ =	shalt  }
0x45: {  	_ =	shalt  }
0x46: {  	_ =	shalt  }
0x47: {  	_ =	shalt  }
0x48: {  	_ =	shalt  }
0x49: {  	_ =	shalt  }
0x4a: {  	_ =	shalt  }
0x4b: {  	_ =	shalt  }
0x4c: {  	_ =	shalt  }
0x4d: {  	_ =	shalt  }
0x4e: {  	_ =	shalt  }
0x4f: {  	_ =	shalt  }
0x50: {  	_ =	shalt  }
0x51: {  	_ =	shalt  }
0x52: {  	_ =	shalt  }
0x53: {  	_ =	shalt  }
0x54: {  	_ =	shalt  }
0x55: {  	_ =	shalt  }
0x56: {  	_ =	shalt  }
0x57: {  	_ =	shalt  }
0x58: {  	_ =	shalt  }
0x59: {  	_ =	shalt  }
0x5a: {  	_ =	shalt  }
0x5b: {  	_ =	shalt  }
0x5c: {  	_ =	shalt  }
0x5d: {  	_ =	shalt  }
0x5e: {  	_ =	shalt  }
0x5f: {  	_ =	shalt  }
0x60: {  	_ =	shalt  }
0x61: {  	_ =	shalt  }
0x62: {  	_ =	shalt  }
0x63: {  	_ =	shalt  }
0x64: {  	_ =	shalt  }
0x65: {  	_ =	shalt  }
0x66: {  	_ =	shalt  }
0x67: {  	_ =	shalt  }
0x68: {  	_ =	shalt  }
0x69: {  	_ =	shalt  }
0x6a: {  	_ =	shalt  }
0x6b: {  	_ =	shalt  }
0x6c: {  	_ =	shalt  }
0x6d: {  	_ =	shalt  }
0x6e: {  	_ =	shalt  }
0x6f: {  	_ =	shalt  }
0x70: {  	_ =	shalt  }
0x71: {  	_ =	shalt  }
0x72: {  	_ =	shalt  }
0x73: {  	_ =	shalt  }
0x74: {  	_ =	shalt  }
0x75: {  	_ =	shalt  }
0x76: {  	_ =	shalt  }
0x77: {  	_ =	shalt  }
0x78: {  	_ =	shalt  }
0x79: {  	_ =	shalt  }
0x7a: {  	_ =	shalt  }
0x7b: {  	_ =	shalt  }
0x7c: {  	_ =	shalt  }
0x7d: {  	_ =	shalt  }
0x7e: {  	_ =	shalt  }
0x7f: {  	_ =	shalt  }
0x80: {  	_ =	shalt  }
0x81: {  	_ =	shalt  }
0x82: {  	_ =	shalt  }
0x83: {  	_ =	shalt  }
0x84: {  	_ =	shalt  }
0x85: {  	_ =	shalt  }
0x86: {  	_ =	shalt  }
0x87: {  	_ =	shalt  }
.Lfunc_end0:
.L_simem_size_0:
called_computation.1_lowered:
.L_overlay_start_0:
0x88: {  	s2 =	sld [smem:$0x3FD9]  }
0x89: {  	s3 =	sld [smem:$0x3FFE];
	_ =	sdelay $0x1  }
0x8a: {  	s1 =	srdreg.scid  }
0x8b: {  	s0 =	sand.u32 $0x1, s1  }
0x8c: {  	s17 =	sshll.u32 s0, $0xA;
	s2 =	sadd.s32 s3, s2  }
0x8d: {  	s2 =	sadd.s32 s2, s17  }
0x8e: {  	[smem:$0x3FBE] =	sst s2  }
0x8f: {  	_ = 	snop  }
0x90: {  	s2 =	sld [smem:$0x3FD0];
	(tm) =	ssettm $0x1  }
0x91: {  	s18 =	sld [smem:$0x3FFB];
	_ =	sdelay $0x3  }
0x92: {  	_ =	strace s18  }
0x93: {  	s3 =	sld [smem:$0x3FFC];
	_ =	sdelay $0x3  }
0x94: {  	_ =	strace s3  }
0x95: {  	s3 =	sld [smem:$0x3FFD];
	_ =	sdelay $0x3  }
0x96: {  	_ =	strace s3  }
0x97: {  	_ =	strace $0x8FFFFFFF  }
0x98: {  	s19 =	sld [smem:$0x3FDB];
	_ =	sdelay $0x1  }
0x99: {  	s4 =	simm.s32 $_scs_section_size  }
0x9a: {  	s5 =	simm.s32 $_size__tile_overlayer_lowered;
	s6 =	simm.s32 $_tile_overlayer_lowered  }
0x9b: {  	s22 =	simm.s32 $0x1BFF;
	s21 =	sshll.u32 s6, $0x1;
	s3 =	sadd.s32 s4, s19  }
0x9c: {  	s7 =	simm.s32 $0x0;
	s20 =	sshll.u32 s5, $0x1;
	s5 =	sadd.s32 s21, s3  }
0x9d: {  	[timem:s7], [sflag:s22] =	dma.local [hbm:s5], s20  }
0x9e: {  	_ =	swait.ge [sflag:s22], s20  }
0x9f: {  	s4 =	ssub.s32 $0x0, s20;
	[sflag:s22] =	ssyncset.done $0x0  }
0xa0: {  	[sflag:s22] =	ssyncadd.s32 s4;
	_ =	sdelay $0x1  }
0xa1: {  	s23 =	simm.s32 $0x1B8B  }
0xa2: {  	_ =	swait.ge [sflag:s23], $0x1  }
0xa3: {  	[sflag:s23] =	ssyncset.done $0x0  }
0xa4: {  	s25 =	simm.s32 $0x1B8E;
	s24 =	sld [smem:$0x3FFE];
	[sflag:s23] =	ssyncadd.s32 $0xFFFFFFFF  }
0xa5: {  	s26 =	simm.s32 $execute0_lowered;
	[smem:$0x3FD2] =	sst s25  }
0xa6: {  	s5 =	sshll.u32 s26, $0x1;
	_ =	strace $0x80000049;
	[dreg:$0x1] =	wrdreg $0xFFFFFFFF  }
0xa7: {  	s28 =	simm.s32 $_size_execute0_lowered;
	s3 =	sadd.s32 s3, s5;
	[dreg:$0x0] =	wrdreg $0x0  }
0xa8: {  	s5 =	sshll.u32 s28, $0x1;
	[dreg:$0x2] =	wrdreg s3  }
0xa9: {  	[dreg:$0x3] =	wrdreg s5  }
0xaa: {  	[dreg:$0x4] =	wrdreg $0xC0  }
0xab: {  	_ =	task [dreg:s7], $0x5FFFF  }
0xac: {  	[dreg:$0x1] =	wrdreg $0xFFFFFFFF  }
0xad: {  	[dreg:$0x0] =	wrdreg $0x60  }
0xae: {  	[dreg:$0x2] =	wrdreg s2  }
0xaf: {  	[dreg:$0x3] =	wrdreg s24  }
0xb0: {  	[dreg:$0x4] =	wrdreg $0xA8000  }
0xb1: {  	[dreg:$0x5] =	wrdreg $0x9  }
0xb2: {  	_ =	task.clear_ibuf [dreg:s7], $0x6FFFF;
	_ =	strace $0x90000049  }
0xb3: {  	s29 =	simm.s32 $0x9;
	_ =	strace $0x8000004B  }
0xb4: {  	_ =	swait.ge [sflag:s29], $0x1  }
0xb5: {  	[sflag:s29] =	ssyncadd.s32 $0xFFFFFFFF  }
0xb6: {  	_ =	strace $0x9000004B  }
0xb7: {  	_ =	sfence  }
0xb8: {  	s30 =	sld [smem:$0x0];
	_ =	sdelay $0x2  }
0xb9: {  	s31 =	sshll.u32 s1, $0xD;
	s1 =	sshrl.u32 s1, $0x2  }
0xba: {  	s3 =	sand.u32 $0x4000, s31;
	s1 =	sadd.s32 s1, s30  }
0xbb: {  	s0 =	sor.u32 s3, s0;
	s1 =	sshll.u32 s1, $0x11  }
0xbc: {  	s0 =	sor.u32 s1, s0  }
0xbd: {  	s0 =	sadd.s32 $0x8F2B, s0  }
0xbe: {  	[sflag:s0] =	ssyncadd.remote.s32 $0x1  }
0xbf: {  	_ =	sfence.sel $0xFFFF  }
0xc0: {  	[dreg:$0x0] =	wrdreg $0xFFFFFFFF;
	(pc) =	sbr.abs _section_cstart, $3  }
0xc1: {  	[dreg:$0x1] =	wrdreg $0xFFFFFFFF  }
0xc2: {  	_ =	task.clear_ibuf [dreg:s7], $0x2FFFF;
	_ =	strace $0x9FFFFFFF  }
0xc3: {  	(tm) =	ssettm $0x7FFFFFFF  }
tec
execute0_lowered:
.L_overlay_start_1:
0x0: {  	(tag) =	ssettag $0x1  }
0x1: {  	s1 =	rddreg [dreg:$0x0]  }
0x2: {  	s5 =	rddreg [dreg:$0x1]  }
0x3: {  	s2 =	rddreg [dreg:$0x2]  }
0x4: {  	s0 =	rddreg [dreg:$0x3];
	s4 =	simm.s32 $0x0;
	s3 =	srdreg.scid  }
0x5: {  	s16 =	simm.s32 $0x2800;
	s17 =	simm.s32 $0x3;
	s18 =	simm.s32 $0x80  }
0x6: {  	s19 =	simm.s32 $0x6800;
	s20 =	simm.s32 $0x1;
	s21 =	simm.s32 $0x2  }
0x7: {  	s22 =	simm.s32 $0x2700;
	[smem:$0x7FF] =	sst s4;
	s6 =	sand.u32 $0x1, s3  }
0x8: {  	s23 =	simm.s32 $0x2780;
	s3 =	stileid.u32;
	s7 =	smul.u32 $0x140000, s6  }
0x9: {  	s9 =	sadd.s32 $0xD400, s5;
	s8 =	smul.u32 $0x14000, s3;
	s11 =	sshll.u32 s6, $0x4  }
0xa: {  	s10 =	sadd.s32 $0x3400, s5;
	s25 =	smul.u32 $0x50000, s3;
	s24 =	sor.u32 s3, s11  }
0xb: {  	_ =	strace $0x8000004A;
	s6 =	ssub.s32 $0x2, s6;
	s12 =	smul.u32 $0x2800, s24  }
0xc: {  	s26 =	sshrl.u32 s6, $0x1;
	s7 =	sadd.s32 s8, s7;
	s28 =	smul.u32 $0x500, s24  }
0xd: {  	s14 =	ssub.s32 s6, s26;
	s29 =	sshrl.u32 s25, $0x2;
	s7 =	sshrl.u32 s7, $0x3  }
0xe: {  	s24 =	simm.s32 $0x0;
	s11 =	smax.u32 s14, $0x1;
	s13 =	sadd.s32 s7, s5  }
0xf: {  	s30 =	sshrl.u32 s12, $0x3;
	s5 =	sadd.s32 s29, s2;
	s6 =	sadd.s32 s9, s28  }
0x10: {  	s7 =	sadd.s32 s10, s28;
	s31 =	sadd.s32 $0x280, s30;
	s12 =	sadd.s32 $0x4000, s5  }
0x11: {  	s14 =	sadd.s32 $0xC000, s5;
	s15 =	sadd.s32 $0x10000, s5;
	s8 =	sadd.s32 s9, s31  }
0x12: {  	v0 =	vimm.f32 $0.0e+00;
	s9 =	sadd.s32 s10, s31;
	s10 =	sadd.s32 $0x17400, s13;
	s13 =	sadd.s32 $0x8000, s5  }
.LBB2_1:
0x13: {  	s25 =	sand.u32 $0xFE00, s4  }
0x14: {  	s26 =	sand.u32 $0x70, s4;
	s28 =	sshrl.u32 s25, $0x2  }
0x15: {  	s25 =	simm.s32 $0x40;
	s28 =	sor.u32 s26, s28;
	s26 =	simm.s32 $0x0  }
.LBB2_2:
0x16: {  	p0 =	sne.s32 s25, $0xFFC0  }
0x17: {  	[tilespmem:s28+$0x2800] =	vst v0;
	s26 =	sadd.s32 $0x10, s26;
	s28 =	smov.u32 s25;
	s25 =	sadd.s32 $0x40, s25  }
.Ltmp0:
0x18: {  	(pc) =	sbr.rel @p0 .LBB2_2-.Ltmp0, $4  }
0x19: {  	_ = 	snop  }
0x1a: {  	s28 =	sand.u32 $0xFE00, s28  }
0x1b: {  	s29 =	sand.u32 $0x70, s26;
	s28 =	sshrl.u32 s28, $0x2  }
0x1c: {  	s28 =	sor.u32 s29, s28  }
0x1d: {  	[tilespmem:s28+$0x2800] =	vst v0  }
0x1e: {  	[spmem:s5] =	stream.linear.scatter [tilespmem:s16], [sflag:$0x3], $0x4000, $0x38;
	[tilespmem:$0x1E800] =	vst v63  }
0x1f: {  	_ =	swait.ge [sflag:s17], $0x4000  }
0x20: {  	[sflag:s17] =	ssyncset.done $0x0  }
0x21: {  	[sflag:s17] =	ssyncadd.s32 $0xFFFFC000  }
0x22: {  	[spmem:s12] =	stream.linear.scatter [tilespmem:s16], [sflag:$0x3], $0x4000, $0x38;
	[tilespmem:$0x1E800] =	vst v63  }
0x23: {  	_ =	swait.ge [sflag:s17], $0x4000  }
0x24: {  	[sflag:s17] =	ssyncset.done $0x0  }
0x25: {  	[sflag:s17] =	ssyncadd.s32 $0xFFFFC000  }
0x26: {  	[spmem:s13] =	stream.linear.scatter [tilespmem:s16], [sflag:$0x3], $0x4000, $0x38;
	[tilespmem:$0x1E800] =	vst v63  }
0x27: {  	_ =	swait.ge [sflag:s17], $0x4000  }
0x28: {  	[sflag:s17] =	ssyncset.done $0x0  }
0x29: {  	[sflag:s17] =	ssyncadd.s32 $0xFFFFC000  }
0x2a: {  	[spmem:s14] =	stream.linear.scatter [tilespmem:s16], [sflag:$0x3], $0x4000, $0x38;
	[tilespmem:$0x1E800] =	vst v63  }
0x2b: {  	_ =	swait.ge [sflag:s17], $0x4000  }
0x2c: {  	[sflag:s17] =	ssyncset.done $0x0  }
0x2d: {  	[sflag:s17] =	ssyncadd.s32 $0xFFFFC000  }
0x2e: {  	[spmem:s15] =	stream.linear.scatter [tilespmem:s16], [sflag:$0x3], $0x4000, $0x38;
	[tilespmem:$0x1E800] =	vst v63  }
0x2f: {  	_ =	swait.ge [sflag:s17], $0x4000  }
0x30: {  	[sflag:s17] =	ssyncset.done $0x0  }
0x31: {  	s25 =	simm.s32 $0x0;
	[sflag:s17] =	ssyncadd.s32 $0xFFFFC000  }
0x32: {  	[tilespmem:s25], [sflag:$0x3] =	stream.linear.gather [hbm4b:s6+s25], $0x1400, $0x38;
	[tilespmem:$0x1E800] =	vst v63  }
0x33: {  	_ =	swait.ge [sflag:s17], $0x1400  }
0x34: {  	[sflag:s17] =	ssyncset.done $0x0  }
0x35: {  	s26 =	simm.s32 $0x1400;
	[sflag:s17] =	ssyncadd.s32 $0xFFFFEC00  }
0x36: {  	[tilespmem:s26], [sflag:$0x3] =	stream.linear.gather [hbm4b:s7+s25], $0x1400, $0x38;
	[tilespmem:$0x1E800] =	vst v63  }
0x37: {  	_ =	swait.ge [sflag:s17], $0x1400  }
0x38: {  	[sflag:s17] =	ssyncset.done $0x0  }
0x39: {  	[sflag:s17] =	ssyncadd.s32 $0xFFFFEC00  }
0x3a: {  	[tilespmem:s16], [sflag:$0x1] =	stream.indirect.gather [hbm4b:s1+s18], $0x80, s25, s18, $0xb8;
	[tilespmem:$0x1E800] =	vst v63  }
0x3b: {  	_ = 	snop  }
0x3c: {  	[tilespmem:s19], [sflag:$0x1] =	stream.indirect.gather [hbm4b:s1+s18], $0x80, s18, s18, $0xb8;
	[tilespmem:$0x1E800] =	vst v63  }
0x3d: {  	[bflag:$0x0] =	sbarrier.arrive $0xFFFF  }
0x3e: {  	_ =	swait.ge [sflag:s20], $0x4000  }
0x3f: {  	s25 =	sand.u32 $0x4000, s25;
	[sflag:s20] =	ssyncset.done $0x0  }
0x40: {  	s30 =	sor.u32 $0x2800, s25;
	[sflag:s20] =	ssyncadd.s32 $0xFFFFC000  }
0x41: {  	[spmem:s2] =	stream.indirect.scatter.add.f32 [tilespmem:s30], [sflag:$0x2], $0x80, s26, s18, $0xb8;
	[tilespmem:$0x1E800] =	vst v63  }
0x42: {  	_ =	swait.ge [sflag:s21], $0x4000  }
0x43: {  	s28 =	simm.s32 $0x180;
	s29 =	simm.s32 $0x1480;
	[sflag:s21] =	ssyncset.done $0x0  }
0x44: {  	s25 =	simm.s32 $0x100;
	s26 =	simm.s32 $0x4000;
	[sflag:s21] =	ssyncadd.s32 $0xFFFFC000  }
.LBB2_4:
0x45: {  	[tilespmem:s30], [sflag:$0x1] =	stream.indirect.gather [hbm4b:s1+s18], $0x80, s25, s18, $0xb8;
	[tilespmem:$0x1E800] =	vst v63  }
0x46: {  	s30 =	smov.u32 s26;
	s25 =	smov.u32 s28  }
0x47: {  	p0 =	sne.s32 s26, $0x94000;
	s26 =	sadd.s32 $0x4000, s26;
	_ =	swait.ge [sflag:s20], $0x4000  }
0x48: {  	s30 =	sand.u32 $0x4000, s30;
	[sflag:s20] =	ssyncset.done $0x0  }
.Ltmp1:
0x49: {  	s30 =	sor.u32 $0x2800, s30;
	[sflag:s20] =	ssyncadd.s32 $0xFFFFC000;
	(pc) =	sbr.rel @p0 .LBB2_4-.Ltmp1, $4  }
0x4a: {  	[spmem:s2] =	stream.indirect.scatter.add.f32 [tilespmem:s30], [sflag:$0x2], $0x80, s29, s18, $0xb8;
	[tilespmem:$0x1E800] =	vst v63  }
0x4b: {  	_ =	swait.ge [sflag:s21], $0x4000  }
0x4c: {  	[sflag:s21] =	ssyncset.done $0x0  }
0x4d: {  	s28 =	sadd.s32 $0x80, s28;
	s29 =	sadd.s32 $0x80, s29;
	[sflag:s21] =	ssyncadd.s32 $0xFFFFC000  }
0x4e: {  	[tilespmem:s30], [sflag:$0x1] =	stream.indirect.gather [hbm4b:s1+s18], $0x80, s25, s18, $0xb8;
	[tilespmem:$0x1E800] =	vst v63  }
0x4f: {  	_ =	swait.ge [sflag:s20], $0x4000  }
0x50: {  	[sflag:s20] =	ssyncset.done $0x0  }
0x51: {  	[sflag:s20] =	ssyncadd.s32 $0xFFFFC000  }
0x52: {  	[spmem:s2] =	stream.indirect.scatter.add.f32 [tilespmem:s16], [sflag:$0x3], $0x80, s22, s18, $0xb8;
	[tilespmem:$0x1E800] =	vst v63  }
0x53: {  	_ =	swait.ge [sflag:s17], $0x4000  }
0x54: {  	[sflag:s17] =	ssyncset.done $0x0  }
0x55: {  	[sflag:s17] =	ssyncadd.s32 $0xFFFFC000  }
0x56: {  	_ =	swait.ge [sflag:s20], $0x4000  }
0x57: {  	[sflag:s20] =	ssyncset.done $0x0  }
0x58: {  	[sflag:s20] =	ssyncadd.s32 $0xFFFFC000  }
0x59: {  	[spmem:s2] =	stream.indirect.scatter.add.f32 [tilespmem:s19], [sflag:$0x3], $0x80, s23, s18, $0xb8;
	[tilespmem:$0x1E800] =	vst v63  }
0x5a: {  	_ =	swait.ge [sflag:s17], $0x4000  }
0x5b: {  	[sflag:s17] =	ssyncset.done $0x0  }
0x5c: {  	s31 =	simm.s32 $0x0;
	[sflag:s17] =	ssyncadd.s32 $0xFFFFC000  }
0x5d: {  	[tilespmem:s31], [sflag:$0x3] =	stream.linear.gather [hbm4b:s8+s31], $0x1400, $0x38;
	[tilespmem:$0x1E800] =	vst v63  }
0x5e: {  	_ =	swait.ge [sflag:s17], $0x1400  }
0x5f: {  	[sflag:s17] =	ssyncset.done $0x0  }
0x60: {  	s26 =	simm.s32 $0x1400;
	[sflag:s17] =	ssyncadd.s32 $0xFFFFEC00  }
0x61: {  	[tilespmem:s26], [sflag:$0x3] =	stream.linear.gather [hbm4b:s9+s31], $0x1400, $0x38;
	[tilespmem:$0x1E800] =	vst v63  }
0x62: {  	_ =	swait.ge [sflag:s17], $0x1400  }
0x63: {  	[sflag:s17] =	ssyncset.done $0x0  }
0x64: {  	[sflag:s17] =	ssyncadd.s32 $0xFFFFEC00  }
0x65: {  	[tilespmem:s16], [sflag:$0x1] =	stream.indirect.gather [hbm4b:s1+s18], $0x80, s31, s18, $0xb8;
	[tilespmem:$0x1E800] =	vst v63  }
0x66: {  	_ = 	snop  }
0x67: {  	[tilespmem:s19], [sflag:$0x1] =	stream.indirect.gather [hbm4b:s1+s18], $0x80, s18, s18, $0xb8;
	[tilespmem:$0x1E800] =	vst v63  }
0x68: {  	_ =	swait.ge [sflag:s20], $0x4000  }
0x69: {  	s25 =	sand.u32 $0x4000, s31;
	[sflag:s20] =	ssyncset.done $0x0  }
0x6a: {  	s30 =	sor.u32 $0x2800, s25;
	[sflag:s20] =	ssyncadd.s32 $0xFFFFC000  }
0x6b: {  	[spmem:s2] =	stream.indirect.scatter.add.f32 [tilespmem:s30], [sflag:$0x2], $0x80, s26, s18, $0xb8;
	[tilespmem:$0x1E800] =	vst v63  }
0x6c: {  	_ =	swait.ge [sflag:s21], $0x4000  }
0x6d: {  	s28 =	simm.s32 $0x180;
	s29 =	simm.s32 $0x1480;
	[sflag:s21] =	ssyncset.done $0x0  }
0x6e: {  	s25 =	simm.s32 $0x100;
	s26 =	simm.s32 $0x4000;
	[sflag:s21] =	ssyncadd.s32 $0xFFFFC000  }
.LBB2_6:
0x6f: {  	[tilespmem:s30], [sflag:$0x1] =	stream.indirect.gather [hbm4b:s1+s18], $0x80, s25, s18, $0xb8;
	[tilespmem:$0x1E800] =	vst v63  }
0x70: {  	s30 =	smov.u32 s26;
	s25 =	smov.u32 s28  }
0x71: {  	p0 =	sne.s32 s26, $0x94000;
	s26 =	sadd.s32 $0x4000, s26;
	_ =	swait.ge [sflag:s20], $0x4000  }
0x72: {  	s30 =	sand.u32 $0x4000, s30;
	[sflag:s20] =	ssyncset.done $0x0  }
.Ltmp2:
0x73: {  	s30 =	sor.u32 $0x2800, s30;
	[sflag:s20] =	ssyncadd.s32 $0xFFFFC000;
	(pc) =	sbr.rel @p0 .LBB2_6-.Ltmp2, $4  }
0x74: {  	[spmem:s2] =	stream.indirect.scatter.add.f32 [tilespmem:s30], [sflag:$0x2], $0x80, s29, s18, $0xb8;
	[tilespmem:$0x1E800] =	vst v63  }
0x75: {  	_ =	swait.ge [sflag:s21], $0x4000  }
0x76: {  	[sflag:s21] =	ssyncset.done $0x0  }
0x77: {  	s28 =	sadd.s32 $0x80, s28;
	s29 =	sadd.s32 $0x80, s29;
	[sflag:s21] =	ssyncadd.s32 $0xFFFFC000  }
0x78: {  	[tilespmem:s30], [sflag:$0x1] =	stream.indirect.gather [hbm4b:s1+s18], $0x80, s25, s18, $0xb8;
	[tilespmem:$0x1E800] =	vst v63  }
0x79: {  	_ =	swait.ge [sflag:s20], $0x4000  }
0x7a: {  	[sflag:s20] =	ssyncset.done $0x0  }
0x7b: {  	[sflag:s20] =	ssyncadd.s32 $0xFFFFC000  }
0x7c: {  	[spmem:s2] =	stream.indirect.scatter.add.f32 [tilespmem:s16], [sflag:$0x3], $0x80, s22, s18, $0xb8;
	[tilespmem:$0x1E800] =	vst v63  }
0x7d: {  	_ =	swait.ge [sflag:s17], $0x4000  }
0x7e: {  	[sflag:s17] =	ssyncset.done $0x0  }
0x7f: {  	[sflag:s17] =	ssyncadd.s32 $0xFFFFC000  }
0x80: {  	_ =	swait.ge [sflag:s20], $0x4000  }
0x81: {  	[sflag:s20] =	ssyncset.done $0x0  }
0x82: {  	[sflag:s20] =	ssyncadd.s32 $0xFFFFC000  }
0x83: {  	[spmem:s2] =	stream.indirect.scatter.add.f32 [tilespmem:s19], [sflag:$0x3], $0x80, s23, s18, $0xb8;
	[tilespmem:$0x1E800] =	vst v63  }
0x84: {  	_ =	swait.ge [sflag:s17], $0x4000  }
0x85: {  	s31 =	sshll.u32 s3, $0x6;
	s24 =	sadd.s32 $0x1, s24;
	[sflag:s17] =	ssyncset.done $0x0  }
0x86: {  	s26 =	sshrl.u32 s5, $0x3;
	p0 =	sne.s32 s24, s11;
	[sflag:s17] =	ssyncadd.s32 $0xFFFFC000  }
.Ltmp3:
0x87: {  	s25 =	sor.u32 $0x1C03, s31;
	[bflag:$0x0] =	sbarrier.arrive $0xFFFF;
	(pc) =	sbr.rel @p0 .LBB2_1-.Ltmp3, $4  }
0x88: {  	[hbm:s10], [sflag:s25] =	dma.local [spmem:s26], $0x2800  }
0x89: {  	_ =	swait.ge [sflag:s17], $0x2800  }
0x8a: {  	[sflag:s17] =	ssyncset.done $0x0  }
0x8b: {  	[sflag:s17] =	ssyncadd.s32 $0xFFFFD800  }
0x8c: {  	_ =	sfence.sel $0x180000  }
0x8d: {  	[bflag:$0x0] =	sbarrier.arrive $0xFFFF  }
0x8e: {  	p0 =	sne.s32 s3, $0x0;
	_ =	strace $0x9000004A  }
0x8f: {  	s0 =	sadd.s32 @!p0 $0x100000, s0;
	[bflag:$0x2] =	sbarrier.arrive $0xFFFF  }
0x90: {  	[sflag:s0] =	ssyncadd.tile.s32 @!p0 $0x1;
	_ =	shalt  }
.Lfunc_end2:
_tile_overlayer_lowered:
.L_overlay_start_2:
0x91: {  	(tag) =	ssettag $0x2  }
0x92: {  	s0 =	rddreg [dreg:$0x0];
	s2 =	stileid.u32  }
0x93: {  	s1 =	rddreg [dreg:$0x1];
	p0 =	sne.s32 s2, $0x0  }
0x94: {  	s3 =	rddreg [dreg:$0x2];
	[bflag:$0x3] =	sbarrier.arrive $0xFFFF;
	s2 =	simm.s32 @!p0 $0x1C03  }
0x95: {  	[timem:s3], [sflag:s2] =	dma.local @!p0 [hbm:s0], s1  }
0x96: {  	s0 =	simm.s32 @!p0 $0x3  }
0x97: {  	_ =	swait.ge @!p0 [sflag:s0], s1  }
0x98: {  	s1 =	ssub.s32 @!p0 $0x0, s1;
	[sflag:s0] =	ssyncset.done @!p0 $0x0  }
0x99: {  	[sflag:s0] =	ssyncadd.s32 @!p0 s1  }
0x9a: {  	[bflag:$0x3] =	sbarrier.arrive $0xFFFF  }
0x9b: {  	_ =	shalt  }

// kernel: kernel.15.cloned.1.call-start
scs
__scs_entry_jumppad:
0x0: {  	(pc) =	sbr.rel $0x88, $3  }
0x1: {  	(tag) =	ssettag $0x0;
	lr =	simm.s32 $0x1  }
0x2: {  	[smem:$0x3F97] =	sst lr;
	_ =	strace $0xD0000000  }
0x3: {  	_ = 	snop  }
0x4: {  	_ = 	snop  }
0x5: {  	_ = 	snop  }
0x6: {  	_ = 	snop  }
0x7: {  	_ = 	snop  }
__scs_overlays_trampoline_lowered:
0x8: {  	[smem:$0x3FA6] =	sst s0  }
0x9: {  	[smem:$0x3FA7] =	sst s1  }
0xa: {  	[smem:$0x3FA8] =	sst s2  }
0xb: {  	[smem:$0x3FA9] =	sst s3  }
0xc: {  	[smem:$0x3FAA] =	sst s4  }
0xd: {  	[smem:$0x3FAB] =	sst s5  }
0xe: {  	[smem:$0x3FAC] =	sst s6  }
0xf: {  	[smem:$0x3FAD] =	sst s7  }
0x10: {  	[smem:$0x3FAE] =	sst s8  }
0x11: {  	[smem:$0x3FAF] =	sst s9;
	s0 =	simm.s32 @!p0 $0x0  }
0x12: {  	s1 =	sld [smem:$0x3F95];
	s0 =	simm.s32 @p0 $0x1  }
0x13: {  	[smem:$0x3FB0] =	sst s0;
	s0 =	simm.s32 @!p1 $0x0  }
0x14: {  	s2 =	sld [smem:$0x3F94];
	s0 =	simm.s32 @p1 $0x1  }
0x15: {  	[smem:$0x3FB1] =	sst s0;
	s0 =	simm.s32 @!p2 $0x0  }
0x16: {  	s3 =	sld [smem:$0x3FDB];
	s0 =	simm.s32 @p2 $0x1  }
0x17: {  	s4 =	simm.s32 $0x1BF5;
	[smem:$0x3FB3] =	sst s0  }
0x18: {  	s0 =	sld [smem:$0x3F96];
	_ =	swait.ge [sflag:s4], $0x0  }
0x19: {  	s7 =	sld [smem:$0x3F97]  }
0x1a: {  	s8 =	sadd.s32 $0xFFFFE003, lr  }
0x1b: {  	s9 =	sadd.s32 $0xFFFFFEF7, lr;
	s5 =	simm.s32 $0xFFFFFFFF;
	p2 =	slt.u32 s8, $0xFFFFF086  }
0x1c: {  	p1 =	slt.u32 s9, $0xF7A;
	s5 =	simm.s32 @!p2 $0x0  }
0x1d: {  	s5 =	simm.s32 @p1 $0x1;
	p0 =	seq.s32 s7, s2  }
0x1e: {  	s7 =	smul.u32 @!p0 $0xF7A, s2;
	p2 =	seq.s32 @!p0 s5, $0x0  }
0x1f: {  	s9 =	smul.u32 $0xF7A, s1;
	s8 =	simm.s32 @!p0 $0x1BF5;
	p2 =	por !p2, p0  }
0x20: {  	[sflag:s8] =	ssyncset.s32 @!p0 $0xFFFFF086;
	s6 =	sadd.s32 @!p0 s3, s7;
	s7 =	simm.s32 @!p0 $0x108  }
0x21: {  	s3 =	sadd.s32 s3, s9;
	s6 =	sadd.s32 @!p0 $0x88, s6;
	s7 =	simm.s32 @p2 $0x1082  }
0x22: {  	[simem:s7], [sflag:s8] =	dma.local @!p0 [hbm:s6], $0xF7A  }
0x23: {  	s9 =	sor.u32 $0xD0000000, s2;
	s6 =	simm.s32 $0x108;
	_ =	swait.ge @!p0 [sflag:s8], $0x0  }
0x24: {  	s3 =	sadd.s32 $0x88, s3;
	s6 =	simm.s32 @!p1 $0x1082;
	[sflag:s4] =	ssyncset.s32 $0xFFFFF086  }
0x25: {  	[simem:s6], [sflag:s4] =	dma.local [hbm:s3], $0xF7A  }
0x26: {  	[smem:$0x3F97] =	sst s1;
	(tag) =	ssettag s2;
	_ =	strace s9  }
0x27: {  	s1 =	sld [smem:$0x3FA7]  }
0x28: {  	s2 =	sld [smem:$0x3FA8]  }
0x29: {  	s4 =	sld [smem:$0x3FAA]  }
0x2a: {  	p0 =	seq.s32 s5, $0x0;
	s5 =	sld [smem:$0x3FAB]  }
0x2b: {  	s6 =	sld [smem:$0x3FAC]  }
0x2c: {  	s7 =	sld [smem:$0x3FAD]  }
0x2d: {  	s3 =	simm.s32 $0x108;
	s8 =	sld [smem:$0x3FAE]  }
0x2e: {  	s3 =	simm.s32 @!p0 $0x1082;
	s9 =	sld [smem:$0x3FAF]  }
0x2f: {  	lr =	sadd.s32 s0, s3;
	s0 =	sld [smem:$0x3FA6]  }
0x30: {  	s3 =	sld [smem:$0x3FA9]  }
0x31: {  	[smem:$0x3FB2] =	sst s10  }
0x32: {  	s10 =	sld [smem:$0x3FB0];
	_ =	sdelay $0x3  }
0x33: {  	p0 =	seq.s32 s10, $0x1;
	s10 =	sld [smem:$0x3FB2];
	_ =	sdelay $0x3  }
0x34: {  	[smem:$0x3FB2] =	sst s10  }
0x35: {  	s10 =	sld [smem:$0x3FB1];
	_ =	sdelay $0x3  }
0x36: {  	p1 =	seq.s32 s10, $0x1;
	s10 =	sld [smem:$0x3FB2];
	_ =	sdelay $0x3  }
0x37: {  	[smem:$0x3FB2] =	sst s10  }
0x38: {  	s10 =	sld [smem:$0x3FB3]  }
0x39: {  	_ = 	snop;
	(pc) =	sbr.ind lr, $3  }
0x3a: {  	_ = 	snop  }
0x3b: {  	_ = 	snop  }
0x3c: {  	p2 =	seq.s32 s10, $0x1;
	s10 =	sld [smem:$0x3FB2]  }
0x3d: {  	_ =	shalt  }
0x3e: {  	_ =	shalt  }
0x3f: {  	_ =	shalt  }
0x40: {  	_ =	shalt  }
0x41: {  	_ =	shalt  }
0x42: {  	_ =	shalt  }
0x43: {  	_ =	shalt  }
0x44: {  	_ =	shalt  }
0x45: {  	_ =	shalt  }
0x46: {  	_ =	shalt  }
0x47: {  	_ =	shalt  }
0x48: {  	_ =	shalt  }
0x49: {  	_ =	shalt  }
0x4a: {  	_ =	shalt  }
0x4b: {  	_ =	shalt  }
0x4c: {  	_ =	shalt  }
0x4d: {  	_ =	shalt  }
0x4e: {  	_ =	shalt  }
0x4f: {  	_ =	shalt  }
0x50: {  	_ =	shalt  }
0x51: {  	_ =	shalt  }
0x52: {  	_ =	shalt  }
0x53: {  	_ =	shalt  }
0x54: {  	_ =	shalt  }
0x55: {  	_ =	shalt  }
0x56: {  	_ =	shalt  }
0x57: {  	_ =	shalt  }
0x58: {  	_ =	shalt  }
0x59: {  	_ =	shalt  }
0x5a: {  	_ =	shalt  }
0x5b: {  	_ =	shalt  }
0x5c: {  	_ =	shalt  }
0x5d: {  	_ =	shalt  }
0x5e: {  	_ =	shalt  }
0x5f: {  	_ =	shalt  }
0x60: {  	_ =	shalt  }
0x61: {  	_ =	shalt  }
0x62: {  	_ =	shalt  }
0x63: {  	_ =	shalt  }
0x64: {  	_ =	shalt  }
0x65: {  	_ =	shalt  }
0x66: {  	_ =	shalt  }
0x67: {  	_ =	shalt  }
0x68: {  	_ =	shalt  }
0x69: {  	_ =	shalt  }
0x6a: {  	_ =	shalt  }
0x6b: {  	_ =	shalt  }
0x6c: {  	_ =	shalt  }
0x6d: {  	_ =	shalt  }
0x6e: {  	_ =	shalt  }
0x6f: {  	_ =	shalt  }
0x70: {  	_ =	shalt  }
0x71: {  	_ =	shalt  }
0x72: {  	_ =	shalt  }
0x73: {  	_ =	shalt  }
0x74: {  	_ =	shalt  }
0x75: {  	_ =	shalt  }
0x76: {  	_ =	shalt  }
0x77: {  	_ =	shalt  }
0x78: {  	_ =	shalt  }
0x79: {  	_ =	shalt  }
0x7a: {  	_ =	shalt  }
0x7b: {  	_ =	shalt  }
0x7c: {  	_ =	shalt  }
0x7d: {  	_ =	shalt  }
0x7e: {  	_ =	shalt  }
0x7f: {  	_ =	shalt  }
0x80: {  	_ =	shalt  }
0x81: {  	_ =	shalt  }
0x82: {  	_ =	shalt  }
0x83: {  	_ =	shalt  }
0x84: {  	_ =	shalt  }
0x85: {  	_ =	shalt  }
0x86: {  	_ =	shalt  }
0x87: {  	_ =	shalt  }
.Lfunc_end0:
.L_simem_size_0:
called_computation.2_lowered:
.L_overlay_start_0:
0x88: {  	s2 =	sld [smem:$0x3FD9]  }
0x89: {  	s3 =	sld [smem:$0x3FFE];
	_ =	sdelay $0x1  }
0x8a: {  	s1 =	srdreg.scid  }
0x8b: {  	s0 =	sand.u32 $0x1, s1  }
0x8c: {  	s17 =	sshll.u32 s0, $0xA;
	s2 =	sadd.s32 s3, s2  }
0x8d: {  	s2 =	sadd.s32 s2, s17  }
0x8e: {  	[smem:$0x3FBE] =	sst s2  }
0x8f: {  	_ = 	snop  }
0x90: {  	s2 =	sld [smem:$0x3FD0];
	(tm) =	ssettm $0x1  }
0x91: {  	s18 =	sld [smem:$0x3FFB];
	_ =	sdelay $0x3  }
0x92: {  	_ =	strace s18  }
0x93: {  	s3 =	sld [smem:$0x3FFC];
	_ =	sdelay $0x3  }
0x94: {  	_ =	strace s3  }
0x95: {  	s3 =	sld [smem:$0x3FFD];
	_ =	sdelay $0x3  }
0x96: {  	_ =	strace s3  }
0x97: {  	_ =	strace $0x8FFFFFFF  }
0x98: {  	s19 =	sld [smem:$0x3FDB];
	_ =	sdelay $0x1  }
0x99: {  	s4 =	simm.s32 $_scs_section_size  }
0x9a: {  	s5 =	simm.s32 $_size__tile_overlayer_lowered;
	s6 =	simm.s32 $_tile_overlayer_lowered  }
0x9b: {  	s22 =	simm.s32 $0x1BFF;
	s21 =	sshll.u32 s6, $0x1;
	s3 =	sadd.s32 s4, s19  }
0x9c: {  	s7 =	simm.s32 $0x0;
	s20 =	sshll.u32 s5, $0x1;
	s5 =	sadd.s32 s21, s3  }
0x9d: {  	[timem:s7], [sflag:s22] =	dma.local [hbm:s5], s20  }
0x9e: {  	_ =	swait.ge [sflag:s22], s20  }
0x9f: {  	s4 =	ssub.s32 $0x0, s20;
	[sflag:s22] =	ssyncset.done $0x0  }
0xa0: {  	[sflag:s22] =	ssyncadd.s32 s4;
	_ =	sdelay $0x1  }
0xa1: {  	s23 =	simm.s32 $0x1B8B  }
0xa2: {  	_ =	swait.ge [sflag:s23], $0x1  }
0xa3: {  	[sflag:s23] =	ssyncset.done $0x0  }
0xa4: {  	s25 =	simm.s32 $0x1B8E;
	s24 =	sld [smem:$0x3FFE];
	[sflag:s23] =	ssyncadd.s32 $0xFFFFFFFF  }
0xa5: {  	s26 =	simm.s32 $execute0_lowered;
	[smem:$0x3FD2] =	sst s25  }
0xa6: {  	s5 =	sshll.u32 s26, $0x1;
	_ =	strace $0x8000004C;
	[dreg:$0x1] =	wrdreg $0xFFFFFFFF  }
0xa7: {  	s28 =	simm.s32 $_size_execute0_lowered;
	s3 =	sadd.s32 s3, s5;
	[dreg:$0x0] =	wrdreg $0x0  }
0xa8: {  	s5 =	sshll.u32 s28, $0x1;
	[dreg:$0x2] =	wrdreg s3  }
0xa9: {  	[dreg:$0x3] =	wrdreg s5  }
0xaa: {  	[dreg:$0x4] =	wrdreg $0xC0  }
0xab: {  	_ =	task [dreg:s7], $0x5FFFF  }
0xac: {  	[dreg:$0x1] =	wrdreg $0xFFFFFFFF  }
0xad: {  	[dreg:$0x0] =	wrdreg $0x60  }
0xae: {  	[dreg:$0x2] =	wrdreg s2  }
0xaf: {  	[dreg:$0x3] =	wrdreg s24  }
0xb0: {  	[dreg:$0x4] =	wrdreg $0xA8000  }
0xb1: {  	[dreg:$0x5] =	wrdreg $0x9  }
0xb2: {  	_ =	task.clear_ibuf [dreg:s7], $0x6FFFF;
	_ =	strace $0x9000004C  }
0xb3: {  	s29 =	simm.s32 $0x9;
	_ =	strace $0x8000004E  }
0xb4: {  	_ =	swait.ge [sflag:s29], $0x1  }
0xb5: {  	[sflag:s29] =	ssyncadd.s32 $0xFFFFFFFF  }
0xb6: {  	_ =	strace $0x9000004E  }
0xb7: {  	_ =	sfence  }
0xb8: {  	s30 =	sld [smem:$0x0];
	_ =	sdelay $0x2  }
0xb9: {  	s31 =	sshll.u32 s1, $0xD;
	s1 =	sshrl.u32 s1, $0x2  }
0xba: {  	s3 =	sand.u32 $0x4000, s31;
	s1 =	sadd.s32 s1, s30  }
0xbb: {  	s0 =	sor.u32 s3, s0;
	s1 =	sshll.u32 s1, $0x11  }
0xbc: {  	s0 =	sor.u32 s1, s0  }
0xbd: {  	s0 =	sadd.s32 $0x8F2B, s0  }
0xbe: {  	[sflag:s0] =	ssyncadd.remote.s32 $0x1  }
0xbf: {  	_ =	sfence.sel $0xFFFF  }
0xc0: {  	[dreg:$0x0] =	wrdreg $0xFFFFFFFF;
	(pc) =	sbr.abs _section_cstart, $3  }
0xc1: {  	[dreg:$0x1] =	wrdreg $0xFFFFFFFF  }
0xc2: {  	_ =	task.clear_ibuf [dreg:s7], $0x2FFFF;
	_ =	strace $0x9FFFFFFF  }
0xc3: {  	(tm) =	ssettm $0x7FFFFFFF  }
tec
execute0_lowered:
.L_overlay_start_1:
0x0: {  	(tag) =	ssettag $0x1  }
0x1: {  	s1 =	rddreg [dreg:$0x0]  }
0x2: {  	s5 =	rddreg [dreg:$0x1]  }
0x3: {  	s2 =	rddreg [dreg:$0x2]  }
0x4: {  	s0 =	rddreg [dreg:$0x3];
	s4 =	simm.s32 $0x0;
	s3 =	srdreg.scid  }
0x5: {  	s16 =	simm.s32 $0x2800;
	s17 =	simm.s32 $0x3;
	s18 =	simm.s32 $0x80  }
0x6: {  	s19 =	simm.s32 $0x6800;
	s20 =	simm.s32 $0x1;
	s21 =	simm.s32 $0x2  }
0x7: {  	s22 =	simm.s32 $0x2700;
	[smem:$0x7FF] =	sst s4;
	s6 =	sand.u32 $0x1, s3  }
0x8: {  	s23 =	simm.s32 $0x2780;
	s3 =	stileid.u32;
	s7 =	smul.u32 $0x140000, s6  }
0x9: {  	s9 =	sadd.s32 $0xD400, s5;
	s8 =	smul.u32 $0x14000, s3;
	s11 =	sshll.u32 s6, $0x4  }
0xa: {  	s10 =	sadd.s32 $0x3400, s5;
	s25 =	smul.u32 $0x50000, s3;
	s24 =	sor.u32 s3, s11  }
0xb: {  	_ =	strace $0x8000004D;
	s6 =	ssub.s32 $0x2, s6;
	s12 =	smul.u32 $0x2800, s24  }
0xc: {  	s26 =	sshrl.u32 s6, $0x1;
	s7 =	sadd.s32 s8, s7;
	s28 =	smul.u32 $0x500, s24  }
0xd: {  	s14 =	ssub.s32 s6, s26;
	s29 =	sshrl.u32 s25, $0x2;
	s7 =	sshrl.u32 s7, $0x3  }
0xe: {  	s24 =	simm.s32 $0x0;
	s11 =	smax.u32 s14, $0x1;
	s13 =	sadd.s32 s7, s5  }
0xf: {  	s30 =	sshrl.u32 s12, $0x3;
	s5 =	sadd.s32 s29, s2;
	s6 =	sadd.s32 s9, s28  }
0x10: {  	s7 =	sadd.s32 s10, s28;
	s31 =	sadd.s32 $0x280, s30;
	s12 =	sadd.s32 $0x4000, s5  }
0x11: {  	s14 =	sadd.s32 $0xC000, s5;
	s15 =	sadd.s32 $0x10000, s5;
	s8 =	sadd.s32 s9, s31  }
0x12: {  	v0 =	vimm.f32 $0.0e+00;
	s9 =	sadd.s32 s10, s31;
	s10 =	sadd.s32 $0x17400, s13;
	s13 =	sadd.s32 $0x8000, s5  }
.LBB2_1:
0x13: {  	s25 =	sand.u32 $0xFE00, s4  }
0x14: {  	s26 =	sand.u32 $0x70, s4;
	s28 =	sshrl.u32 s25, $0x2  }
0x15: {  	s25 =	simm.s32 $0x40;
	s28 =	sor.u32 s26, s28;
	s26 =	simm.s32 $0x0  }
.LBB2_2:
0x16: {  	p0 =	sne.s32 s25, $0xFFC0  }
0x17: {  	[tilespmem:s28+$0x2800] =	vst v0;
	s26 =	sadd.s32 $0x10, s26;
	s28 =	smov.u32 s25;
	s25 =	sadd.s32 $0x40, s25  }
.Ltmp0:
0x18: {  	(pc) =	sbr.rel @p0 .LBB2_2-.Ltmp0, $4  }
0x19: {  	_ = 	snop  }
0x1a: {  	s28 =	sand.u32 $0xFE00, s28  }
0x1b: {  	s29 =	sand.u32 $0x70, s26;
	s28 =	sshrl.u32 s28, $0x2  }
0x1c: {  	s28 =	sor.u32 s29, s28  }
0x1d: {  	[tilespmem:s28+$0x2800] =	vst v0  }
0x1e: {  	[spmem:s5] =	stream.linear.scatter [tilespmem:s16], [sflag:$0x3], $0x4000, $0x38;
	[tilespmem:$0x1E800] =	vst v63  }
0x1f: {  	_ =	swait.ge [sflag:s17], $0x4000  }
0x20: {  	[sflag:s17] =	ssyncset.done $0x0  }
0x21: {  	[sflag:s17] =	ssyncadd.s32 $0xFFFFC000  }
0x22: {  	[spmem:s12] =	stream.linear.scatter [tilespmem:s16], [sflag:$0x3], $0x4000, $0x38;
	[tilespmem:$0x1E800] =	vst v63  }
0x23: {  	_ =	swait.ge [sflag:s17], $0x4000  }
0x24: {  	[sflag:s17] =	ssyncset.done $0x0  }
0x25: {  	[sflag:s17] =	ssyncadd.s32 $0xFFFFC000  }
0x26: {  	[spmem:s13] =	stream.linear.scatter [tilespmem:s16], [sflag:$0x3], $0x4000, $0x38;
	[tilespmem:$0x1E800] =	vst v63  }
0x27: {  	_ =	swait.ge [sflag:s17], $0x4000  }
0x28: {  	[sflag:s17] =	ssyncset.done $0x0  }
0x29: {  	[sflag:s17] =	ssyncadd.s32 $0xFFFFC000  }
0x2a: {  	[spmem:s14] =	stream.linear.scatter [tilespmem:s16], [sflag:$0x3], $0x4000, $0x38;
	[tilespmem:$0x1E800] =	vst v63  }
0x2b: {  	_ =	swait.ge [sflag:s17], $0x4000  }
0x2c: {  	[sflag:s17] =	ssyncset.done $0x0  }
0x2d: {  	[sflag:s17] =	ssyncadd.s32 $0xFFFFC000  }
0x2e: {  	[spmem:s15] =	stream.linear.scatter [tilespmem:s16], [sflag:$0x3], $0x4000, $0x38;
	[tilespmem:$0x1E800] =	vst v63  }
0x2f: {  	_ =	swait.ge [sflag:s17], $0x4000  }
0x30: {  	[sflag:s17] =	ssyncset.done $0x0  }
0x31: {  	s25 =	simm.s32 $0x0;
	[sflag:s17] =	ssyncadd.s32 $0xFFFFC000  }
0x32: {  	[tilespmem:s25], [sflag:$0x3] =	stream.linear.gather [hbm4b:s6+s25], $0x1400, $0x38;
	[tilespmem:$0x1E800] =	vst v63  }
0x33: {  	_ =	swait.ge [sflag:s17], $0x1400  }
0x34: {  	[sflag:s17] =	ssyncset.done $0x0  }
0x35: {  	s26 =	simm.s32 $0x1400;
	[sflag:s17] =	ssyncadd.s32 $0xFFFFEC00  }
0x36: {  	[tilespmem:s26], [sflag:$0x3] =	stream.linear.gather [hbm4b:s7+s25], $0x1400, $0x38;
	[tilespmem:$0x1E800] =	vst v63  }
0x37: {  	_ =	swait.ge [sflag:s17], $0x1400  }
0x38: {  	[sflag:s17] =	ssyncset.done $0x0  }
0x39: {  	[sflag:s17] =	ssyncadd.s32 $0xFFFFEC00  }
0x3a: {  	[tilespmem:s16], [sflag:$0x1] =	stream.indirect.gather [hbm4b:s1+s18], $0x80, s25, s18, $0xb8;
	[tilespmem:$0x1E800] =	vst v63  }
0x3b: {  	_ = 	snop  }
0x3c: {  	[tilespmem:s19], [sflag:$0x1] =	stream.indirect.gather [hbm4b:s1+s18], $0x80, s18, s18, $0xb8;
	[tilespmem:$0x1E800] =	vst v63  }
0x3d: {  	[bflag:$0x0] =	sbarrier.arrive $0xFFFF  }
0x3e: {  	_ =	swait.ge [sflag:s20], $0x4000  }
0x3f: {  	s25 =	sand.u32 $0x4000, s25;
	[sflag:s20] =	ssyncset.done $0x0  }
0x40: {  	s30 =	sor.u32 $0x2800, s25;
	[sflag:s20] =	ssyncadd.s32 $0xFFFFC000  }
0x41: {  	[spmem:s2] =	stream.indirect.scatter.add.f32 [tilespmem:s30], [sflag:$0x2], $0x80, s26, s18, $0xb8;
	[tilespmem:$0x1E800] =	vst v63  }
0x42: {  	_ =	swait.ge [sflag:s21], $0x4000  }
0x43: {  	s28 =	simm.s32 $0x180;
	s29 =	simm.s32 $0x1480;
	[sflag:s21] =	ssyncset.done $0x0  }
0x44: {  	s25 =	simm.s32 $0x100;
	s26 =	simm.s32 $0x4000;
	[sflag:s21] =	ssyncadd.s32 $0xFFFFC000  }
.LBB2_4:
0x45: {  	[tilespmem:s30], [sflag:$0x1] =	stream.indirect.gather [hbm4b:s1+s18], $0x80, s25, s18, $0xb8;
	[tilespmem:$0x1E800] =	vst v63  }
0x46: {  	s30 =	smov.u32 s26;
	s25 =	smov.u32 s28  }
0x47: {  	p0 =	sne.s32 s26, $0x94000;
	s26 =	sadd.s32 $0x4000, s26;
	_ =	swait.ge [sflag:s20], $0x4000  }
0x48: {  	s30 =	sand.u32 $0x4000, s30;
	[sflag:s20] =	ssyncset.done $0x0  }
.Ltmp1:
0x49: {  	s30 =	sor.u32 $0x2800, s30;
	[sflag:s20] =	ssyncadd.s32 $0xFFFFC000;
	(pc) =	sbr.rel @p0 .LBB2_4-.Ltmp1, $4  }
0x4a: {  	[spmem:s2] =	stream.indirect.scatter.add.f32 [tilespmem:s30], [sflag:$0x2], $0x80, s29, s18, $0xb8;
	[tilespmem:$0x1E800] =	vst v63  }
0x4b: {  	_ =	swait.ge [sflag:s21], $0x4000  }
0x4c: {  	[sflag:s21] =	ssyncset.done $0x0  }
0x4d: {  	s28 =	sadd.s32 $0x80, s28;
	s29 =	sadd.s32 $0x80, s29;
	[sflag:s21] =	ssyncadd.s32 $0xFFFFC000  }
0x4e: {  	[tilespmem:s30], [sflag:$0x1] =	stream.indirect.gather [hbm4b:s1+s18], $0x80, s25, s18, $0xb8;
	[tilespmem:$0x1E800] =	vst v63  }
0x4f: {  	_ =	swait.ge [sflag:s20], $0x4000  }
0x50: {  	[sflag:s20] =	ssyncset.done $0x0  }
0x51: {  	[sflag:s20] =	ssyncadd.s32 $0xFFFFC000  }
0x52: {  	[spmem:s2] =	stream.indirect.scatter.add.f32 [tilespmem:s16], [sflag:$0x3], $0x80, s22, s18, $0xb8;
	[tilespmem:$0x1E800] =	vst v63  }
0x53: {  	_ =	swait.ge [sflag:s17], $0x4000  }
0x54: {  	[sflag:s17] =	ssyncset.done $0x0  }
0x55: {  	[sflag:s17] =	ssyncadd.s32 $0xFFFFC000  }
0x56: {  	_ =	swait.ge [sflag:s20], $0x4000  }
0x57: {  	[sflag:s20] =	ssyncset.done $0x0  }
0x58: {  	[sflag:s20] =	ssyncadd.s32 $0xFFFFC000  }
0x59: {  	[spmem:s2] =	stream.indirect.scatter.add.f32 [tilespmem:s19], [sflag:$0x3], $0x80, s23, s18, $0xb8;
	[tilespmem:$0x1E800] =	vst v63  }
0x5a: {  	_ =	swait.ge [sflag:s17], $0x4000  }
0x5b: {  	[sflag:s17] =	ssyncset.done $0x0  }
0x5c: {  	s31 =	simm.s32 $0x0;
	[sflag:s17] =	ssyncadd.s32 $0xFFFFC000  }
0x5d: {  	[tilespmem:s31], [sflag:$0x3] =	stream.linear.gather [hbm4b:s8+s31], $0x1400, $0x38;
	[tilespmem:$0x1E800] =	vst v63  }
0x5e: {  	_ =	swait.ge [sflag:s17], $0x1400  }
0x5f: {  	[sflag:s17] =	ssyncset.done $0x0  }
0x60: {  	s26 =	simm.s32 $0x1400;
	[sflag:s17] =	ssyncadd.s32 $0xFFFFEC00  }
0x61: {  	[tilespmem:s26], [sflag:$0x3] =	stream.linear.gather [hbm4b:s9+s31], $0x1400, $0x38;
	[tilespmem:$0x1E800] =	vst v63  }
0x62: {  	_ =	swait.ge [sflag:s17], $0x1400  }
0x63: {  	[sflag:s17] =	ssyncset.done $0x0  }
0x64: {  	[sflag:s17] =	ssyncadd.s32 $0xFFFFEC00  }
0x65: {  	[tilespmem:s16], [sflag:$0x1] =	stream.indirect.gather [hbm4b:s1+s18], $0x80, s31, s18, $0xb8;
	[tilespmem:$0x1E800] =	vst v63  }
0x66: {  	_ = 	snop  }
0x67: {  	[tilespmem:s19], [sflag:$0x1] =	stream.indirect.gather [hbm4b:s1+s18], $0x80, s18, s18, $0xb8;
	[tilespmem:$0x1E800] =	vst v63  }
0x68: {  	_ =	swait.ge [sflag:s20], $0x4000  }
0x69: {  	s25 =	sand.u32 $0x4000, s31;
	[sflag:s20] =	ssyncset.done $0x0  }
0x6a: {  	s30 =	sor.u32 $0x2800, s25;
	[sflag:s20] =	ssyncadd.s32 $0xFFFFC000  }
0x6b: {  	[spmem:s2] =	stream.indirect.scatter.add.f32 [tilespmem:s30], [sflag:$0x2], $0x80, s26, s18, $0xb8;
	[tilespmem:$0x1E800] =	vst v63  }
0x6c: {  	_ =	swait.ge [sflag:s21], $0x4000  }
0x6d: {  	s28 =	simm.s32 $0x180;
	s29 =	simm.s32 $0x1480;
	[sflag:s21] =	ssyncset.done $0x0  }
0x6e: {  	s25 =	simm.s32 $0x100;
	s26 =	simm.s32 $0x4000;
	[sflag:s21] =	ssyncadd.s32 $0xFFFFC000  }
.LBB2_6:
0x6f: {  	[tilespmem:s30], [sflag:$0x1] =	stream.indirect.gather [hbm4b:s1+s18], $0x80, s25, s18, $0xb8;
	[tilespmem:$0x1E800] =	vst v63  }
0x70: {  	s30 =	smov.u32 s26;
	s25 =	smov.u32 s28  }
0x71: {  	p0 =	sne.s32 s26, $0x94000;
	s26 =	sadd.s32 $0x4000, s26;
	_ =	swait.ge [sflag:s20], $0x4000  }
0x72: {  	s30 =	sand.u32 $0x4000, s30;
	[sflag:s20] =	ssyncset.done $0x0  }
.Ltmp2:
0x73: {  	s30 =	sor.u32 $0x2800, s30;
	[sflag:s20] =	ssyncadd.s32 $0xFFFFC000;
	(pc) =	sbr.rel @p0 .LBB2_6-.Ltmp2, $4  }
0x74: {  	[spmem:s2] =	stream.indirect.scatter.add.f32 [tilespmem:s30], [sflag:$0x2], $0x80, s29, s18, $0xb8;
	[tilespmem:$0x1E800] =	vst v63  }
0x75: {  	_ =	swait.ge [sflag:s21], $0x4000  }
0x76: {  	[sflag:s21] =	ssyncset.done $0x0  }
0x77: {  	s28 =	sadd.s32 $0x80, s28;
	s29 =	sadd.s32 $0x80, s29;
	[sflag:s21] =	ssyncadd.s32 $0xFFFFC000  }
0x78: {  	[tilespmem:s30], [sflag:$0x1] =	stream.indirect.gather [hbm4b:s1+s18], $0x80, s25, s18, $0xb8;
	[tilespmem:$0x1E800] =	vst v63  }
0x79: {  	_ =	swait.ge [sflag:s20], $0x4000  }
0x7a: {  	[sflag:s20] =	ssyncset.done $0x0  }
0x7b: {  	[sflag:s20] =	ssyncadd.s32 $0xFFFFC000  }
0x7c: {  	[spmem:s2] =	stream.indirect.scatter.add.f32 [tilespmem:s16], [sflag:$0x3], $0x80, s22, s18, $0xb8;
	[tilespmem:$0x1E800] =	vst v63  }
0x7d: {  	_ =	swait.ge [sflag:s17], $0x4000  }
0x7e: {  	[sflag:s17] =	ssyncset.done $0x0  }
0x7f: {  	[sflag:s17] =	ssyncadd.s32 $0xFFFFC000  }
0x80: {  	_ =	swait.ge [sflag:s20], $0x4000  }
0x81: {  	[sflag:s20] =	ssyncset.done $0x0  }
0x82: {  	[sflag:s20] =	ssyncadd.s32 $0xFFFFC000  }
0x83: {  	[spmem:s2] =	stream.indirect.scatter.add.f32 [tilespmem:s19], [sflag:$0x3], $0x80, s23, s18, $0xb8;
	[tilespmem:$0x1E800] =	vst v63  }
0x84: {  	_ =	swait.ge [sflag:s17], $0x4000  }
0x85: {  	s31 =	sshll.u32 s3, $0x6;
	s24 =	sadd.s32 $0x1, s24;
	[sflag:s17] =	ssyncset.done $0x0  }
0x86: {  	s26 =	sshrl.u32 s5, $0x3;
	p0 =	sne.s32 s24, s11;
	[sflag:s17] =	ssyncadd.s32 $0xFFFFC000  }
.Ltmp3:
0x87: {  	s25 =	sor.u32 $0x1C03, s31;
	[bflag:$0x0] =	sbarrier.arrive $0xFFFF;
	(pc) =	sbr.rel @p0 .LBB2_1-.Ltmp3, $4  }
0x88: {  	[hbm:s10], [sflag:s25] =	dma.local [spmem:s26], $0x2800  }
0x89: {  	_ =	swait.ge [sflag:s17], $0x2800  }
0x8a: {  	[sflag:s17] =	ssyncset.done $0x0  }
0x8b: {  	[sflag:s17] =	ssyncadd.s32 $0xFFFFD800  }
0x8c: {  	_ =	sfence.sel $0x180000  }
0x8d: {  	[bflag:$0x0] =	sbarrier.arrive $0xFFFF  }
0x8e: {  	p0 =	sne.s32 s3, $0x0;
	_ =	strace $0x9000004D  }
0x8f: {  	s0 =	sadd.s32 @!p0 $0x100000, s0;
	[bflag:$0x2] =	sbarrier.arrive $0xFFFF  }
0x90: {  	[sflag:s0] =	ssyncadd.tile.s32 @!p0 $0x1;
	_ =	shalt  }
.Lfunc_end2:
_tile_overlayer_lowered:
.L_overlay_start_2:
0x91: {  	(tag) =	ssettag $0x2  }
0x92: {  	s0 =	rddreg [dreg:$0x0];
	s2 =	stileid.u32  }
0x93: {  	s1 =	rddreg [dreg:$0x1];
	p0 =	sne.s32 s2, $0x0  }
0x94: {  	s3 =	rddreg [dreg:$0x2];
	[bflag:$0x3] =	sbarrier.arrive $0xFFFF;
	s2 =	simm.s32 @!p0 $0x1C03  }
0x95: {  	[timem:s3], [sflag:s2] =	dma.local @!p0 [hbm:s0], s1  }
0x96: {  	s0 =	simm.s32 @!p0 $0x3  }
0x97: {  	_ =	swait.ge @!p0 [sflag:s0], s1  }
0x98: {  	s1 =	ssub.s32 @!p0 $0x0, s1;
	[sflag:s0] =	ssyncset.done @!p0 $0x0  }
0x99: {  	[sflag:s0] =	ssyncadd.s32 @!p0 s1  }
0x9a: {  	[bflag:$0x3] =	sbarrier.arrive $0xFFFF  }
0x9b: {  	_ =	shalt  }

// kernel: kernel.9.cloned.1.call-start
scs
__scs_entry_jumppad:
0x0: {  	(pc) =	sbr.rel $0x88, $3  }
0x1: {  	(tag) =	ssettag $0x0;
	lr =	simm.s32 $0x1  }
0x2: {  	[smem:$0x3F97] =	sst lr;
	_ =	strace $0xD0000000  }
0x3: {  	_ = 	snop  }
0x4: {  	_ = 	snop  }
0x5: {  	_ = 	snop  }
0x6: {  	_ = 	snop  }
0x7: {  	_ = 	snop  }
__scs_overlays_trampoline_lowered:
0x8: {  	[smem:$0x3FA6] =	sst s0  }
0x9: {  	[smem:$0x3FA7] =	sst s1  }
0xa: {  	[smem:$0x3FA8] =	sst s2  }
0xb: {  	[smem:$0x3FA9] =	sst s3  }
0xc: {  	[smem:$0x3FAA] =	sst s4  }
0xd: {  	[smem:$0x3FAB] =	sst s5  }
0xe: {  	[smem:$0x3FAC] =	sst s6  }
0xf: {  	[smem:$0x3FAD] =	sst s7  }
0x10: {  	[smem:$0x3FAE] =	sst s8  }
0x11: {  	[smem:$0x3FAF] =	sst s9;
	s0 =	simm.s32 @!p0 $0x0  }
0x12: {  	s1 =	sld [smem:$0x3F95];
	s0 =	simm.s32 @p0 $0x1  }
0x13: {  	[smem:$0x3FB0] =	sst s0;
	s0 =	simm.s32 @!p1 $0x0  }
0x14: {  	s2 =	sld [smem:$0x3F94];
	s0 =	simm.s32 @p1 $0x1  }
0x15: {  	[smem:$0x3FB1] =	sst s0;
	s0 =	simm.s32 @!p2 $0x0  }
0x16: {  	s3 =	sld [smem:$0x3FDB];
	s0 =	simm.s32 @p2 $0x1  }
0x17: {  	s4 =	simm.s32 $0x1BF5;
	[smem:$0x3FB3] =	sst s0  }
0x18: {  	s0 =	sld [smem:$0x3F96];
	_ =	swait.ge [sflag:s4], $0x0  }
0x19: {  	s7 =	sld [smem:$0x3F97]  }
0x1a: {  	s8 =	sadd.s32 $0xFFFFE003, lr  }
0x1b: {  	s9 =	sadd.s32 $0xFFFFFEF7, lr;
	s5 =	simm.s32 $0xFFFFFFFF;
	p2 =	slt.u32 s8, $0xFFFFF086  }
0x1c: {  	p1 =	slt.u32 s9, $0xF7A;
	s5 =	simm.s32 @!p2 $0x0  }
0x1d: {  	s5 =	simm.s32 @p1 $0x1;
	p0 =	seq.s32 s7, s2  }
0x1e: {  	s7 =	smul.u32 @!p0 $0xF7A, s2;
	p2 =	seq.s32 @!p0 s5, $0x0  }
0x1f: {  	s9 =	smul.u32 $0xF7A, s1;
	s8 =	simm.s32 @!p0 $0x1BF5;
	p2 =	por !p2, p0  }
0x20: {  	[sflag:s8] =	ssyncset.s32 @!p0 $0xFFFFF086;
	s6 =	sadd.s32 @!p0 s3, s7;
	s7 =	simm.s32 @!p0 $0x108  }
0x21: {  	s3 =	sadd.s32 s3, s9;
	s6 =	sadd.s32 @!p0 $0x88, s6;
	s7 =	simm.s32 @p2 $0x1082  }
0x22: {  	[simem:s7], [sflag:s8] =	dma.local @!p0 [hbm:s6], $0xF7A  }
0x23: {  	s9 =	sor.u32 $0xD0000000, s2;
	s6 =	simm.s32 $0x108;
	_ =	swait.ge @!p0 [sflag:s8], $0x0  }
0x24: {  	s3 =	sadd.s32 $0x88, s3;
	s6 =	simm.s32 @!p1 $0x1082;
	[sflag:s4] =	ssyncset.s32 $0xFFFFF086  }
0x25: {  	[simem:s6], [sflag:s4] =	dma.local [hbm:s3], $0xF7A  }
0x26: {  	[smem:$0x3F97] =	sst s1;
	(tag) =	ssettag s2;
	_ =	strace s9  }
0x27: {  	s1 =	sld [smem:$0x3FA7]  }
0x28: {  	s2 =	sld [smem:$0x3FA8]  }
0x29: {  	s4 =	sld [smem:$0x3FAA]  }
0x2a: {  	p0 =	seq.s32 s5, $0x0;
	s5 =	sld [smem:$0x3FAB]  }
0x2b: {  	s6 =	sld [smem:$0x3FAC]  }
0x2c: {  	s7 =	sld [smem:$0x3FAD]  }
0x2d: {  	s3 =	simm.s32 $0x108;
	s8 =	sld [smem:$0x3FAE]  }
0x2e: {  	s3 =	simm.s32 @!p0 $0x1082;
	s9 =	sld [smem:$0x3FAF]  }
0x2f: {  	lr =	sadd.s32 s0, s3;
	s0 =	sld [smem:$0x3FA6]  }
0x30: {  	s3 =	sld [smem:$0x3FA9]  }
0x31: {  	[smem:$0x3FB2] =	sst s10  }
0x32: {  	s10 =	sld [smem:$0x3FB0];
	_ =	sdelay $0x3  }
0x33: {  	p0 =	seq.s32 s10, $0x1;
	s10 =	sld [smem:$0x3FB2];
	_ =	sdelay $0x3  }
0x34: {  	[smem:$0x3FB2] =	sst s10  }
0x35: {  	s10 =	sld [smem:$0x3FB1];
	_ =	sdelay $0x3  }
0x36: {  	p1 =	seq.s32 s10, $0x1;
	s10 =	sld [smem:$0x3FB2];
	_ =	sdelay $0x3  }
0x37: {  	[smem:$0x3FB2] =	sst s10  }
0x38: {  	s10 =	sld [smem:$0x3FB3]  }
0x39: {  	_ = 	snop;
	(pc) =	sbr.ind lr, $3  }
0x3a: {  	_ = 	snop  }
0x3b: {  	_ = 	snop  }
0x3c: {  	p2 =	seq.s32 s10, $0x1;
	s10 =	sld [smem:$0x3FB2]  }
0x3d: {  	_ =	shalt  }
0x3e: {  	_ =	shalt  }
0x3f: {  	_ =	shalt  }
0x40: {  	_ =	shalt  }
0x41: {  	_ =	shalt  }
0x42: {  	_ =	shalt  }
0x43: {  	_ =	shalt  }
0x44: {  	_ =	shalt  }
0x45: {  	_ =	shalt  }
0x46: {  	_ =	shalt  }
0x47: {  	_ =	shalt  }
0x48: {  	_ =	shalt  }
0x49: {  	_ =	shalt  }
0x4a: {  	_ =	shalt  }
0x4b: {  	_ =	shalt  }
0x4c: {  	_ =	shalt  }
0x4d: {  	_ =	shalt  }
0x4e: {  	_ =	shalt  }
0x4f: {  	_ =	shalt  }
0x50: {  	_ =	shalt  }
0x51: {  	_ =	shalt  }
0x52: {  	_ =	shalt  }
0x53: {  	_ =	shalt  }
0x54: {  	_ =	shalt  }
0x55: {  	_ =	shalt  }
0x56: {  	_ =	shalt  }
0x57: {  	_ =	shalt  }
0x58: {  	_ =	shalt  }
0x59: {  	_ =	shalt  }
0x5a: {  	_ =	shalt  }
0x5b: {  	_ =	shalt  }
0x5c: {  	_ =	shalt  }
0x5d: {  	_ =	shalt  }
0x5e: {  	_ =	shalt  }
0x5f: {  	_ =	shalt  }
0x60: {  	_ =	shalt  }
0x61: {  	_ =	shalt  }
0x62: {  	_ =	shalt  }
0x63: {  	_ =	shalt  }
0x64: {  	_ =	shalt  }
0x65: {  	_ =	shalt  }
0x66: {  	_ =	shalt  }
0x67: {  	_ =	shalt  }
0x68: {  	_ =	shalt  }
0x69: {  	_ =	shalt  }
0x6a: {  	_ =	shalt  }
0x6b: {  	_ =	shalt  }
0x6c: {  	_ =	shalt  }
0x6d: {  	_ =	shalt  }
0x6e: {  	_ =	shalt  }
0x6f: {  	_ =	shalt  }
0x70: {  	_ =	shalt  }
0x71: {  	_ =	shalt  }
0x72: {  	_ =	shalt  }
0x73: {  	_ =	shalt  }
0x74: {  	_ =	shalt  }
0x75: {  	_ =	shalt  }
0x76: {  	_ =	shalt  }
0x77: {  	_ =	shalt  }
0x78: {  	_ =	shalt  }
0x79: {  	_ =	shalt  }
0x7a: {  	_ =	shalt  }
0x7b: {  	_ =	shalt  }
0x7c: {  	_ =	shalt  }
0x7d: {  	_ =	shalt  }
0x7e: {  	_ =	shalt  }
0x7f: {  	_ =	shalt  }
0x80: {  	_ =	shalt  }
0x81: {  	_ =	shalt  }
0x82: {  	_ =	shalt  }
0x83: {  	_ =	shalt  }
0x84: {  	_ =	shalt  }
0x85: {  	_ =	shalt  }
0x86: {  	_ =	shalt  }
0x87: {  	_ =	shalt  }
.Lfunc_end0:
.L_simem_size_0:
called_computation_lowered:
.L_overlay_start_0:
0x88: {  	s2 =	sld [smem:$0x3FD9]  }
0x89: {  	s3 =	sld [smem:$0x3FFE];
	_ =	sdelay $0x1  }
0x8a: {  	s1 =	srdreg.scid  }
0x8b: {  	s0 =	sand.u32 $0x1, s1  }
0x8c: {  	s16 =	sshll.u32 s0, $0xA;
	s2 =	sadd.s32 s3, s2  }
0x8d: {  	s2 =	sadd.s32 s2, s16  }
0x8e: {  	[smem:$0x3FBE] =	sst s2  }
0x8f: {  	_ = 	snop  }
0x90: {  	(tm) =	ssettm $0x1  }
0x91: {  	s17 =	sld [smem:$0x3FFB];
	_ =	sdelay $0x3  }
0x92: {  	_ =	strace s17  }
0x93: {  	s2 =	sld [smem:$0x3FFC];
	_ =	sdelay $0x3  }
0x94: {  	_ =	strace s2  }
0x95: {  	s2 =	sld [smem:$0x3FFD];
	_ =	sdelay $0x3  }
0x96: {  	_ =	strace s2  }
0x97: {  	_ =	strace $0x8FFFFFFF  }
0x98: {  	s18 =	sld [smem:$0x3FDB];
	_ =	sdelay $0x1  }
0x99: {  	s19 =	simm.s32 $_scs_section_size  }
0x9a: {  	s4 =	simm.s32 $_size__tile_overlayer_lowered;
	s5 =	simm.s32 $_tile_overlayer_lowered  }
0x9b: {  	s22 =	simm.s32 $0x1BFF;
	s21 =	sshll.u32 s5, $0x1;
	s2 =	sadd.s32 s19, s18  }
0x9c: {  	s6 =	simm.s32 $0x0;
	s20 =	sshll.u32 s4, $0x1;
	s4 =	sadd.s32 s21, s2  }
0x9d: {  	[timem:s6], [sflag:s22] =	dma.local [hbm:s4], s20  }
0x9e: {  	_ =	swait.ge [sflag:s22], s20  }
0x9f: {  	s3 =	ssub.s32 $0x0, s20;
	[sflag:s22] =	ssyncset.done $0x0  }
0xa0: {  	[sflag:s22] =	ssyncadd.s32 s3;
	_ =	sdelay $0x1  }
0xa1: {  	s23 =	simm.s32 $0x1B8B  }
0xa2: {  	_ =	swait.ge [sflag:s23], $0x1  }
0xa3: {  	[sflag:s23] =	ssyncset.done $0x0  }
0xa4: {  	s25 =	simm.s32 $0x1B8E;
	s24 =	sld [smem:$0x3FFE];
	[sflag:s23] =	ssyncadd.s32 $0xFFFFFFFF  }
0xa5: {  	s26 =	simm.s32 $execute0_lowered;
	[smem:$0x3FD2] =	sst s25  }
0xa6: {  	s4 =	sshll.u32 s26, $0x1;
	_ =	strace $0x80000046;
	[dreg:$0x1] =	wrdreg $0xFFFFFFFF  }
0xa7: {  	s28 =	simm.s32 $_size_execute0_lowered;
	s2 =	sadd.s32 s2, s4;
	[dreg:$0x0] =	wrdreg $0x0  }
0xa8: {  	s4 =	sshll.u32 s28, $0x1;
	[dreg:$0x2] =	wrdreg s2  }
0xa9: {  	[dreg:$0x3] =	wrdreg s4  }
0xaa: {  	[dreg:$0x4] =	wrdreg $0xC0  }
0xab: {  	_ =	task [dreg:s6], $0x5FFFF  }
0xac: {  	[dreg:$0x1] =	wrdreg $0xFFFFFFFF  }
0xad: {  	[dreg:$0x0] =	wrdreg $0x60  }
0xae: {  	[dreg:$0x2] =	wrdreg s24  }
0xaf: {  	[dreg:$0x3] =	wrdreg $0x90000  }
0xb0: {  	[dreg:$0x4] =	wrdreg $0x9  }
0xb1: {  	_ =	task.clear_ibuf [dreg:s6], $0x5FFFF;
	_ =	strace $0x90000046  }
0xb2: {  	s29 =	simm.s32 $0x9;
	_ =	strace $0x80000048  }
0xb3: {  	_ =	swait.ge [sflag:s29], $0x1  }
0xb4: {  	[sflag:s29] =	ssyncadd.s32 $0xFFFFFFFF  }
0xb5: {  	_ =	strace $0x90000048  }
0xb6: {  	_ =	sfence  }
0xb7: {  	s30 =	sld [smem:$0x0];
	_ =	sdelay $0x2  }
0xb8: {  	s31 =	sshll.u32 s1, $0xD;
	s1 =	sshrl.u32 s1, $0x2  }
0xb9: {  	s3 =	sand.u32 $0x4000, s31;
	s1 =	sadd.s32 s1, s30  }
0xba: {  	s0 =	sor.u32 s3, s0;
	s1 =	sshll.u32 s1, $0x11  }
0xbb: {  	s0 =	sor.u32 s1, s0  }
0xbc: {  	s0 =	sadd.s32 $0x8F2B, s0  }
0xbd: {  	[sflag:s0] =	ssyncadd.remote.s32 $0x1  }
0xbe: {  	_ =	sfence.sel $0xFFFF  }
0xbf: {  	[dreg:$0x0] =	wrdreg $0xFFFFFFFF;
	(pc) =	sbr.abs _section_cstart, $3  }
0xc0: {  	[dreg:$0x1] =	wrdreg $0xFFFFFFFF  }
0xc1: {  	_ =	task.clear_ibuf [dreg:s6], $0x2FFFF;
	_ =	strace $0x9FFFFFFF  }
0xc2: {  	(tm) =	ssettm $0x7FFFFFFF  }
0xc3: {  	_ =	shalt  }
tec
execute0_lowered:
.L_overlay_start_1:
0x0: {  	(tag) =	ssettag $0x1  }
0x1: {  	s4 =	rddreg [dreg:$0x0]  }
0x2: {  	s2 =	rddreg [dreg:$0x1]  }
0x3: {  	s1 =	srdreg.scid;
	s0 =	rddreg [dreg:$0x2]  }
0x4: {  	s3 =	simm.s32 $0x0;
	s15 =	simm.s32 $0x6800;
	s16 =	simm.s32 $0x2  }
0x5: {  	s17 =	simm.s32 $0x1;
	s18 =	simm.s32 $0x80;
	s5 =	sand.u32 $0x1, s1  }
0x6: {  	s19 =	simm.s32 $0x2800;
	s1 =	stileid.u32;
	s7 =	smul.u32 $0x140000, s5  }
0x7: {  	s20 =	simm.s32 $0x0;
	[smem:$0x7FF] =	sst s3;
	s8 =	smul.u32 $0x14000, s1  }
0x8: {  	s6 =	sshll.u32 s5, $0x4;
	s30 =	smul.u32 $0x50000, s1;
	s5 =	ssub.s32 $0x2, s5  }
0x9: {  	_ =	strace $0x80000047;
	s6 =	sor.u32 s1, s6;
	s31 =	sshrl.u32 s5, $0x1  }
0xa: {  	s6 =	smul.u32 $0x500, s6;
	s7 =	sadd.s32 s8, s7;
	s8 =	sshrl.u32 s30, $0x2  }
0xb: {  	s9 =	ssub.s32 s5, s31;
	s7 =	sshrl.u32 s7, $0x3;
	s5 =	sadd.s32 s8, s2  }
0xc: {  	s6 =	sadd.s32 s6, s4;
	s7 =	sadd.s32 s7, s4;
	s8 =	sadd.s32 $0x2800, s5  }
0xd: {  	s10 =	sadd.s32 $0x7800, s5;
	s11 =	sadd.s32 $0xA000, s5;
	s12 =	sadd.s32 $0xC800, s5  }
0xe: {  	s13 =	sadd.s32 $0xF000, s5;
	s14 =	sadd.s32 $0x11800, s5;
	s4 =	sadd.s32 $0x3400, s6  }
0xf: {  	v0 =	vimm.f32 $1.000000000e+00;
	v1 =	vimm.f32 $0.0e+00;
	s6 =	sadd.s32 $0x17400, s7;
	s7 =	smax.u32 s9, $0x1;
	s9 =	sadd.s32 $0x5000, s5  }
.LBB2_1:
0x10: {  	[tilespmem:s3], [sflag:$0x1] =	stream.linear.gather [hbm4b:s4+s3], $0x2800, $0x38;
	[tilespmem:$0x1D000] =	vst v63  }
0x11: {  	s21 =	simm.s32 $0x0;
	s22 =	simm.s32 $0x0  }
.LBB2_2:
0x12: {  	p0 =	sne.s32 s22, $0xFFC0  }
.Ltmp0:
0x13: {  	_ = 	snop;
	(pc) =	sbr.rel @p0 .LBB2_2-.Ltmp0, $4  }
0x14: {  	s23 =	sand.u32 $0xFE00, s22  }
0x15: {  	s24 =	sand.u32 $0x70, s21;
	s23 =	sshrl.u32 s23, $0x2  }
0x16: {  	s23 =	sor.u32 s24, s23  }
0x17: {  	s21 =	sadd.s32 $0x10, s21;
	s22 =	sadd.s32 $0x40, s22;
	[tilespmem:s23+$0x2800] =	vst v0  }
0x18: {  	s21 =	simm.s32 $0x0  }
0x19: {  	s22 =	sand.u32 $0xFE00, s21  }
0x1a: {  	s23 =	sand.u32 $0x70, s21;
	s24 =	sshrl.u32 s22, $0x2  }
0x1b: {  	s22 =	simm.s32 $0x40;
	s23 =	sor.u32 s23, s24  }
.LBB2_4:
0x1c: {  	p0 =	sne.s32 s22, $0x9FC0  }
0x1d: {  	[tilespmem:s23+$0x6800] =	vst v1;
	s21 =	sadd.s32 $0x10, s21;
	s23 =	smov.u32 s22;
	s22 =	sadd.s32 $0x40, s22  }
.Ltmp1:
0x1e: {  	(pc) =	sbr.rel @p0 .LBB2_4-.Ltmp1, $4  }
0x1f: {  	_ = 	snop  }
0x20: {  	s23 =	sand.u32 $0xFE00, s23  }
0x21: {  	s24 =	sand.u32 $0x70, s21;
	s23 =	sshrl.u32 s23, $0x2  }
0x22: {  	s23 =	sor.u32 s24, s23  }
0x23: {  	[tilespmem:s23+$0x6800] =	vst v1  }
0x24: {  	[spmem:s5] =	stream.linear.scatter [tilespmem:s15], [sflag:$0x2], $0x2800, $0x38;
	[tilespmem:$0x1D000] =	vst v63  }
0x25: {  	_ =	swait.ge [sflag:s16], $0x2800  }
0x26: {  	[sflag:s16] =	ssyncset.done $0x0  }
0x27: {  	[sflag:s16] =	ssyncadd.s32 $0xFFFFD800  }
0x28: {  	[spmem:s8] =	stream.linear.scatter [tilespmem:s15], [sflag:$0x2], $0x2800, $0x38;
	[tilespmem:$0x1D000] =	vst v63  }
0x29: {  	_ =	swait.ge [sflag:s16], $0x2800  }
0x2a: {  	[sflag:s16] =	ssyncset.done $0x0  }
0x2b: {  	[sflag:s16] =	ssyncadd.s32 $0xFFFFD800  }
0x2c: {  	[spmem:s9] =	stream.linear.scatter [tilespmem:s15], [sflag:$0x2], $0x2800, $0x38;
	[tilespmem:$0x1D000] =	vst v63  }
0x2d: {  	_ =	swait.ge [sflag:s16], $0x2800  }
0x2e: {  	[sflag:s16] =	ssyncset.done $0x0  }
0x2f: {  	[sflag:s16] =	ssyncadd.s32 $0xFFFFD800  }
0x30: {  	[spmem:s10] =	stream.linear.scatter [tilespmem:s15], [sflag:$0x2], $0x2800, $0x38;
	[tilespmem:$0x1D000] =	vst v63  }
0x31: {  	_ =	swait.ge [sflag:s16], $0x2800  }
0x32: {  	[sflag:s16] =	ssyncset.done $0x0  }
0x33: {  	[sflag:s16] =	ssyncadd.s32 $0xFFFFD800  }
0x34: {  	[spmem:s11] =	stream.linear.scatter [tilespmem:s15], [sflag:$0x2], $0x2800, $0x38;
	[tilespmem:$0x1D000] =	vst v63  }
0x35: {  	_ =	swait.ge [sflag:s16], $0x2800  }
0x36: {  	[sflag:s16] =	ssyncset.done $0x0  }
0x37: {  	[sflag:s16] =	ssyncadd.s32 $0xFFFFD800  }
0x38: {  	[spmem:s12] =	stream.linear.scatter [tilespmem:s15], [sflag:$0x2], $0x2800, $0x38;
	[tilespmem:$0x1D000] =	vst v63  }
0x39: {  	_ =	swait.ge [sflag:s16], $0x2800  }
0x3a: {  	[sflag:s16] =	ssyncset.done $0x0  }
0x3b: {  	[sflag:s16] =	ssyncadd.s32 $0xFFFFD800  }
0x3c: {  	[spmem:s13] =	stream.linear.scatter [tilespmem:s15], [sflag:$0x2], $0x2800, $0x38;
	[tilespmem:$0x1D000] =	vst v63  }
0x3d: {  	_ =	swait.ge [sflag:s16], $0x2800  }
0x3e: {  	[sflag:s16] =	ssyncset.done $0x0  }
0x3f: {  	[sflag:s16] =	ssyncadd.s32 $0xFFFFD800  }
0x40: {  	[spmem:s14] =	stream.linear.scatter [tilespmem:s15], [sflag:$0x2], $0x2800, $0x38;
	[tilespmem:$0x1D000] =	vst v63  }
0x41: {  	_ =	swait.ge [sflag:s16], $0x2800  }
0x42: {  	[sflag:s16] =	ssyncset.done $0x0  }
0x43: {  	[sflag:s16] =	ssyncadd.s32 $0xFFFFD800  }
0x44: {  	_ =	swait.ge [sflag:s17], $0x2800  }
0x45: {  	[sflag:s17] =	ssyncset.done $0x0  }
0x46: {  	[sflag:s17] =	ssyncadd.s32 $0xFFFFD800  }
0x47: {  	s21 =	simm.s32 $0x0;
	[bflag:$0x0] =	sbarrier.arrive $0xFFFF  }
0x48: {  	[spmem:s2] =	stream.indirect.scatter.add.f32 [tilespmem:s19], [sflag:$0x1], $0x80, s21, s18, $0xb8;
	[tilespmem:$0x1D000] =	vst v63  }
0x49: {  	s25 =	simm.s32 $0x80  }
0x4a: {  	[spmem:s2] =	stream.indirect.scatter.add.f32 [tilespmem:s19], [sflag:$0x1], $0x80, s25, s18, $0xb8;
	[tilespmem:$0x1D000] =	vst v63  }
0x4b: {  	s26 =	simm.s32 $0x100  }
0x4c: {  	[spmem:s2] =	stream.indirect.scatter.add.f32 [tilespmem:s19], [sflag:$0x1], $0x80, s26, s18, $0xb8;
	[tilespmem:$0x1D000] =	vst v63  }
0x4d: {  	s28 =	simm.s32 $0x180  }
0x4e: {  	[spmem:s2] =	stream.indirect.scatter.add.f32 [tilespmem:s19], [sflag:$0x1], $0x80, s28, s18, $0xb8;
	[tilespmem:$0x1D000] =	vst v63  }
0x4f: {  	s29 =	simm.s32 $0x200  }
0x50: {  	[spmem:s2] =	stream.indirect.scatter.add.f32 [tilespmem:s19], [sflag:$0x1], $0x80, s29, s18, $0xb8;
	[tilespmem:$0x1D000] =	vst v63  }
0x51: {  	s30 =	simm.s32 $0x280  }
0x52: {  	[spmem:s2] =	stream.indirect.scatter.add.f32 [tilespmem:s19], [sflag:$0x1], $0x80, s30, s18, $0xb8;
	[tilespmem:$0x1D000] =	vst v63  }
0x53: {  	s31 =	simm.s32 $0x300  }
0x54: {  	[spmem:s2] =	stream.indirect.scatter.add.f32 [tilespmem:s19], [sflag:$0x1], $0x80, s31, s18, $0xb8;
	[tilespmem:$0x1D000] =	vst v63  }
0x55: {  	s22 =	simm.s32 $0x380  }
0x56: {  	[spmem:s2] =	stream.indirect.scatter.add.f32 [tilespmem:s19], [sflag:$0x1], $0x80, s22, s18, $0xb8;
	[tilespmem:$0x1D000] =	vst v63  }
0x57: {  	s23 =	simm.s32 $0x400  }
0x58: {  	[spmem:s2] =	stream.indirect.scatter.add.f32 [tilespmem:s19], [sflag:$0x1], $0x80, s23, s18, $0xb8;
	[tilespmem:$0x1D000] =	vst v63  }
0x59: {  	s24 =	simm.s32 $0x480  }
0x5a: {  	[spmem:s2] =	stream.indirect.scatter.add.f32 [tilespmem:s19], [sflag:$0x1], $0x80, s24, s18, $0xb8;
	[tilespmem:$0x1D000] =	vst v63  }
0x5b: {  	s25 =	simm.s32 $0x500  }
0x5c: {  	[spmem:s2] =	stream.indirect.scatter.add.f32 [tilespmem:s19], [sflag:$0x1], $0x80, s25, s18, $0xb8;
	[tilespmem:$0x1D000] =	vst v63  }
0x5d: {  	s26 =	simm.s32 $0x580  }
0x5e: {  	[spmem:s2] =	stream.indirect.scatter.add.f32 [tilespmem:s19], [sflag:$0x1], $0x80, s26, s18, $0xb8;
	[tilespmem:$0x1D000] =	vst v63  }
0x5f: {  	s28 =	simm.s32 $0x600  }
0x60: {  	[spmem:s2] =	stream.indirect.scatter.add.f32 [tilespmem:s19], [sflag:$0x1], $0x80, s28, s18, $0xb8;
	[tilespmem:$0x1D000] =	vst v63  }
0x61: {  	s29 =	simm.s32 $0x680  }
0x62: {  	[spmem:s2] =	stream.indirect.scatter.add.f32 [tilespmem:s19], [sflag:$0x1], $0x80, s29, s18, $0xb8;
	[tilespmem:$0x1D000] =	vst v63  }
0x63: {  	s30 =	simm.s32 $0x700  }
0x64: {  	[spmem:s2] =	stream.indirect.scatter.add.f32 [tilespmem:s19], [sflag:$0x1], $0x80, s30, s18, $0xb8;
	[tilespmem:$0x1D000] =	vst v63  }
0x65: {  	s31 =	simm.s32 $0x780  }
0x66: {  	[spmem:s2] =	stream.indirect.scatter.add.f32 [tilespmem:s19], [sflag:$0x1], $0x80, s31, s18, $0xb8;
	[tilespmem:$0x1D000] =	vst v63  }
0x67: {  	_ =	swait.ge [sflag:s17], $0x4000  }
0x68: {  	[sflag:s17] =	ssyncset.done $0x0  }
0x69: {  	[sflag:s17] =	ssyncadd.s32 $0xFFFFC000  }
0x6a: {  	_ =	swait.ge [sflag:s17], $0x4000  }
0x6b: {  	[sflag:s17] =	ssyncset.done $0x0  }
0x6c: {  	[sflag:s17] =	ssyncadd.s32 $0xFFFFC000  }
0x6d: {  	_ =	swait.ge [sflag:s17], $0x4000  }
0x6e: {  	[sflag:s17] =	ssyncset.done $0x0  }
0x6f: {  	[sflag:s17] =	ssyncadd.s32 $0xFFFFC000  }
0x70: {  	_ =	swait.ge [sflag:s17], $0x4000  }
0x71: {  	[sflag:s17] =	ssyncset.done $0x0  }
0x72: {  	[sflag:s17] =	ssyncadd.s32 $0xFFFFC000  }
0x73: {  	_ =	swait.ge [sflag:s17], $0x4000  }
0x74: {  	[sflag:s17] =	ssyncset.done $0x0  }
0x75: {  	[sflag:s17] =	ssyncadd.s32 $0xFFFFC000  }
0x76: {  	_ =	swait.ge [sflag:s17], $0x4000  }
0x77: {  	[sflag:s17] =	ssyncset.done $0x0  }
0x78: {  	[sflag:s17] =	ssyncadd.s32 $0xFFFFC000  }
0x79: {  	_ =	swait.ge [sflag:s17], $0x4000  }
0x7a: {  	[sflag:s17] =	ssyncset.done $0x0  }
0x7b: {  	[sflag:s17] =	ssyncadd.s32 $0xFFFFC000  }
0x7c: {  	_ =	swait.ge [sflag:s17], $0x4000  }
0x7d: {  	[sflag:s17] =	ssyncset.done $0x0  }
0x7e: {  	[sflag:s17] =	ssyncadd.s32 $0xFFFFC000  }
0x7f: {  	_ =	swait.ge [sflag:s17], $0x4000  }
0x80: {  	[sflag:s17] =	ssyncset.done $0x0  }
0x81: {  	[sflag:s17] =	ssyncadd.s32 $0xFFFFC000  }
0x82: {  	_ =	swait.ge [sflag:s17], $0x4000  }
0x83: {  	[sflag:s17] =	ssyncset.done $0x0  }
0x84: {  	[sflag:s17] =	ssyncadd.s32 $0xFFFFC000  }
0x85: {  	_ =	swait.ge [sflag:s17], $0x4000  }
0x86: {  	[sflag:s17] =	ssyncset.done $0x0  }
0x87: {  	[sflag:s17] =	ssyncadd.s32 $0xFFFFC000  }
0x88: {  	_ =	swait.ge [sflag:s17], $0x4000  }
0x89: {  	[sflag:s17] =	ssyncset.done $0x0  }
0x8a: {  	[sflag:s17] =	ssyncadd.s32 $0xFFFFC000  }
0x8b: {  	_ =	swait.ge [sflag:s17], $0x4000  }
0x8c: {  	[sflag:s17] =	ssyncset.done $0x0  }
0x8d: {  	[sflag:s17] =	ssyncadd.s32 $0xFFFFC000  }
0x8e: {  	_ =	swait.ge [sflag:s17], $0x4000  }
0x8f: {  	[sflag:s17] =	ssyncset.done $0x0  }
0x90: {  	[sflag:s17] =	ssyncadd.s32 $0xFFFFC000  }
0x91: {  	_ =	swait.ge [sflag:s17], $0x4000  }
0x92: {  	[sflag:s17] =	ssyncset.done $0x0  }
0x93: {  	[sflag:s17] =	ssyncadd.s32 $0xFFFFC000  }
0x94: {  	_ =	swait.ge [sflag:s17], $0x4000  }
0x95: {  	s21 =	simm.s32 $0x2000;
	s24 =	simm.s32 $0x4000;
	[sflag:s17] =	ssyncset.done $0x0  }
.LBB2_6:
0x96: {  	s23 =	sshra.s32 s21, $0x2  }
0x97: {  	[sflag:s17] =	ssyncadd.s32 $0xFFFFC000;
	s21 =	smov.u32 s24;
	s22 =	sadd.s32 $0x2000, s24  }
0x98: {  	[spmem:s2] =	stream.indirect.scatter.add.f32 [tilespmem:s19], [sflag:$0x1], $0x80, s23, s18, $0xb8;
	[tilespmem:$0x1D000] =	vst v63  }
0x99: {  	p0 =	sne.s32 s24, $0x8000;
	s24 =	sadd.s32 $0x80, s23  }
0x9a: {  	[spmem:s2] =	stream.indirect.scatter.add.f32 [tilespmem:s19], [sflag:$0x1], $0x80, s24, s18, $0xb8;
	[tilespmem:$0x1D000] =	vst v63  }
0x9b: {  	s24 =	sadd.s32 $0x100, s23  }
0x9c: {  	[spmem:s2] =	stream.indirect.scatter.add.f32 [tilespmem:s19], [sflag:$0x1], $0x80, s24, s18, $0xb8;
	[tilespmem:$0x1D000] =	vst v63  }
0x9d: {  	s24 =	sadd.s32 $0x180, s23  }
0x9e: {  	[spmem:s2] =	stream.indirect.scatter.add.f32 [tilespmem:s19], [sflag:$0x1], $0x80, s24, s18, $0xb8;
	[tilespmem:$0x1D000] =	vst v63  }
0x9f: {  	s24 =	sadd.s32 $0x200, s23  }
0xa0: {  	[spmem:s2] =	stream.indirect.scatter.add.f32 [tilespmem:s19], [sflag:$0x1], $0x80, s24, s18, $0xb8;
	[tilespmem:$0x1D000] =	vst v63  }
0xa1: {  	s24 =	sadd.s32 $0x280, s23  }
0xa2: {  	[spmem:s2] =	stream.indirect.scatter.add.f32 [tilespmem:s19], [sflag:$0x1], $0x80, s24, s18, $0xb8;
	[tilespmem:$0x1D000] =	vst v63  }
0xa3: {  	s24 =	sadd.s32 $0x300, s23  }
0xa4: {  	[spmem:s2] =	stream.indirect.scatter.add.f32 [tilespmem:s19], [sflag:$0x1], $0x80, s24, s18, $0xb8;
	[tilespmem:$0x1D000] =	vst v63  }
0xa5: {  	s24 =	sadd.s32 $0x380, s23  }
0xa6: {  	[spmem:s2] =	stream.indirect.scatter.add.f32 [tilespmem:s19], [sflag:$0x1], $0x80, s24, s18, $0xb8;
	[tilespmem:$0x1D000] =	vst v63  }
0xa7: {  	s24 =	sadd.s32 $0x400, s23  }
0xa8: {  	[spmem:s2] =	stream.indirect.scatter.add.f32 [tilespmem:s19], [sflag:$0x1], $0x80, s24, s18, $0xb8;
	[tilespmem:$0x1D000] =	vst v63  }
0xa9: {  	s24 =	sadd.s32 $0x480, s23  }
0xaa: {  	[spmem:s2] =	stream.indirect.scatter.add.f32 [tilespmem:s19], [sflag:$0x1], $0x80, s24, s18, $0xb8;
	[tilespmem:$0x1D000] =	vst v63  }
0xab: {  	s24 =	sadd.s32 $0x500, s23  }
0xac: {  	[spmem:s2] =	stream.indirect.scatter.add.f32 [tilespmem:s19], [sflag:$0x1], $0x80, s24, s18, $0xb8;
	[tilespmem:$0x1D000] =	vst v63  }
0xad: {  	s24 =	sadd.s32 $0x580, s23  }
0xae: {  	[spmem:s2] =	stream.indirect.scatter.add.f32 [tilespmem:s19], [sflag:$0x1], $0x80, s24, s18, $0xb8;
	[tilespmem:$0x1D000] =	vst v63  }
0xaf: {  	s24 =	sadd.s32 $0x600, s23  }
0xb0: {  	[spmem:s2] =	stream.indirect.scatter.add.f32 [tilespmem:s19], [sflag:$0x1], $0x80, s24, s18, $0xb8;
	[tilespmem:$0x1D000] =	vst v63  }
0xb1: {  	s24 =	sadd.s32 $0x680, s23  }
0xb2: {  	[spmem:s2] =	stream.indirect.scatter.add.f32 [tilespmem:s19], [sflag:$0x1], $0x80, s24, s18, $0xb8;
	[tilespmem:$0x1D000] =	vst v63  }
0xb3: {  	s24 =	sadd.s32 $0x700, s23  }
0xb4: {  	[spmem:s2] =	stream.indirect.scatter.add.f32 [tilespmem:s19], [sflag:$0x1], $0x80, s24, s18, $0xb8;
	[tilespmem:$0x1D000] =	vst v63  }
0xb5: {  	s23 =	sadd.s32 $0x780, s23  }
0xb6: {  	[spmem:s2] =	stream.indirect.scatter.add.f32 [tilespmem:s19], [sflag:$0x1], $0x80, s23, s18, $0xb8;
	[tilespmem:$0x1D000] =	vst v63  }
0xb7: {  	_ =	swait.ge [sflag:s17], $0x4000  }
0xb8: {  	[sflag:s17] =	ssyncset.done $0x0  }
0xb9: {  	[sflag:s17] =	ssyncadd.s32 $0xFFFFC000  }
0xba: {  	_ =	swait.ge [sflag:s17], $0x4000  }
0xbb: {  	[sflag:s17] =	ssyncset.done $0x0  }
0xbc: {  	[sflag:s17] =	ssyncadd.s32 $0xFFFFC000  }
0xbd: {  	_ =	swait.ge [sflag:s17], $0x4000  }
0xbe: {  	[sflag:s17] =	ssyncset.done $0x0  }
0xbf: {  	[sflag:s17] =	ssyncadd.s32 $0xFFFFC000  }
0xc0: {  	_ =	swait.ge [sflag:s17], $0x4000  }
0xc1: {  	[sflag:s17] =	ssyncset.done $0x0  }
0xc2: {  	[sflag:s17] =	ssyncadd.s32 $0xFFFFC000  }
0xc3: {  	_ =	swait.ge [sflag:s17], $0x4000  }
0xc4: {  	[sflag:s17] =	ssyncset.done $0x0  }
0xc5: {  	[sflag:s17] =	ssyncadd.s32 $0xFFFFC000  }
0xc6: {  	_ =	swait.ge [sflag:s17], $0x4000  }
0xc7: {  	[sflag:s17] =	ssyncset.done $0x0  }
0xc8: {  	[sflag:s17] =	ssyncadd.s32 $0xFFFFC000  }
0xc9: {  	_ =	swait.ge [sflag:s17], $0x4000  }
0xca: {  	[sflag:s17] =	ssyncset.done $0x0  }
0xcb: {  	[sflag:s17] =	ssyncadd.s32 $0xFFFFC000  }
0xcc: {  	_ =	swait.ge [sflag:s17], $0x4000  }
0xcd: {  	[sflag:s17] =	ssyncset.done $0x0  }
0xce: {  	[sflag:s17] =	ssyncadd.s32 $0xFFFFC000  }
0xcf: {  	_ =	swait.ge [sflag:s17], $0x4000  }
0xd0: {  	[sflag:s17] =	ssyncset.done $0x0  }
0xd1: {  	[sflag:s17] =	ssyncadd.s32 $0xFFFFC000  }
0xd2: {  	_ =	swait.ge [sflag:s17], $0x4000  }
0xd3: {  	[sflag:s17] =	ssyncset.done $0x0  }
0xd4: {  	[sflag:s17] =	ssyncadd.s32 $0xFFFFC000  }
0xd5: {  	_ =	swait.ge [sflag:s17], $0x4000  }
0xd6: {  	[sflag:s17] =	ssyncset.done $0x0  }
0xd7: {  	[sflag:s17] =	ssyncadd.s32 $0xFFFFC000  }
0xd8: {  	_ =	swait.ge [sflag:s17], $0x4000  }
0xd9: {  	[sflag:s17] =	ssyncset.done $0x0  }
0xda: {  	[sflag:s17] =	ssyncadd.s32 $0xFFFFC000  }
0xdb: {  	_ =	swait.ge [sflag:s17], $0x4000  }
0xdc: {  	[sflag:s17] =	ssyncset.done $0x0  }
0xdd: {  	[sflag:s17] =	ssyncadd.s32 $0xFFFFC000  }
0xde: {  	_ =	swait.ge [sflag:s17], $0x4000  }
0xdf: {  	[sflag:s17] =	ssyncset.done $0x0  }
0xe0: {  	[sflag:s17] =	ssyncadd.s32 $0xFFFFC000  }
.Ltmp2:
0xe1: {  	_ =	swait.ge [sflag:s17], $0x4000;
	(pc) =	sbr.rel @p0 .LBB2_6-.Ltmp2, $4  }
0xe2: {  	[sflag:s17] =	ssyncset.done $0x0  }
0xe3: {  	[sflag:s17] =	ssyncadd.s32 $0xFFFFC000  }
0xe4: {  	_ =	swait.ge [sflag:s17], $0x4000  }
0xe5: {  	s24 =	smov.u32 s22;
	[sflag:s17] =	ssyncset.done $0x0  }
0xe6: {  	s21 =	sshra.s32 s21, $0x2;
	[sflag:s17] =	ssyncadd.s32 $0xFFFFC000  }
0xe7: {  	[spmem:s2] =	stream.indirect.scatter.add.f32 [tilespmem:s19], [sflag:$0x1], $0x80, s21, s18, $0xb8;
	[tilespmem:$0x1D000] =	vst v63  }
0xe8: {  	s22 =	sadd.s32 $0x80, s21  }
0xe9: {  	[spmem:s2] =	stream.indirect.scatter.add.f32 [tilespmem:s19], [sflag:$0x1], $0x80, s22, s18, $0xb8;
	[tilespmem:$0x1D000] =	vst v63  }
0xea: {  	s24 =	sadd.s32 $0x100, s21  }
0xeb: {  	[spmem:s2] =	stream.indirect.scatter.add.f32 [tilespmem:s19], [sflag:$0x1], $0x80, s24, s18, $0xb8;
	[tilespmem:$0x1D000] =	vst v63  }
0xec: {  	s25 =	sadd.s32 $0x180, s21  }
0xed: {  	[spmem:s2] =	stream.indirect.scatter.add.f32 [tilespmem:s19], [sflag:$0x1], $0x80, s25, s18, $0xb8;
	[tilespmem:$0x1D000] =	vst v63  }
0xee: {  	s26 =	sadd.s32 $0x200, s21  }
0xef: {  	[spmem:s2] =	stream.indirect.scatter.add.f32 [tilespmem:s19], [sflag:$0x1], $0x80, s26, s18, $0xb8;
	[tilespmem:$0x1D000] =	vst v63  }
0xf0: {  	s28 =	sadd.s32 $0x280, s21  }
0xf1: {  	[spmem:s2] =	stream.indirect.scatter.add.f32 [tilespmem:s19], [sflag:$0x1], $0x80, s28, s18, $0xb8;
	[tilespmem:$0x1D000] =	vst v63  }
0xf2: {  	s29 =	sadd.s32 $0x300, s21  }
0xf3: {  	[spmem:s2] =	stream.indirect.scatter.add.f32 [tilespmem:s19], [sflag:$0x1], $0x80, s29, s18, $0xb8;
	[tilespmem:$0x1D000] =	vst v63  }
0xf4: {  	s30 =	sadd.s32 $0x380, s21  }
0xf5: {  	[spmem:s2] =	stream.indirect.scatter.add.f32 [tilespmem:s19], [sflag:$0x1], $0x80, s30, s18, $0xb8;
	[tilespmem:$0x1D000] =	vst v63  }
0xf6: {  	s31 =	sadd.s32 $0x400, s21  }
0xf7: {  	[spmem:s2] =	stream.indirect.scatter.add.f32 [tilespmem:s19], [sflag:$0x1], $0x80, s31, s18, $0xb8;
	[tilespmem:$0x1D000] =	vst v63  }
0xf8: {  	s23 =	sadd.s32 $0x480, s21  }
0xf9: {  	[spmem:s2] =	stream.indirect.scatter.add.f32 [tilespmem:s19], [sflag:$0x1], $0x80, s23, s18, $0xb8;
	[tilespmem:$0x1D000] =	vst v63  }
0xfa: {  	s24 =	sadd.s32 $0x500, s21  }
0xfb: {  	[spmem:s2] =	stream.indirect.scatter.add.f32 [tilespmem:s19], [sflag:$0x1], $0x80, s24, s18, $0xb8;
	[tilespmem:$0x1D000] =	vst v63  }
0xfc: {  	s25 =	sadd.s32 $0x580, s21  }
0xfd: {  	[spmem:s2] =	stream.indirect.scatter.add.f32 [tilespmem:s19], [sflag:$0x1], $0x80, s25, s18, $0xb8;
	[tilespmem:$0x1D000] =	vst v63  }
0xfe: {  	s26 =	sadd.s32 $0x600, s21  }
0xff: {  	[spmem:s2] =	stream.indirect.scatter.add.f32 [tilespmem:s19], [sflag:$0x1], $0x80, s26, s18, $0xb8;
	[tilespmem:$0x1D000] =	vst v63  }
0x100: {  	s28 =	sadd.s32 $0x680, s21  }
0x101: {  	[spmem:s2] =	stream.indirect.scatter.add.f32 [tilespmem:s19], [sflag:$0x1], $0x80, s28, s18, $0xb8;
	[tilespmem:$0x1D000] =	vst v63  }
0x102: {  	s29 =	sadd.s32 $0x700, s21  }
0x103: {  	[spmem:s2] =	stream.indirect.scatter.add.f32 [tilespmem:s19], [sflag:$0x1], $0x80, s29, s18, $0xb8;
	[tilespmem:$0x1D000] =	vst v63  }
0x104: {  	s21 =	sadd.s32 $0x780, s21  }
0x105: {  	[spmem:s2] =	stream.indirect.scatter.add.f32 [tilespmem:s19], [sflag:$0x1], $0x80, s21, s18, $0xb8;
	[tilespmem:$0x1D000] =	vst v63  }
0x106: {  	_ =	swait.ge [sflag:s17], $0x4000  }
0x107: {  	[sflag:s17] =	ssyncset.done $0x0  }
0x108: {  	[sflag:s17] =	ssyncadd.s32 $0xFFFFC000  }
0x109: {  	_ =	swait.ge [sflag:s17], $0x4000  }
0x10a: {  	[sflag:s17] =	ssyncset.done $0x0  }
0x10b: {  	[sflag:s17] =	ssyncadd.s32 $0xFFFFC000  }
0x10c: {  	_ =	swait.ge [sflag:s17], $0x4000  }
0x10d: {  	[sflag:s17] =	ssyncset.done $0x0  }
0x10e: {  	[sflag:s17] =	ssyncadd.s32 $0xFFFFC000  }
0x10f: {  	_ =	swait.ge [sflag:s17], $0x4000  }
0x110: {  	[sflag:s17] =	ssyncset.done $0x0  }
0x111: {  	[sflag:s17] =	ssyncadd.s32 $0xFFFFC000  }
0x112: {  	_ =	swait.ge [sflag:s17], $0x4000  }
0x113: {  	[sflag:s17] =	ssyncset.done $0x0  }
0x114: {  	[sflag:s17] =	ssyncadd.s32 $0xFFFFC000  }
0x115: {  	_ =	swait.ge [sflag:s17], $0x4000  }
0x116: {  	[sflag:s17] =	ssyncset.done $0x0  }
0x117: {  	[sflag:s17] =	ssyncadd.s32 $0xFFFFC000  }
0x118: {  	_ =	swait.ge [sflag:s17], $0x4000  }
0x119: {  	[sflag:s17] =	ssyncset.done $0x0  }
0x11a: {  	[sflag:s17] =	ssyncadd.s32 $0xFFFFC000  }
0x11b: {  	_ =	swait.ge [sflag:s17], $0x4000  }
0x11c: {  	[sflag:s17] =	ssyncset.done $0x0  }
0x11d: {  	[sflag:s17] =	ssyncadd.s32 $0xFFFFC000  }
0x11e: {  	_ =	swait.ge [sflag:s17], $0x4000  }
0x11f: {  	[sflag:s17] =	ssyncset.done $0x0  }
0x120: {  	[sflag:s17] =	ssyncadd.s32 $0xFFFFC000  }
0x121: {  	_ =	swait.ge [sflag:s17], $0x4000  }
0x122: {  	[sflag:s17] =	ssyncset.done $0x0  }
0x123: {  	[sflag:s17] =	ssyncadd.s32 $0xFFFFC000  }
0x124: {  	_ =	swait.ge [sflag:s17], $0x4000  }
0x125: {  	[sflag:s17] =	ssyncset.done $0x0  }
0x126: {  	[sflag:s17] =	ssyncadd.s32 $0xFFFFC000  }
0x127: {  	_ =	swait.ge [sflag:s17], $0x4000  }
0x128: {  	[sflag:s17] =	ssyncset.done $0x0  }
0x129: {  	[sflag:s17] =	ssyncadd.s32 $0xFFFFC000  }
0x12a: {  	_ =	swait.ge [sflag:s17], $0x4000  }
0x12b: {  	[sflag:s17] =	ssyncset.done $0x0  }
0x12c: {  	[sflag:s17] =	ssyncadd.s32 $0xFFFFC000  }
0x12d: {  	_ =	swait.ge [sflag:s17], $0x4000  }
0x12e: {  	[sflag:s17] =	ssyncset.done $0x0  }
0x12f: {  	[sflag:s17] =	ssyncadd.s32 $0xFFFFC000  }
0x130: {  	_ =	swait.ge [sflag:s17], $0x4000  }
0x131: {  	[sflag:s17] =	ssyncset.done $0x0  }
0x132: {  	[sflag:s17] =	ssyncadd.s32 $0xFFFFC000  }
0x133: {  	s20 =	sadd.s32 $0x1, s20;
	_ =	swait.ge [sflag:s17], $0x4000  }
0x134: {  	p0 =	sne.s32 s20, s7;
	[sflag:s17] =	ssyncset.done $0x0  }
0x135: {  	s30 =	sshll.u32 s1, $0x6;
	s31 =	sshrl.u32 s5, $0x3;
	[sflag:s17] =	ssyncadd.s32 $0xFFFFC000  }
.Ltmp3:
0x136: {  	s21 =	sor.u32 $0x1C02, s30;
	[bflag:$0x0] =	sbarrier.arrive $0xFFFF;
	(pc) =	sbr.rel @p0 .LBB2_1-.Ltmp3, $4  }
0x137: {  	[hbm:s6], [sflag:s21] =	dma.local [spmem:s31], $0x2800  }
0x138: {  	_ =	swait.ge [sflag:s16], $0x2800  }
0x139: {  	[sflag:s16] =	ssyncset.done $0x0  }
0x13a: {  	[sflag:s16] =	ssyncadd.s32 $0xFFFFD800  }
0x13b: {  	_ =	sfence.sel $0x180000  }
0x13c: {  	[bflag:$0x0] =	sbarrier.arrive $0xFFFF  }
0x13d: {  	p0 =	sne.s32 s1, $0x0;
	_ =	strace $0x90000047  }
0x13e: {  	s0 =	sadd.s32 @!p0 $0x100000, s0;
	[bflag:$0x2] =	sbarrier.arrive $0xFFFF  }
0x13f: {  	[sflag:s0] =	ssyncadd.tile.s32 @!p0 $0x1;
	_ =	shalt  }
.Lfunc_end2:
_tile_overlayer_lowered:
.L_overlay_start_2:
0x140: {  	(tag) =	ssettag $0x2  }
0x141: {  	s0 =	rddreg [dreg:$0x0];
	s2 =	stileid.u32  }
0x142: {  	s1 =	rddreg [dreg:$0x1];
	p0 =	sne.s32 s2, $0x0  }
0x143: {  	s3 =	rddreg [dreg:$0x2];
	[bflag:$0x3] =	sbarrier.arrive $0xFFFF;
	s2 =	simm.s32 @!p0 $0x1C02  }
0x144: {  	[timem:s3], [sflag:s2] =	dma.local @!p0 [hbm:s0], s1  }
0x145: {  	s0 =	simm.s32 @!p0 $0x2  }
0x146: {  	_ =	swait.ge @!p0 [sflag:s0], s1  }
0x147: {  	s1 =	ssub.s32 @!p0 $0x0, s1;
	[sflag:s0] =	ssyncset.done @!p0 $0x0  }
0x148: {  	[sflag:s0] =	ssyncadd.s32 @!p0 s1  }
0x149: {  	[bflag:$0x3] =	sbarrier.arrive $0xFFFF  }
0x14a: {  	_ =	shalt  }

</sc_bundles>
